<compile_context>
chip_gen: v7x
topology: tpu7x:2x2x1
jax: 0.10.2.dev20260603
libtpu: 0.0.44.dev20260713+nightly
codegen_flags: <defaults>
</compile_context>

<pallas_src>
import jax
import jax.numpy as jnp
from jax import lax
from jax.experimental import pallas as pl
from jax.experimental.pallas import tpu as pltpu
from jax.experimental.pallas import tpu_sc as plsc

_EMB = 64
_D2 = 2 * _EMB
_B = 16384
_NC, _NS, _L = 2, 16, 16
_NW = _NC * _NS
_BPW = _B // _NW
_CH = 128
_NCHUNK = _BPW // _CH


def _sc_body(head_hbm, rel_hbm, tail_hbm, ent_hbm, relemb_hbm, out_hbm,
             ht_idx, r_idx, ht_rows, r_rows, out_v, sems):
    wid = lax.axis_index("s") * _NC + lax.axis_index("c")
    base = wid * _BPW
    iota = lax.iota(jnp.int32, 16)
    lane15 = iota == 15
    for ch in range(_NCHUNK):
        off = base + ch * _CH
        pltpu.sync_copy(head_hbm.at[pl.ds(off, _CH)],
                        ht_idx.at[pl.ds(ch * 2 * _CH, _CH)])
        pltpu.sync_copy(tail_hbm.at[pl.ds(off, _CH)],
                        ht_idx.at[pl.ds(ch * 2 * _CH + _CH, _CH)])
    pltpu.sync_copy(rel_hbm.at[pl.ds(base, _BPW)], r_idx)

    def start(ch):
        slot = ch & 1
        return (
            pltpu.async_copy(ent_hbm.at[ht_idx.at[pl.ds(ch * 2 * _CH, 2 * _CH)]],
                             ht_rows.at[slot], sems.at[slot]),
            pltpu.async_copy(relemb_hbm.at[r_idx.at[pl.ds(ch * _CH, _CH)]],
                             r_rows.at[slot], sems.at[slot]),
        )

    pending = start(0)
    for ch in range(_NCHUNK):
        slot = ch & 1
        for c in pending:
            c.wait()
        if ch + 1 < _NCHUNK:
            pending = start(ch + 1)

        @plsc.parallel_loop(0, _CH, unroll=4)
        def _rows(i):
            partial = jnp.zeros((16,), jnp.float32)
            for c in range(_EMB // 16):
                re = pl.ds(c * 16, 16)
                im = pl.ds(_EMB + c * 16, 16)
                hr = ht_rows[slot, i, re]
                hi = ht_rows[slot, i, im]
                rr = r_rows[slot, i, re]
                ri = r_rows[slot, i, im]
                tr = ht_rows[slot, _CH + i, re]
                ti = ht_rows[slot, _CH + i, im]
                a = hr * rr + hi * ri
                b = hr * ri - hi * rr
                partial = partial + (a * tr - b * ti)
            total = plsc.cumsum(partial)
            pos = jnp.full((16,), ch * _CH + i, jnp.int32)
            plsc.store_scatter(out_v, [pos], total, mask=lane15)

    pltpu.sync_copy(out_v, out_hbm.at[pl.ds(base, _BPW)])


@jax.jit
def kernel(head_ids, relation_ids, tail_ids, entity_emb, relation_emb):
    k = pl.kernel(
        _sc_body,
        out_type=jax.ShapeDtypeStruct((_B,), jnp.float32),
        mesh=plsc.VectorSubcoreMesh(core_axis_name="c", subcore_axis_name="s"),
        compiler_params=pltpu.CompilerParams(needs_layout_passes=False),
        scratch_types=[
            pltpu.VMEM((2 * _BPW,), jnp.int32),
            pltpu.VMEM((_BPW,), jnp.int32),
            pltpu.VMEM((2, 2 * _CH, _D2), jnp.float32),
            pltpu.VMEM((2, _CH, _D2), jnp.float32),
            pltpu.VMEM((_BPW,), jnp.float32),
            pltpu.SemaphoreType.DMA((2,)),
        ],
    )
    return k(head_ids, relation_ids, tail_ids, entity_emb, relation_emb)

# --- scband reference (transcript-rebuilt; emitter-appended) ---
"""Pipeline reference for scband-compl-ex-12369505813184 (READ-ONLY COPY).

The authoritative reference and input builder live on the scoring server;
editing this copy changes nothing except your own understanding.
"""

import jax, jax.numpy as jnp
import numpy as np

NUM_ENTITIES = 1000000
NUM_RELATIONS = 1000
EMB_DIM = 64  # complex dim; stored width is 2*EMB_DIM
BATCH = 16384


def setup_inputs(seed: int = 0) -> dict:
    key = jax.random.key(seed)
    k1, k2, k3, k4, k5 = jax.random.split(key, 5)
    head_ids = jax.random.randint(k1, (BATCH,), 0, NUM_ENTITIES, dtype=jnp.int32).astype(jnp.int64) if False else jax.random.randint(k1, (BATCH,), 0, NUM_ENTITIES)
    relation_ids = jax.random.randint(k2, (BATCH,), 0, NUM_RELATIONS)
    tail_ids = jax.random.randint(k3, (BATCH,), 0, NUM_ENTITIES)
    # xavier_uniform-ish init for embedding tables of width 2*EMB_DIM
    fan = NUM_ENTITIES + 2 * EMB_DIM
    bound_e = float(np.sqrt(6.0 / fan))
    entity_emb = jax.random.uniform(k4, (NUM_ENTITIES, 2 * EMB_DIM), minval=-bound_e, maxval=bound_e, dtype=jnp.float32)
    fan_r = NUM_RELATIONS + 2 * EMB_DIM
    bound_r = float(np.sqrt(6.0 / fan_r))
    relation_emb = jax.random.uniform(k5, (NUM_RELATIONS, 2 * EMB_DIM), minval=-bound_r, maxval=bound_r, dtype=jnp.float32)
    return {
        "head_ids": head_ids,
        "relation_ids": relation_ids,
        "tail_ids": tail_ids,
        "entity_emb": entity_emb,
        "relation_emb": relation_emb,
    }


def reference(head_ids, relation_ids, tail_ids, entity_emb, relation_emb):
    # Embedding gathers (SparseCore-friendly)
    h = jnp.take(entity_emb, head_ids, axis=0)      # [B, 2D]
    r = jnp.take(relation_emb, relation_ids, axis=0)  # [B, 2D]
    t = jnp.take(entity_emb, tail_ids, axis=0)      # [B, 2D]
    hr, hi = h[..., :EMB_DIM], h[..., EMB_DIM:]
    rr, ri = r[..., :EMB_DIM], r[..., EMB_DIM:]
    tr, ti = t[..., :EMB_DIM], t[..., EMB_DIM:]
    # score = Re(sum(conj(h) * r * t))
    # conj(h)*r = (hr*rr + hi*ri) + i(hr*ri - hi*rr)
    a = hr * rr + hi * ri
    b = hr * ri - hi * rr
    # (a + ib) * (tr + i ti) -> real part = a*tr - b*ti
    scores = jnp.sum(a * tr - b * ti, axis=-1)
    return scores

if __name__ == "__main__":
    import jax
    _d = setup_inputs()
    print(jax.jit(kernel)(*tuple(_d.values())))

</pallas_src>

<mosaic_0001>
#map = affine_map<(d0, d1) -> (0)>
#map1 = affine_map<(d0, d1) -> (0, 0)>
module attributes {stable_mosaic.version = 14 : i64} {
  func.func @_sc_body(%arg0: i32, %arg1: i32, %arg2: memref<16384xi32, #tpu.memory_space<hbm>>, %arg3: memref<16384xi32, #tpu.memory_space<hbm>>, %arg4: memref<16384xi32, #tpu.memory_space<hbm>>, %arg5: memref<1000000x128xf32, #tpu.memory_space<hbm>>, %arg6: memref<1000x128xf32, #tpu.memory_space<hbm>>, %arg7: memref<16384xf32, #tpu.memory_space<hbm>>, %arg8: memref<1024xi32, #tpu.memory_space<vmem>>, %arg9: memref<512xi32, #tpu.memory_space<vmem>>, %arg10: memref<2x256x128xf32, #tpu.memory_space<vmem>>, %arg11: memref<2x128x128xf32, #tpu.memory_space<vmem>>, %arg12: memref<512xf32, #tpu.memory_space<vmem>>, %arg13: memref<2x!tpu.dma_semaphore, #tpu.memory_space<semaphore_mem>>) attributes {dimension_semantics = [#tpu.dimension_semantics<core_parallel>, #tpu.dimension_semantics<subcore_parallel>], iteration_bounds = array<i64: 2, 16>, scalar_prefetch = 0 : i64, scratch_operands = 6 : i64, tpu.core_type = #tpu.core_type<sc_vector_subcore>, window_params = [{transform_indices = #map}, {transform_indices = #map}, {transform_indices = #map}, {transform_indices = #map1}, {transform_indices = #map1}, {transform_indices = #map}]} {
    %mul3A = arith.constant 2 : i32
    %mul3A_0 = arith.muli %arg1, %mul3A : i32
    %add3A = arith.addi %mul3A_0, %arg0 : i32
    %mul3A_1 = arith.constant 512 : i32
    %mul3A_2 = arith.muli %add3A, %mul3A_1 : i32
    %iota3A = tpu.iota {dimensions = array<i32: 0>} : vector<16xi32>
    %eq3A = arith.constant 15 : i32
    %eq3A_3 = vector.broadcast %eq3A : i32 to vector<16xi32>
    %eq3A_4 = arith.cmpi eq, %iota3A, %eq3A_3 : vector<16xi32>
    %add3A_5 = arith.constant 0 : i32
    %add3A_6 = arith.addi %mul3A_2, %add3A_5 : i32
    "tpu.region"() ({
      %run_scoped3A = tpu.sem_alloc : memref<!tpu.dma_semaphore, #tpu.memory_space<semaphore_mem>>
      %dma_start3A_230 = arith.constant 0 : i32
      %dma_start3A_231 = tpu.memref_slice %arg8[%dma_start3A_230] : memref<1024xi32, #tpu.memory_space<vmem>> -> memref<128xi32, #tpu.memory_space<vmem>>
      %dma_start3A_232 = tpu.memref_slice %arg2[%add3A_6] : memref<16384xi32, #tpu.memory_space<hbm>> -> memref<128xi32, #tpu.memory_space<hbm>>
      %dma_start3A_233 = arith.constant 0 : i32
      %dma_start3A_234 = tpu.memref_slice %arg8[%dma_start3A_233] : memref<1024xi32, #tpu.memory_space<vmem>> -> memref<128xi32, #tpu.memory_space<vmem>>
      %dma_start3A_235 = tpu.memref_slice %arg2[%add3A_6] : memref<16384xi32, #tpu.memory_space<hbm>> -> memref<128xi32, #tpu.memory_space<hbm>>
      tpu.enqueue_dma source(%dma_start3A_235 : memref<128xi32, #tpu.memory_space<hbm>>) target(%dma_start3A_234 : memref<128xi32, #tpu.memory_space<vmem>>) target_semaphore(%run_scoped3A : memref<!tpu.dma_semaphore, #tpu.memory_space<semaphore_mem>>)
      %dma_wait3A_236 = arith.constant 0 : i32
      %dma_wait3A_237 = tpu.memref_slice %arg8[%dma_wait3A_236] : memref<1024xi32, #tpu.memory_space<vmem>> -> memref<128xi32, #tpu.memory_space<vmem>>
      %dma_wait3A_238 = tpu.memref_slice %arg2[%add3A_6] : memref<16384xi32, #tpu.memory_space<hbm>> -> memref<128xi32, #tpu.memory_space<hbm>>
      %dma_wait3A_239 = arith.constant 0 : i32
      %dma_wait3A_240 = tpu.memref_slice %arg8[%dma_wait3A_239] : memref<1024xi32, #tpu.memory_space<vmem>> -> memref<128xi32, #tpu.memory_space<vmem>>
      %dma_wait3A_241 = tpu.memref_slice %arg2[%add3A_6] : memref<16384xi32, #tpu.memory_space<hbm>> -> memref<128xi32, #tpu.memory_space<hbm>>
      tpu.wait_dma2 semaphore(%run_scoped3A : memref<!tpu.dma_semaphore, #tpu.memory_space<semaphore_mem>>) src(%dma_wait3A_241 : memref<128xi32, #tpu.memory_space<hbm>>) dst(%dma_wait3A_240 : memref<128xi32, #tpu.memory_space<vmem>>)
      tpu.yield
    }) : () -> ()
    "tpu.region"() ({
      %run_scoped3A = tpu.sem_alloc : memref<!tpu.dma_semaphore, #tpu.memory_space<semaphore_mem>>
      %dma_start3A_230 = arith.constant 128 : i32
      %dma_start3A_231 = tpu.memref_slice %arg8[%dma_start3A_230] : memref<1024xi32, #tpu.memory_space<vmem>> -> memref<128xi32, #tpu.memory_space<vmem>>
      %dma_start3A_232 = tpu.memref_slice %arg4[%add3A_6] : memref<16384xi32, #tpu.memory_space<hbm>> -> memref<128xi32, #tpu.memory_space<hbm>>
      %dma_start3A_233 = arith.constant 128 : i32
      %dma_start3A_234 = tpu.memref_slice %arg8[%dma_start3A_233] : memref<1024xi32, #tpu.memory_space<vmem>> -> memref<128xi32, #tpu.memory_space<vmem>>
      %dma_start3A_235 = tpu.memref_slice %arg4[%add3A_6] : memref<16384xi32, #tpu.memory_space<hbm>> -> memref<128xi32, #tpu.memory_space<hbm>>
      tpu.enqueue_dma source(%dma_start3A_235 : memref<128xi32, #tpu.memory_space<hbm>>) target(%dma_start3A_234 : memref<128xi32, #tpu.memory_space<vmem>>) target_semaphore(%run_scoped3A : memref<!tpu.dma_semaphore, #tpu.memory_space<semaphore_mem>>)
      %dma_wait3A_236 = arith.constant 128 : i32
      %dma_wait3A_237 = tpu.memref_slice %arg8[%dma_wait3A_236] : memref<1024xi32, #tpu.memory_space<vmem>> -> memref<128xi32, #tpu.memory_space<vmem>>
      %dma_wait3A_238 = tpu.memref_slice %arg4[%add3A_6] : memref<16384xi32, #tpu.memory_space<hbm>> -> memref<128xi32, #tpu.memory_space<hbm>>
      %dma_wait3A_239 = arith.constant 128 : i32
      %dma_wait3A_240 = tpu.memref_slice %arg8[%dma_wait3A_239] : memref<1024xi32, #tpu.memory_space<vmem>> -> memref<128xi32, #tpu.memory_space<vmem>>
      %dma_wait3A_241 = tpu.memref_slice %arg4[%add3A_6] : memref<16384xi32, #tpu.memory_space<hbm>> -> memref<128xi32, #tpu.memory_space<hbm>>
      tpu.wait_dma2 semaphore(%run_scoped3A : memref<!tpu.dma_semaphore, #tpu.memory_space<semaphore_mem>>) src(%dma_wait3A_241 : memref<128xi32, #tpu.memory_space<hbm>>) dst(%dma_wait3A_240 : memref<128xi32, #tpu.memory_space<vmem>>)
      tpu.yield
    }) : () -> ()
    %add3A_7 = arith.constant 128 : i32
    %add3A_8 = arith.addi %mul3A_2, %add3A_7 : i32
    "tpu.region"() ({
      %run_scoped3A = tpu.sem_alloc : memref<!tpu.dma_semaphore, #tpu.memory_space<semaphore_mem>>
      %dma_start3A_230 = arith.constant 256 : i32
      %dma_start3A_231 = tpu.memref_slice %arg8[%dma_start3A_230] : memref<1024xi32, #tpu.memory_space<vmem>> -> memref<128xi32, #tpu.memory_space<vmem>>
      %dma_start3A_232 = tpu.memref_slice %arg2[%add3A_8] : memref<16384xi32, #tpu.memory_space<hbm>> -> memref<128xi32, #tpu.memory_space<hbm>>
      %dma_start3A_233 = arith.constant 256 : i32
      %dma_start3A_234 = tpu.memref_slice %arg8[%dma_start3A_233] : memref<1024xi32, #tpu.memory_space<vmem>> -> memref<128xi32, #tpu.memory_space<vmem>>
      %dma_start3A_235 = tpu.memref_slice %arg2[%add3A_8] : memref<16384xi32, #tpu.memory_space<hbm>> -> memref<128xi32, #tpu.memory_space<hbm>>
      tpu.enqueue_dma source(%dma_start3A_235 : memref<128xi32, #tpu.memory_space<hbm>>) target(%dma_start3A_234 : memref<128xi32, #tpu.memory_space<vmem>>) target_semaphore(%run_scoped3A : memref<!tpu.dma_semaphore, #tpu.memory_space<semaphore_mem>>)
      %dma_wait3A_236 = arith.constant 256 : i32
      %dma_wait3A_237 = tpu.memref_slice %arg8[%dma_wait3A_236] : memref<1024xi32, #tpu.memory_space<vmem>> -> memref<128xi32, #tpu.memory_space<vmem>>
      %dma_wait3A_238 = tpu.memref_slice %arg2[%add3A_8] : memref<16384xi32, #tpu.memory_space<hbm>> -> memref<128xi32, #tpu.memory_space<hbm>>
      %dma_wait3A_239 = arith.constant 256 : i32
      %dma_wait3A_240 = tpu.memref_slice %arg8[%dma_wait3A_239] : memref<1024xi32, #tpu.memory_space<vmem>> -> memref<128xi32, #tpu.memory_space<vmem>>
      %dma_wait3A_241 = tpu.memref_slice %arg2[%add3A_8] : memref<16384xi32, #tpu.memory_space<hbm>> -> memref<128xi32, #tpu.memory_space<hbm>>
      tpu.wait_dma2 semaphore(%run_scoped3A : memref<!tpu.dma_semaphore, #tpu.memory_space<semaphore_mem>>) src(%dma_wait3A_241 : memref<128xi32, #tpu.memory_space<hbm>>) dst(%dma_wait3A_240 : memref<128xi32, #tpu.memory_space<vmem>>)
      tpu.yield
    }) : () -> ()
    "tpu.region"() ({
      %run_scoped3A = tpu.sem_alloc : memref<!tpu.dma_semaphore, #tpu.memory_space<semaphore_mem>>
      %dma_start3A_230 = arith.constant 384 : i32
      %dma_start3A_231 = tpu.memref_slice %arg8[%dma_start3A_230] : memref<1024xi32, #tpu.memory_space<vmem>> -> memref<128xi32, #tpu.memory_space<vmem>>
      %dma_start3A_232 = tpu.memref_slice %arg4[%add3A_8] : memref<16384xi32, #tpu.memory_space<hbm>> -> memref<128xi32, #tpu.memory_space<hbm>>
      %dma_start3A_233 = arith.constant 384 : i32
      %dma_start3A_234 = tpu.memref_slice %arg8[%dma_start3A_233] : memref<1024xi32, #tpu.memory_space<vmem>> -> memref<128xi32, #tpu.memory_space<vmem>>
      %dma_start3A_235 = tpu.memref_slice %arg4[%add3A_8] : memref<16384xi32, #tpu.memory_space<hbm>> -> memref<128xi32, #tpu.memory_space<hbm>>
      tpu.enqueue_dma source(%dma_start3A_235 : memref<128xi32, #tpu.memory_space<hbm>>) target(%dma_start3A_234 : memref<128xi32, #tpu.memory_space<vmem>>) target_semaphore(%run_scoped3A : memref<!tpu.dma_semaphore, #tpu.memory_space<semaphore_mem>>)
      %dma_wait3A_236 = arith.constant 384 : i32
      %dma_wait3A_237 = tpu.memref_slice %arg8[%dma_wait3A_236] : memref<1024xi32, #tpu.memory_space<vmem>> -> memref<128xi32, #tpu.memory_space<vmem>>
      %dma_wait3A_238 = tpu.memref_slice %arg4[%add3A_8] : memref<16384xi32, #tpu.memory_space<hbm>> -> memref<128xi32, #tpu.memory_space<hbm>>
      %dma_wait3A_239 = arith.constant 384 : i32
      %dma_wait3A_240 = tpu.memref_slice %arg8[%dma_wait3A_239] : memref<1024xi32, #tpu.memory_space<vmem>> -> memref<128xi32, #tpu.memory_space<vmem>>
      %dma_wait3A_241 = tpu.memref_slice %arg4[%add3A_8] : memref<16384xi32, #tpu.memory_space<hbm>> -> memref<128xi32, #tpu.memory_space<hbm>>
      tpu.wait_dma2 semaphore(%run_scoped3A : memref<!tpu.dma_semaphore, #tpu.memory_space<semaphore_mem>>) src(%dma_wait3A_241 : memref<128xi32, #tpu.memory_space<hbm>>) dst(%dma_wait3A_240 : memref<128xi32, #tpu.memory_space<vmem>>)
      tpu.yield
    }) : () -> ()
    %add3A_9 = arith.constant 256 : i32
    %add3A_10 = arith.addi %mul3A_2, %add3A_9 : i32
    "tpu.region"() ({
      %run_scoped3A = tpu.sem_alloc : memref<!tpu.dma_semaphore, #tpu.memory_space<semaphore_mem>>
      %dma_start3A_230 = arith.constant 512 : i32
      %dma_start3A_231 = tpu.memref_slice %arg8[%dma_start3A_230] : memref<1024xi32, #tpu.memory_space<vmem>> -> memref<128xi32, #tpu.memory_space<vmem>>
      %dma_start3A_232 = tpu.memref_slice %arg2[%add3A_10] : memref<16384xi32, #tpu.memory_space<hbm>> -> memref<128xi32, #tpu.memory_space<hbm>>
      %dma_start3A_233 = arith.constant 512 : i32
      %dma_start3A_234 = tpu.memref_slice %arg8[%dma_start3A_233] : memref<1024xi32, #tpu.memory_space<vmem>> -> memref<128xi32, #tpu.memory_space<vmem>>
      %dma_start3A_235 = tpu.memref_slice %arg2[%add3A_10] : memref<16384xi32, #tpu.memory_space<hbm>> -> memref<128xi32, #tpu.memory_space<hbm>>
      tpu.enqueue_dma source(%dma_start3A_235 : memref<128xi32, #tpu.memory_space<hbm>>) target(%dma_start3A_234 : memref<128xi32, #tpu.memory_space<vmem>>) target_semaphore(%run_scoped3A : memref<!tpu.dma_semaphore, #tpu.memory_space<semaphore_mem>>)
      %dma_wait3A_236 = arith.constant 512 : i32
      %dma_wait3A_237 = tpu.memref_slice %arg8[%dma_wait3A_236] : memref<1024xi32, #tpu.memory_space<vmem>> -> memref<128xi32, #tpu.memory_space<vmem>>
      %dma_wait3A_238 = tpu.memref_slice %arg2[%add3A_10] : memref<16384xi32, #tpu.memory_space<hbm>> -> memref<128xi32, #tpu.memory_space<hbm>>
      %dma_wait3A_239 = arith.constant 512 : i32
      %dma_wait3A_240 = tpu.memref_slice %arg8[%dma_wait3A_239] : memref<1024xi32, #tpu.memory_space<vmem>> -> memref<128xi32, #tpu.memory_space<vmem>>
      %dma_wait3A_241 = tpu.memref_slice %arg2[%add3A_10] : memref<16384xi32, #tpu.memory_space<hbm>> -> memref<128xi32, #tpu.memory_space<hbm>>
      tpu.wait_dma2 semaphore(%run_scoped3A : memref<!tpu.dma_semaphore, #tpu.memory_space<semaphore_mem>>) src(%dma_wait3A_241 : memref<128xi32, #tpu.memory_space<hbm>>) dst(%dma_wait3A_240 : memref<128xi32, #tpu.memory_space<vmem>>)
      tpu.yield
    }) : () -> ()
    "tpu.region"() ({
      %run_scoped3A = tpu.sem_alloc : memref<!tpu.dma_semaphore, #tpu.memory_space<semaphore_mem>>
      %dma_start3A_230 = arith.constant 640 : i32
      %dma_start3A_231 = tpu.memref_slice %arg8[%dma_start3A_230] : memref<1024xi32, #tpu.memory_space<vmem>> -> memref<128xi32, #tpu.memory_space<vmem>>
      %dma_start3A_232 = tpu.memref_slice %arg4[%add3A_10] : memref<16384xi32, #tpu.memory_space<hbm>> -> memref<128xi32, #tpu.memory_space<hbm>>
      %dma_start3A_233 = arith.constant 640 : i32
      %dma_start3A_234 = tpu.memref_slice %arg8[%dma_start3A_233] : memref<1024xi32, #tpu.memory_space<vmem>> -> memref<128xi32, #tpu.memory_space<vmem>>
      %dma_start3A_235 = tpu.memref_slice %arg4[%add3A_10] : memref<16384xi32, #tpu.memory_space<hbm>> -> memref<128xi32, #tpu.memory_space<hbm>>
      tpu.enqueue_dma source(%dma_start3A_235 : memref<128xi32, #tpu.memory_space<hbm>>) target(%dma_start3A_234 : memref<128xi32, #tpu.memory_space<vmem>>) target_semaphore(%run_scoped3A : memref<!tpu.dma_semaphore, #tpu.memory_space<semaphore_mem>>)
      %dma_wait3A_236 = arith.constant 640 : i32
      %dma_wait3A_237 = tpu.memref_slice %arg8[%dma_wait3A_236] : memref<1024xi32, #tpu.memory_space<vmem>> -> memref<128xi32, #tpu.memory_space<vmem>>
      %dma_wait3A_238 = tpu.memref_slice %arg4[%add3A_10] : memref<16384xi32, #tpu.memory_space<hbm>> -> memref<128xi32, #tpu.memory_space<hbm>>
      %dma_wait3A_239 = arith.constant 640 : i32
      %dma_wait3A_240 = tpu.memref_slice %arg8[%dma_wait3A_239] : memref<1024xi32, #tpu.memory_space<vmem>> -> memref<128xi32, #tpu.memory_space<vmem>>
      %dma_wait3A_241 = tpu.memref_slice %arg4[%add3A_10] : memref<16384xi32, #tpu.memory_space<hbm>> -> memref<128xi32, #tpu.memory_space<hbm>>
      tpu.wait_dma2 semaphore(%run_scoped3A : memref<!tpu.dma_semaphore, #tpu.memory_space<semaphore_mem>>) src(%dma_wait3A_241 : memref<128xi32, #tpu.memory_space<hbm>>) dst(%dma_wait3A_240 : memref<128xi32, #tpu.memory_space<vmem>>)
      tpu.yield
    }) : () -> ()
    %add3A_11 = arith.constant 384 : i32
    %add3A_12 = arith.addi %mul3A_2, %add3A_11 : i32
    "tpu.region"() ({
      %run_scoped3A = tpu.sem_alloc : memref<!tpu.dma_semaphore, #tpu.memory_space<semaphore_mem>>
      %dma_start3A_230 = arith.constant 768 : i32
      %dma_start3A_231 = tpu.memref_slice %arg8[%dma_start3A_230] : memref<1024xi32, #tpu.memory_space<vmem>> -> memref<128xi32, #tpu.memory_space<vmem>>
      %dma_start3A_232 = tpu.memref_slice %arg2[%add3A_12] : memref<16384xi32, #tpu.memory_space<hbm>> -> memref<128xi32, #tpu.memory_space<hbm>>
      %dma_start3A_233 = arith.constant 768 : i32
      %dma_start3A_234 = tpu.memref_slice %arg8[%dma_start3A_233] : memref<1024xi32, #tpu.memory_space<vmem>> -> memref<128xi32, #tpu.memory_space<vmem>>
      %dma_start3A_235 = tpu.memref_slice %arg2[%add3A_12] : memref<16384xi32, #tpu.memory_space<hbm>> -> memref<128xi32, #tpu.memory_space<hbm>>
      tpu.enqueue_dma source(%dma_start3A_235 : memref<128xi32, #tpu.memory_space<hbm>>) target(%dma_start3A_234 : memref<128xi32, #tpu.memory_space<vmem>>) target_semaphore(%run_scoped3A : memref<!tpu.dma_semaphore, #tpu.memory_space<semaphore_mem>>)
      %dma_wait3A_236 = arith.constant 768 : i32
      %dma_wait3A_237 = tpu.memref_slice %arg8[%dma_wait3A_236] : memref<1024xi32, #tpu.memory_space<vmem>> -> memref<128xi32, #tpu.memory_space<vmem>>
      %dma_wait3A_238 = tpu.memref_slice %arg2[%add3A_12] : memref<16384xi32, #tpu.memory_space<hbm>> -> memref<128xi32, #tpu.memory_space<hbm>>
      %dma_wait3A_239 = arith.constant 768 : i32
      %dma_wait3A_240 = tpu.memref_slice %arg8[%dma_wait3A_239] : memref<1024xi32, #tpu.memory_space<vmem>> -> memref<128xi32, #tpu.memory_space<vmem>>
      %dma_wait3A_241 = tpu.memref_slice %arg2[%add3A_12] : memref<16384xi32, #tpu.memory_space<hbm>> -> memref<128xi32, #tpu.memory_space<hbm>>
      tpu.wait_dma2 semaphore(%run_scoped3A : memref<!tpu.dma_semaphore, #tpu.memory_space<semaphore_mem>>) src(%dma_wait3A_241 : memref<128xi32, #tpu.memory_space<hbm>>) dst(%dma_wait3A_240 : memref<128xi32, #tpu.memory_space<vmem>>)
      tpu.yield
    }) : () -> ()
    "tpu.region"() ({
      %run_scoped3A = tpu.sem_alloc : memref<!tpu.dma_semaphore, #tpu.memory_space<semaphore_mem>>
      %dma_start3A_230 = arith.constant 896 : i32
      %dma_start3A_231 = tpu.memref_slice %arg8[%dma_start3A_230] : memref<1024xi32, #tpu.memory_space<vmem>> -> memref<128xi32, #tpu.memory_space<vmem>>
      %dma_start3A_232 = tpu.memref_slice %arg4[%add3A_12] : memref<16384xi32, #tpu.memory_space<hbm>> -> memref<128xi32, #tpu.memory_space<hbm>>
      %dma_start3A_233 = arith.constant 896 : i32
      %dma_start3A_234 = tpu.memref_slice %arg8[%dma_start3A_233] : memref<1024xi32, #tpu.memory_space<vmem>> -> memref<128xi32, #tpu.memory_space<vmem>>
      %dma_start3A_235 = tpu.memref_slice %arg4[%add3A_12] : memref<16384xi32, #tpu.memory_space<hbm>> -> memref<128xi32, #tpu.memory_space<hbm>>
      tpu.enqueue_dma source(%dma_start3A_235 : memref<128xi32, #tpu.memory_space<hbm>>) target(%dma_start3A_234 : memref<128xi32, #tpu.memory_space<vmem>>) target_semaphore(%run_scoped3A : memref<!tpu.dma_semaphore, #tpu.memory_space<semaphore_mem>>)
      %dma_wait3A_236 = arith.constant 896 : i32
      %dma_wait3A_237 = tpu.memref_slice %arg8[%dma_wait3A_236] : memref<1024xi32, #tpu.memory_space<vmem>> -> memref<128xi32, #tpu.memory_space<vmem>>
      %dma_wait3A_238 = tpu.memref_slice %arg4[%add3A_12] : memref<16384xi32, #tpu.memory_space<hbm>> -> memref<128xi32, #tpu.memory_space<hbm>>
      %dma_wait3A_239 = arith.constant 896 : i32
      %dma_wait3A_240 = tpu.memref_slice %arg8[%dma_wait3A_239] : memref<1024xi32, #tpu.memory_space<vmem>> -> memref<128xi32, #tpu.memory_space<vmem>>
      %dma_wait3A_241 = tpu.memref_slice %arg4[%add3A_12] : memref<16384xi32, #tpu.memory_space<hbm>> -> memref<128xi32, #tpu.memory_space<hbm>>
      tpu.wait_dma2 semaphore(%run_scoped3A : memref<!tpu.dma_semaphore, #tpu.memory_space<semaphore_mem>>) src(%dma_wait3A_241 : memref<128xi32, #tpu.memory_space<hbm>>) dst(%dma_wait3A_240 : memref<128xi32, #tpu.memory_space<vmem>>)
      tpu.yield
    }) : () -> ()
    "tpu.region"() ({
      %run_scoped3A = tpu.sem_alloc : memref<!tpu.dma_semaphore, #tpu.memory_space<semaphore_mem>>
      %dma_start3A_230 = tpu.memref_slice %arg3[%mul3A_2] : memref<16384xi32, #tpu.memory_space<hbm>> -> memref<512xi32, #tpu.memory_space<hbm>>
      %dma_start3A_231 = tpu.memref_slice %arg3[%mul3A_2] : memref<16384xi32, #tpu.memory_space<hbm>> -> memref<512xi32, #tpu.memory_space<hbm>>
      tpu.enqueue_dma source(%dma_start3A_231 : memref<512xi32, #tpu.memory_space<hbm>>) target(%arg9 : memref<512xi32, #tpu.memory_space<vmem>>) target_semaphore(%run_scoped3A : memref<!tpu.dma_semaphore, #tpu.memory_space<semaphore_mem>>)
      %dma_wait3A_232 = tpu.memref_slice %arg3[%mul3A_2] : memref<16384xi32, #tpu.memory_space<hbm>> -> memref<512xi32, #tpu.memory_space<hbm>>
      %dma_wait3A_233 = tpu.memref_slice %arg3[%mul3A_2] : memref<16384xi32, #tpu.memory_space<hbm>> -> memref<512xi32, #tpu.memory_space<hbm>>
      tpu.wait_dma2 semaphore(%run_scoped3A : memref<!tpu.dma_semaphore, #tpu.memory_space<semaphore_mem>>) src(%dma_wait3A_233 : memref<512xi32, #tpu.memory_space<hbm>>) dst(%arg9 : memref<512xi32, #tpu.memory_space<vmem>>)
      tpu.yield
    }) : () -> ()
    %dma_start3A = arith.constant 0 : i32
    %dma_start3A_13 = arith.constant 0 : i32
    %dma_start3A_14 = arith.constant 0 : i32
    %dma_start3A_15 = arith.constant 0 : i32
    %dma_start3A_16 = tpu.memref_slice %arg10[%dma_start3A, %dma_start3A_14, %dma_start3A_15] : memref<2x256x128xf32, #tpu.memory_space<vmem>> -> memref<1x256x128xf32, #tpu.memory_space<vmem>>
    %dma_start3A_17 = tpu.memref_squeeze %dma_start3A_16 : memref<1x256x128xf32, #tpu.memory_space<vmem>> -> memref<256x128xf32, #tpu.memory_space<vmem>>
    %dma_start3A_18 = arith.constant 0 : i32
    %dma_start3A_19 = tpu.memref_slice %arg8[%dma_start3A_18] : memref<1024xi32, #tpu.memory_space<vmem>> -> memref<256xi32, #tpu.memory_space<vmem>>
    %dma_start3A_20 = arith.constant 0 : i32
    %dma_start3A_21 = arith.constant 0 : i32
    %dma_start3A_22 = tpu.memref_slice %arg5[%dma_start3A_20, %dma_start3A_21] : memref<1000000x128xf32, #tpu.memory_space<hbm>> -> memref<1000000x128xf32, #tpu.memory_space<hbm>>
    %dma_start3A_23 = tpu.memref_slice %arg13[%dma_start3A_13] : memref<2x!tpu.dma_semaphore, #tpu.memory_space<semaphore_mem>> -> memref<1x!tpu.dma_semaphore, #tpu.memory_space<semaphore_mem>>
    %dma_start3A_24 = tpu.memref_squeeze %dma_start3A_23 : memref<1x!tpu.dma_semaphore, #tpu.memory_space<semaphore_mem>> -> memref<!tpu.dma_semaphore, #tpu.memory_space<semaphore_mem>>
    tpu.enqueue_indirect_dma source(%dma_start3A_22 : memref<1000000x128xf32, #tpu.memory_space<hbm>>) target(%dma_start3A_17 : memref<256x128xf32, #tpu.memory_space<vmem>>) offsets(%dma_start3A_19 : memref<256xi32, #tpu.memory_space<vmem>>) semaphore(%dma_start3A_24 : memref<!tpu.dma_semaphore, #tpu.memory_space<semaphore_mem>>)
    %dma_start3A_25 = arith.constant 0 : i32
    %dma_start3A_26 = arith.constant 0 : i32
    %dma_start3A_27 = arith.constant 0 : i32
    %dma_start3A_28 = arith.constant 0 : i32
    %dma_start3A_29 = tpu.memref_slice %arg11[%dma_start3A_25, %dma_start3A_27, %dma_start3A_28] : memref<2x128x128xf32, #tpu.memory_space<vmem>> -> memref<1x128x128xf32, #tpu.memory_space<vmem>>
    %dma_start3A_30 = tpu.memref_squeeze %dma_start3A_29 : memref<1x128x128xf32, #tpu.memory_space<vmem>> -> memref<128x128xf32, #tpu.memory_space<vmem>>
    %dma_start3A_31 = arith.constant 0 : i32
    %dma_start3A_32 = tpu.memref_slice %arg9[%dma_start3A_31] : memref<512xi32, #tpu.memory_space<vmem>> -> memref<128xi32, #tpu.memory_space<vmem>>
    %dma_start3A_33 = arith.constant 0 : i32
    %dma_start3A_34 = arith.constant 0 : i32
    %dma_start3A_35 = tpu.memref_slice %arg6[%dma_start3A_33, %dma_start3A_34] : memref<1000x128xf32, #tpu.memory_space<hbm>> -> memref<1000x128xf32, #tpu.memory_space<hbm>>
    %dma_start3A_36 = tpu.memref_slice %arg13[%dma_start3A_26] : memref<2x!tpu.dma_semaphore, #tpu.memory_space<semaphore_mem>> -> memref<1x!tpu.dma_semaphore, #tpu.memory_space<semaphore_mem>>
    %dma_start3A_37 = tpu.memref_squeeze %dma_start3A_36 : memref<1x!tpu.dma_semaphore, #tpu.memory_space<semaphore_mem>> -> memref<!tpu.dma_semaphore, #tpu.memory_space<semaphore_mem>>
    tpu.enqueue_indirect_dma source(%dma_start3A_35 : memref<1000x128xf32, #tpu.memory_space<hbm>>) target(%dma_start3A_30 : memref<128x128xf32, #tpu.memory_space<vmem>>) offsets(%dma_start3A_32 : memref<128xi32, #tpu.memory_space<vmem>>) semaphore(%dma_start3A_37 : memref<!tpu.dma_semaphore, #tpu.memory_space<semaphore_mem>>)
    %dma_wait3A = arith.constant 0 : i32
    %dma_wait3A_38 = arith.constant 0 : i32
    %dma_wait3A_39 = arith.constant 0 : i32
    %dma_wait3A_40 = arith.constant 0 : i32
    %dma_wait3A_41 = tpu.memref_slice %arg10[%dma_wait3A, %dma_wait3A_39, %dma_wait3A_40] : memref<2x256x128xf32, #tpu.memory_space<vmem>> -> memref<1x256x128xf32, #tpu.memory_space<vmem>>
    %dma_wait3A_42 = tpu.memref_squeeze %dma_wait3A_41 : memref<1x256x128xf32, #tpu.memory_space<vmem>> -> memref<256x128xf32, #tpu.memory_space<vmem>>
    %dma_wait3A_43 = arith.constant 0 : i32
    %dma_wait3A_44 = tpu.memref_slice %arg8[%dma_wait3A_43] : memref<1024xi32, #tpu.memory_space<vmem>> -> memref<256xi32, #tpu.memory_space<vmem>>
    %dma_wait3A_45 = arith.constant 0 : i32
    %dma_wait3A_46 = arith.constant 0 : i32
    %dma_wait3A_47 = tpu.memref_slice %arg5[%dma_wait3A_45, %dma_wait3A_46] : memref<1000000x128xf32, #tpu.memory_space<hbm>> -> memref<1000000x128xf32, #tpu.memory_space<hbm>>
    %dma_wait3A_48 = tpu.memref_slice %arg13[%dma_wait3A_38] : memref<2x!tpu.dma_semaphore, #tpu.memory_space<semaphore_mem>> -> memref<1x!tpu.dma_semaphore, #tpu.memory_space<semaphore_mem>>
    %dma_wait3A_49 = tpu.memref_squeeze %dma_wait3A_48 : memref<1x!tpu.dma_semaphore, #tpu.memory_space<semaphore_mem>> -> memref<!tpu.dma_semaphore, #tpu.memory_space<semaphore_mem>>
    tpu.wait_indirect_dma semaphore(%dma_wait3A_49 : memref<!tpu.dma_semaphore, #tpu.memory_space<semaphore_mem>>) src(%dma_wait3A_47 : memref<1000000x128xf32, #tpu.memory_space<hbm>>) dst(%dma_wait3A_42 : memref<256x128xf32, #tpu.memory_space<vmem>>)
    %dma_wait3A_50 = arith.constant 0 : i32
    %dma_wait3A_51 = arith.constant 0 : i32
    %dma_wait3A_52 = arith.constant 0 : i32
    %dma_wait3A_53 = arith.constant 0 : i32
    %dma_wait3A_54 = tpu.memref_slice %arg11[%dma_wait3A_50, %dma_wait3A_52, %dma_wait3A_53] : memref<2x128x128xf32, #tpu.memory_space<vmem>> -> memref<1x128x128xf32, #tpu.memory_space<vmem>>
    %dma_wait3A_55 = tpu.memref_squeeze %dma_wait3A_54 : memref<1x128x128xf32, #tpu.memory_space<vmem>> -> memref<128x128xf32, #tpu.memory_space<vmem>>
    %dma_wait3A_56 = arith.constant 0 : i32
    %dma_wait3A_57 = tpu.memref_slice %arg9[%dma_wait3A_56] : memref<512xi32, #tpu.memory_space<vmem>> -> memref<128xi32, #tpu.memory_space<vmem>>
    %dma_wait3A_58 = arith.constant 0 : i32
    %dma_wait3A_59 = arith.constant 0 : i32
    %dma_wait3A_60 = tpu.memref_slice %arg6[%dma_wait3A_58, %dma_wait3A_59] : memref<1000x128xf32, #tpu.memory_space<hbm>> -> memref<1000x128xf32, #tpu.memory_space<hbm>>
    %dma_wait3A_61 = tpu.memref_slice %arg13[%dma_wait3A_51] : memref<2x!tpu.dma_semaphore, #tpu.memory_space<semaphore_mem>> -> memref<1x!tpu.dma_semaphore, #tpu.memory_space<semaphore_mem>>
    %dma_wait3A_62 = tpu.memref_squeeze %dma_wait3A_61 : memref<1x!tpu.dma_semaphore, #tpu.memory_space<semaphore_mem>> -> memref<!tpu.dma_semaphore, #tpu.memory_space<semaphore_mem>>
    tpu.wait_indirect_dma semaphore(%dma_wait3A_62 : memref<!tpu.dma_semaphore, #tpu.memory_space<semaphore_mem>>) src(%dma_wait3A_60 : memref<1000x128xf32, #tpu.memory_space<hbm>>) dst(%dma_wait3A_55 : memref<128x128xf32, #tpu.memory_space<vmem>>)
    %dma_start3A_63 = arith.constant 1 : i32
    %dma_start3A_64 = arith.constant 1 : i32
    %dma_start3A_65 = arith.constant 0 : i32
    %dma_start3A_66 = arith.constant 0 : i32
    %dma_start3A_67 = tpu.memref_slice %arg10[%dma_start3A_63, %dma_start3A_65, %dma_start3A_66] : memref<2x256x128xf32, #tpu.memory_space<vmem>> -> memref<1x256x128xf32, #tpu.memory_space<vmem>>
    %dma_start3A_68 = tpu.memref_squeeze %dma_start3A_67 : memref<1x256x128xf32, #tpu.memory_space<vmem>> -> memref<256x128xf32, #tpu.memory_space<vmem>>
    %dma_start3A_69 = arith.constant 256 : i32
    %dma_start3A_70 = tpu.memref_slice %arg8[%dma_start3A_69] : memref<1024xi32, #tpu.memory_space<vmem>> -> memref<256xi32, #tpu.memory_space<vmem>>
    %dma_start3A_71 = arith.constant 0 : i32
    %dma_start3A_72 = arith.constant 0 : i32
    %dma_start3A_73 = tpu.memref_slice %arg5[%dma_start3A_71, %dma_start3A_72] : memref<1000000x128xf32, #tpu.memory_space<hbm>> -> memref<1000000x128xf32, #tpu.memory_space<hbm>>
    %dma_start3A_74 = tpu.memref_slice %arg13[%dma_start3A_64] : memref<2x!tpu.dma_semaphore, #tpu.memory_space<semaphore_mem>> -> memref<1x!tpu.dma_semaphore, #tpu.memory_space<semaphore_mem>>
    %dma_start3A_75 = tpu.memref_squeeze %dma_start3A_74 : memref<1x!tpu.dma_semaphore, #tpu.memory_space<semaphore_mem>> -> memref<!tpu.dma_semaphore, #tpu.memory_space<semaphore_mem>>
    tpu.enqueue_indirect_dma source(%dma_start3A_73 : memref<1000000x128xf32, #tpu.memory_space<hbm>>) target(%dma_start3A_68 : memref<256x128xf32, #tpu.memory_space<vmem>>) offsets(%dma_start3A_70 : memref<256xi32, #tpu.memory_space<vmem>>) semaphore(%dma_start3A_75 : memref<!tpu.dma_semaphore, #tpu.memory_space<semaphore_mem>>)
    %dma_start3A_76 = arith.constant 1 : i32
    %dma_start3A_77 = arith.constant 1 : i32
    %dma_start3A_78 = arith.constant 0 : i32
    %dma_start3A_79 = arith.constant 0 : i32
    %dma_start3A_80 = tpu.memref_slice %arg11[%dma_start3A_76, %dma_start3A_78, %dma_start3A_79] : memref<2x128x128xf32, #tpu.memory_space<vmem>> -> memref<1x128x128xf32, #tpu.memory_space<vmem>>
    %dma_start3A_81 = tpu.memref_squeeze %dma_start3A_80 : memref<1x128x128xf32, #tpu.memory_space<vmem>> -> memref<128x128xf32, #tpu.memory_space<vmem>>
    %dma_start3A_82 = arith.constant 128 : i32
    %dma_start3A_83 = tpu.memref_slice %arg9[%dma_start3A_82] : memref<512xi32, #tpu.memory_space<vmem>> -> memref<128xi32, #tpu.memory_space<vmem>>
    %dma_start3A_84 = arith.constant 0 : i32
    %dma_start3A_85 = arith.constant 0 : i32
    %dma_start3A_86 = tpu.memref_slice %arg6[%dma_start3A_84, %dma_start3A_85] : memref<1000x128xf32, #tpu.memory_space<hbm>> -> memref<1000x128xf32, #tpu.memory_space<hbm>>
    %dma_start3A_87 = tpu.memref_slice %arg13[%dma_start3A_77] : memref<2x!tpu.dma_semaphore, #tpu.memory_space<semaphore_mem>> -> memref<1x!tpu.dma_semaphore, #tpu.memory_space<semaphore_mem>>
    %dma_start3A_88 = tpu.memref_squeeze %dma_start3A_87 : memref<1x!tpu.dma_semaphore, #tpu.memory_space<semaphore_mem>> -> memref<!tpu.dma_semaphore, #tpu.memory_space<semaphore_mem>>
    tpu.enqueue_indirect_dma source(%dma_start3A_86 : memref<1000x128xf32, #tpu.memory_space<hbm>>) target(%dma_start3A_81 : memref<128x128xf32, #tpu.memory_space<vmem>>) offsets(%dma_start3A_83 : memref<128xi32, #tpu.memory_space<vmem>>) semaphore(%dma_start3A_88 : memref<!tpu.dma_semaphore, #tpu.memory_space<semaphore_mem>>)
    %parallel_loop3A = arith.constant 0 : i32
    %parallel_loop3A_89 = arith.constant 128 : i32
    %parallel_loop3A_90 = arith.constant 1 : i32
    scf.for %parallel_loop3A_230 = %parallel_loop3A to %parallel_loop3A_89 step %parallel_loop3A_90  : i32 {
      %parallel_loop3A_231 = arith.constant 0.000000e+00 : f32
      %parallel_loop3A_232 = vector.broadcast %parallel_loop3A_231 : f32 to vector<16xf32>
      %parallel_loop3A_233 = arith.constant 0 : i32
      %parallel_loop3A_234 = arith.index_cast %parallel_loop3A_233 : i32 to index
      %parallel_loop3A_235 = arith.index_cast %parallel_loop3A_230 : i32 to index
      %parallel_loop3A_236 = arith.constant 0 : index
      %parallel_loop3A_237 = tpu.vector_load %arg10[%parallel_loop3A_234, %parallel_loop3A_235, %parallel_loop3A_236] {strides = array<i32>} : memref<2x256x128xf32, #tpu.memory_space<vmem>>, vector<16xf32>,
      %parallel_loop3A_238 = arith.constant 0 : i32
      %parallel_loop3A_239 = arith.index_cast %parallel_loop3A_238 : i32 to index
      %parallel_loop3A_240 = arith.index_cast %parallel_loop3A_230 : i32 to index
      %parallel_loop3A_241 = arith.constant 64 : index
      %parallel_loop3A_242 = tpu.vector_load %arg10[%parallel_loop3A_239, %parallel_loop3A_240, %parallel_loop3A_241] {strides = array<i32>} : memref<2x256x128xf32, #tpu.memory_space<vmem>>, vector<16xf32>,
      %parallel_loop3A_243 = arith.constant 0 : i32
      %parallel_loop3A_244 = arith.index_cast %parallel_loop3A_243 : i32 to index
      %parallel_loop3A_245 = arith.index_cast %parallel_loop3A_230 : i32 to index
      %parallel_loop3A_246 = arith.constant 0 : index
      %parallel_loop3A_247 = tpu.vector_load %arg11[%parallel_loop3A_244, %parallel_loop3A_245, %parallel_loop3A_246] {strides = array<i32>} : memref<2x128x128xf32, #tpu.memory_space<vmem>>, vector<16xf32>,
      %parallel_loop3A_248 = arith.constant 0 : i32
      %parallel_loop3A_249 = arith.index_cast %parallel_loop3A_248 : i32 to index
      %parallel_loop3A_250 = arith.index_cast %parallel_loop3A_230 : i32 to index
      %parallel_loop3A_251 = arith.constant 64 : index
      %parallel_loop3A_252 = tpu.vector_load %arg11[%parallel_loop3A_249, %parallel_loop3A_250, %parallel_loop3A_251] {strides = array<i32>} : memref<2x128x128xf32, #tpu.memory_space<vmem>>, vector<16xf32>,
      %parallel_loop3A_253 = arith.constant 128 : i32
      %parallel_loop3A_254 = arith.addi %parallel_loop3A_253, %parallel_loop3A_230 : i32
      %parallel_loop3A_255 = arith.constant 0 : i32
      %parallel_loop3A_256 = arith.index_cast %parallel_loop3A_255 : i32 to index
      %parallel_loop3A_257 = arith.index_cast %parallel_loop3A_254 : i32 to index
      %parallel_loop3A_258 = arith.constant 0 : index
      %parallel_loop3A_259 = tpu.vector_load %arg10[%parallel_loop3A_256, %parallel_loop3A_257, %parallel_loop3A_258] {strides = array<i32>} : memref<2x256x128xf32, #tpu.memory_space<vmem>>, vector<16xf32>,
      %parallel_loop3A_260 = arith.constant 128 : i32
      %parallel_loop3A_261 = arith.addi %parallel_loop3A_260, %parallel_loop3A_230 : i32
      %parallel_loop3A_262 = arith.constant 0 : i32
      %parallel_loop3A_263 = arith.index_cast %parallel_loop3A_262 : i32 to index
      %parallel_loop3A_264 = arith.index_cast %parallel_loop3A_261 : i32 to index
      %parallel_loop3A_265 = arith.constant 64 : index
      %parallel_loop3A_266 = tpu.vector_load %arg10[%parallel_loop3A_263, %parallel_loop3A_264, %parallel_loop3A_265] {strides = array<i32>} : memref<2x256x128xf32, #tpu.memory_space<vmem>>, vector<16xf32>,
      %parallel_loop3A_267 = arith.mulf %parallel_loop3A_237, %parallel_loop3A_247 : vector<16xf32>
      %parallel_loop3A_268 = arith.mulf %parallel_loop3A_242, %parallel_loop3A_252 : vector<16xf32>
      %parallel_loop3A_269 = arith.addf %parallel_loop3A_267, %parallel_loop3A_268 : vector<16xf32>
      %parallel_loop3A_270 = arith.mulf %parallel_loop3A_237, %parallel_loop3A_252 : vector<16xf32>
      %parallel_loop3A_271 = arith.mulf %parallel_loop3A_242, %parallel_loop3A_247 : vector<16xf32>
      %parallel_loop3A_272 = arith.subf %parallel_loop3A_270, %parallel_loop3A_271 : vector<16xf32>
      %parallel_loop3A_273 = arith.mulf %parallel_loop3A_269, %parallel_loop3A_259 : vector<16xf32>
      %parallel_loop3A_274 = arith.mulf %parallel_loop3A_272, %parallel_loop3A_266 : vector<16xf32>
      %parallel_loop3A_275 = arith.subf %parallel_loop3A_273, %parallel_loop3A_274 : vector<16xf32>
      %parallel_loop3A_276 = arith.addf %parallel_loop3A_232, %parallel_loop3A_275 : vector<16xf32>
      %parallel_loop3A_277 = arith.constant 0 : i32
      %parallel_loop3A_278 = arith.index_cast %parallel_loop3A_277 : i32 to index
      %parallel_loop3A_279 = arith.index_cast %parallel_loop3A_230 : i32 to index
      %parallel_loop3A_280 = arith.constant 16 : index
      %parallel_loop3A_281 = tpu.vector_load %arg10[%parallel_loop3A_278, %parallel_loop3A_279, %parallel_loop3A_280] {strides = array<i32>} : memref<2x256x128xf32, #tpu.memory_space<vmem>>, vector<16xf32>,
      %parallel_loop3A_282 = arith.constant 0 : i32
      %parallel_loop3A_283 = arith.index_cast %parallel_loop3A_282 : i32 to index
      %parallel_loop3A_284 = arith.index_cast %parallel_loop3A_230 : i32 to index
      %parallel_loop3A_285 = arith.constant 80 : index
      %parallel_loop3A_286 = tpu.vector_load %arg10[%parallel_loop3A_283, %parallel_loop3A_284, %parallel_loop3A_285] {strides = array<i32>} : memref<2x256x128xf32, #tpu.memory_space<vmem>>, vector<16xf32>,
      %parallel_loop3A_287 = arith.constant 0 : i32
      %parallel_loop3A_288 = arith.index_cast %parallel_loop3A_287 : i32 to index
      %parallel_loop3A_289 = arith.index_cast %parallel_loop3A_230 : i32 to index
      %parallel_loop3A_290 = arith.constant 16 : index
      %parallel_loop3A_291 = tpu.vector_load %arg11[%parallel_loop3A_288, %parallel_loop3A_289, %parallel_loop3A_290] {strides = array<i32>} : memref<2x128x128xf32, #tpu.memory_space<vmem>>, vector<16xf32>,
      %parallel_loop3A_292 = arith.constant 0 : i32
      %parallel_loop3A_293 = arith.index_cast %parallel_loop3A_292 : i32 to index
      %parallel_loop3A_294 = arith.index_cast %parallel_loop3A_230 : i32 to index
      %parallel_loop3A_295 = arith.constant 80 : index
      %parallel_loop3A_296 = tpu.vector_load %arg11[%parallel_loop3A_293, %parallel_loop3A_294, %parallel_loop3A_295] {strides = array<i32>} : memref<2x128x128xf32, #tpu.memory_space<vmem>>, vector<16xf32>,
      %parallel_loop3A_297 = arith.constant 128 : i32
      %parallel_loop3A_298 = arith.addi %parallel_loop3A_297, %parallel_loop3A_230 : i32
      %parallel_loop3A_299 = arith.constant 0 : i32
      %parallel_loop3A_300 = arith.index_cast %parallel_loop3A_299 : i32 to index
      %parallel_loop3A_301 = arith.index_cast %parallel_loop3A_298 : i32 to index
      %parallel_loop3A_302 = arith.constant 16 : index
      %parallel_loop3A_303 = tpu.vector_load %arg10[%parallel_loop3A_300, %parallel_loop3A_301, %parallel_loop3A_302] {strides = array<i32>} : memref<2x256x128xf32, #tpu.memory_space<vmem>>, vector<16xf32>,
      %parallel_loop3A_304 = arith.constant 128 : i32
      %parallel_loop3A_305 = arith.addi %parallel_loop3A_304, %parallel_loop3A_230 : i32
      %parallel_loop3A_306 = arith.constant 0 : i32
      %parallel_loop3A_307 = arith.index_cast %parallel_loop3A_306 : i32 to index
      %parallel_loop3A_308 = arith.index_cast %parallel_loop3A_305 : i32 to index
      %parallel_loop3A_309 = arith.constant 80 : index
      %parallel_loop3A_310 = tpu.vector_load %arg10[%parallel_loop3A_307, %parallel_loop3A_308, %parallel_loop3A_309] {strides = array<i32>} : memref<2x256x128xf32, #tpu.memory_space<vmem>>, vector<16xf32>,
      %parallel_loop3A_311 = arith.mulf %parallel_loop3A_281, %parallel_loop3A_291 : vector<16xf32>
      %parallel_loop3A_312 = arith.mulf %parallel_loop3A_286, %parallel_loop3A_296 : vector<16xf32>
      %parallel_loop3A_313 = arith.addf %parallel_loop3A_311, %parallel_loop3A_312 : vector<16xf32>
      %parallel_loop3A_314 = arith.mulf %parallel_loop3A_281, %parallel_loop3A_296 : vector<16xf32>
      %parallel_loop3A_315 = arith.mulf %parallel_loop3A_286, %parallel_loop3A_291 : vector<16xf32>
      %parallel_loop3A_316 = arith.subf %parallel_loop3A_314, %parallel_loop3A_315 : vector<16xf32>
      %parallel_loop3A_317 = arith.mulf %parallel_loop3A_313, %parallel_loop3A_303 : vector<16xf32>
      %parallel_loop3A_318 = arith.mulf %parallel_loop3A_316, %parallel_loop3A_310 : vector<16xf32>
      %parallel_loop3A_319 = arith.subf %parallel_loop3A_317, %parallel_loop3A_318 : vector<16xf32>
      %parallel_loop3A_320 = arith.addf %parallel_loop3A_276, %parallel_loop3A_319 : vector<16xf32>
      %parallel_loop3A_321 = arith.constant 0 : i32
      %parallel_loop3A_322 = arith.index_cast %parallel_loop3A_321 : i32 to index
      %parallel_loop3A_323 = arith.index_cast %parallel_loop3A_230 : i32 to index
      %parallel_loop3A_324 = arith.constant 32 : index
      %parallel_loop3A_325 = tpu.vector_load %arg10[%parallel_loop3A_322, %parallel_loop3A_323, %parallel_loop3A_324] {strides = array<i32>} : memref<2x256x128xf32, #tpu.memory_space<vmem>>, vector<16xf32>,
      %parallel_loop3A_326 = arith.constant 0 : i32
      %parallel_loop3A_327 = arith.index_cast %parallel_loop3A_326 : i32 to index
      %parallel_loop3A_328 = arith.index_cast %parallel_loop3A_230 : i32 to index
      %parallel_loop3A_329 = arith.constant 96 : index
      %parallel_loop3A_330 = tpu.vector_load %arg10[%parallel_loop3A_327, %parallel_loop3A_328, %parallel_loop3A_329] {strides = array<i32>} : memref<2x256x128xf32, #tpu.memory_space<vmem>>, vector<16xf32>,
      %parallel_loop3A_331 = arith.constant 0 : i32
      %parallel_loop3A_332 = arith.index_cast %parallel_loop3A_331 : i32 to index
      %parallel_loop3A_333 = arith.index_cast %parallel_loop3A_230 : i32 to index
      %parallel_loop3A_334 = arith.constant 32 : index
      %parallel_loop3A_335 = tpu.vector_load %arg11[%parallel_loop3A_332, %parallel_loop3A_333, %parallel_loop3A_334] {strides = array<i32>} : memref<2x128x128xf32, #tpu.memory_space<vmem>>, vector<16xf32>,
      %parallel_loop3A_336 = arith.constant 0 : i32
      %parallel_loop3A_337 = arith.index_cast %parallel_loop3A_336 : i32 to index
      %parallel_loop3A_338 = arith.index_cast %parallel_loop3A_230 : i32 to index
      %parallel_loop3A_339 = arith.constant 96 : index
      %parallel_loop3A_340 = tpu.vector_load %arg11[%parallel_loop3A_337, %parallel_loop3A_338, %parallel_loop3A_339] {strides = array<i32>} : memref<2x128x128xf32, #tpu.memory_space<vmem>>, vector<16xf32>,
      %parallel_loop3A_341 = arith.constant 128 : i32
      %parallel_loop3A_342 = arith.addi %parallel_loop3A_341, %parallel_loop3A_230 : i32
      %parallel_loop3A_343 = arith.constant 0 : i32
      %parallel_loop3A_344 = arith.index_cast %parallel_loop3A_343 : i32 to index
      %parallel_loop3A_345 = arith.index_cast %parallel_loop3A_342 : i32 to index
      %parallel_loop3A_346 = arith.constant 32 : index
      %parallel_loop3A_347 = tpu.vector_load %arg10[%parallel_loop3A_344, %parallel_loop3A_345, %parallel_loop3A_346] {strides = array<i32>} : memref<2x256x128xf32, #tpu.memory_space<vmem>>, vector<16xf32>,
      %parallel_loop3A_348 = arith.constant 128 : i32
      %parallel_loop3A_349 = arith.addi %parallel_loop3A_348, %parallel_loop3A_230 : i32
      %parallel_loop3A_350 = arith.constant 0 : i32
      %parallel_loop3A_351 = arith.index_cast %parallel_loop3A_350 : i32 to index
      %parallel_loop3A_352 = arith.index_cast %parallel_loop3A_349 : i32 to index
      %parallel_loop3A_353 = arith.constant 96 : index
      %parallel_loop3A_354 = tpu.vector_load %arg10[%parallel_loop3A_351, %parallel_loop3A_352, %parallel_loop3A_353] {strides = array<i32>} : memref<2x256x128xf32, #tpu.memory_space<vmem>>, vector<16xf32>,
      %parallel_loop3A_355 = arith.mulf %parallel_loop3A_325, %parallel_loop3A_335 : vector<16xf32>
      %parallel_loop3A_356 = arith.mulf %parallel_loop3A_330, %parallel_loop3A_340 : vector<16xf32>
      %parallel_loop3A_357 = arith.addf %parallel_loop3A_355, %parallel_loop3A_356 : vector<16xf32>
      %parallel_loop3A_358 = arith.mulf %parallel_loop3A_325, %parallel_loop3A_340 : vector<16xf32>
      %parallel_loop3A_359 = arith.mulf %parallel_loop3A_330, %parallel_loop3A_335 : vector<16xf32>
      %parallel_loop3A_360 = arith.subf %parallel_loop3A_358, %parallel_loop3A_359 : vector<16xf32>
      %parallel_loop3A_361 = arith.mulf %parallel_loop3A_357, %parallel_loop3A_347 : vector<16xf32>
      %parallel_loop3A_362 = arith.mulf %parallel_loop3A_360, %parallel_loop3A_354 : vector<16xf32>
      %parallel_loop3A_363 = arith.subf %parallel_loop3A_361, %parallel_loop3A_362 : vector<16xf32>
      %parallel_loop3A_364 = arith.addf %parallel_loop3A_320, %parallel_loop3A_363 : vector<16xf32>
      %parallel_loop3A_365 = arith.constant 0 : i32
      %parallel_loop3A_366 = arith.index_cast %parallel_loop3A_365 : i32 to index
      %parallel_loop3A_367 = arith.index_cast %parallel_loop3A_230 : i32 to index
      %parallel_loop3A_368 = arith.constant 48 : index
      %parallel_loop3A_369 = tpu.vector_load %arg10[%parallel_loop3A_366, %parallel_loop3A_367, %parallel_loop3A_368] {strides = array<i32>} : memref<2x256x128xf32, #tpu.memory_space<vmem>>, vector<16xf32>,
      %parallel_loop3A_370 = arith.constant 0 : i32
      %parallel_loop3A_371 = arith.index_cast %parallel_loop3A_370 : i32 to index
      %parallel_loop3A_372 = arith.index_cast %parallel_loop3A_230 : i32 to index
      %parallel_loop3A_373 = arith.constant 112 : index
      %parallel_loop3A_374 = tpu.vector_load %arg10[%parallel_loop3A_371, %parallel_loop3A_372, %parallel_loop3A_373] {strides = array<i32>} : memref<2x256x128xf32, #tpu.memory_space<vmem>>, vector<16xf32>,
      %parallel_loop3A_375 = arith.constant 0 : i32
      %parallel_loop3A_376 = arith.index_cast %parallel_loop3A_375 : i32 to index
      %parallel_loop3A_377 = arith.index_cast %parallel_loop3A_230 : i32 to index
      %parallel_loop3A_378 = arith.constant 48 : index
      %parallel_loop3A_379 = tpu.vector_load %arg11[%parallel_loop3A_376, %parallel_loop3A_377, %parallel_loop3A_378] {strides = array<i32>} : memref<2x128x128xf32, #tpu.memory_space<vmem>>, vector<16xf32>,
      %parallel_loop3A_380 = arith.constant 0 : i32
      %parallel_loop3A_381 = arith.index_cast %parallel_loop3A_380 : i32 to index
      %parallel_loop3A_382 = arith.index_cast %parallel_loop3A_230 : i32 to index
      %parallel_loop3A_383 = arith.constant 112 : index
      %parallel_loop3A_384 = tpu.vector_load %arg11[%parallel_loop3A_381, %parallel_loop3A_382, %parallel_loop3A_383] {strides = array<i32>} : memref<2x128x128xf32, #tpu.memory_space<vmem>>, vector<16xf32>,
      %parallel_loop3A_385 = arith.constant 128 : i32
      %parallel_loop3A_386 = arith.addi %parallel_loop3A_385, %parallel_loop3A_230 : i32
      %parallel_loop3A_387 = arith.constant 0 : i32
      %parallel_loop3A_388 = arith.index_cast %parallel_loop3A_387 : i32 to index
      %parallel_loop3A_389 = arith.index_cast %parallel_loop3A_386 : i32 to index
      %parallel_loop3A_390 = arith.constant 48 : index
      %parallel_loop3A_391 = tpu.vector_load %arg10[%parallel_loop3A_388, %parallel_loop3A_389, %parallel_loop3A_390] {strides = array<i32>} : memref<2x256x128xf32, #tpu.memory_space<vmem>>, vector<16xf32>,
      %parallel_loop3A_392 = arith.constant 128 : i32
      %parallel_loop3A_393 = arith.addi %parallel_loop3A_392, %parallel_loop3A_230 : i32
      %parallel_loop3A_394 = arith.constant 0 : i32
      %parallel_loop3A_395 = arith.index_cast %parallel_loop3A_394 : i32 to index
      %parallel_loop3A_396 = arith.index_cast %parallel_loop3A_393 : i32 to index
      %parallel_loop3A_397 = arith.constant 112 : index
      %parallel_loop3A_398 = tpu.vector_load %arg10[%parallel_loop3A_395, %parallel_loop3A_396, %parallel_loop3A_397] {strides = array<i32>} : memref<2x256x128xf32, #tpu.memory_space<vmem>>, vector<16xf32>,
      %parallel_loop3A_399 = arith.mulf %parallel_loop3A_369, %parallel_loop3A_379 : vector<16xf32>
      %parallel_loop3A_400 = arith.mulf %parallel_loop3A_374, %parallel_loop3A_384 : vector<16xf32>
      %parallel_loop3A_401 = arith.addf %parallel_loop3A_399, %parallel_loop3A_400 : vector<16xf32>
      %parallel_loop3A_402 = arith.mulf %parallel_loop3A_369, %parallel_loop3A_384 : vector<16xf32>
      %parallel_loop3A_403 = arith.mulf %parallel_loop3A_374, %parallel_loop3A_379 : vector<16xf32>
      %parallel_loop3A_404 = arith.subf %parallel_loop3A_402, %parallel_loop3A_403 : vector<16xf32>
      %parallel_loop3A_405 = arith.mulf %parallel_loop3A_401, %parallel_loop3A_391 : vector<16xf32>
      %parallel_loop3A_406 = arith.mulf %parallel_loop3A_404, %parallel_loop3A_398 : vector<16xf32>
      %parallel_loop3A_407 = arith.subf %parallel_loop3A_405, %parallel_loop3A_406 : vector<16xf32>
      %parallel_loop3A_408 = arith.addf %parallel_loop3A_364, %parallel_loop3A_407 : vector<16xf32>
      %parallel_loop3A_409 = arith.constant true
      %parallel_loop3A_410 = vector.broadcast %parallel_loop3A_409 : i1 to vector<16xi1>
      %parallel_loop3A_411 = tpu.scan <sum>, %parallel_loop3A_408 masked %parallel_loop3A_410 : vector<16xf32>, vector<16xi1> -> vector<16xf32>
      %parallel_loop3A_412 = arith.constant 0 : i32
      %parallel_loop3A_413 = arith.addi %parallel_loop3A_412, %parallel_loop3A_230 : i32
      %parallel_loop3A_414 = vector.broadcast %parallel_loop3A_413 : i32 to vector<16xi32>
      tpu.vector_store_idx %arg12[%parallel_loop3A_414], %parallel_loop3A_411 masked %eq3A_4 : memref<512xf32, #tpu.memory_space<vmem>>[vector<16xi32>], vector<16xf32>, vector<16xi1>
    } {sc.loop_unroll_factor = 4 : i64, sc.parallel_access}
    %dma_wait3A_91 = arith.constant 1 : i32
    %dma_wait3A_92 = arith.constant 1 : i32
    %dma_wait3A_93 = arith.constant 0 : i32
    %dma_wait3A_94 = arith.constant 0 : i32
    %dma_wait3A_95 = tpu.memref_slice %arg10[%dma_wait3A_91, %dma_wait3A_93, %dma_wait3A_94] : memref<2x256x128xf32, #tpu.memory_space<vmem>> -> memref<1x256x128xf32, #tpu.memory_space<vmem>>
    %dma_wait3A_96 = tpu.memref_squeeze %dma_wait3A_95 : memref<1x256x128xf32, #tpu.memory_space<vmem>> -> memref<256x128xf32, #tpu.memory_space<vmem>>
    %dma_wait3A_97 = arith.constant 256 : i32
    %dma_wait3A_98 = tpu.memref_slice %arg8[%dma_wait3A_97] : memref<1024xi32, #tpu.memory_space<vmem>> -> memref<256xi32, #tpu.memory_space<vmem>>
    %dma_wait3A_99 = arith.constant 0 : i32
    %dma_wait3A_100 = arith.constant 0 : i32
    %dma_wait3A_101 = tpu.memref_slice %arg5[%dma_wait3A_99, %dma_wait3A_100] : memref<1000000x128xf32, #tpu.memory_space<hbm>> -> memref<1000000x128xf32, #tpu.memory_space<hbm>>
    %dma_wait3A_102 = tpu.memref_slice %arg13[%dma_wait3A_92] : memref<2x!tpu.dma_semaphore, #tpu.memory_space<semaphore_mem>> -> memref<1x!tpu.dma_semaphore, #tpu.memory_space<semaphore_mem>>
    %dma_wait3A_103 = tpu.memref_squeeze %dma_wait3A_102 : memref<1x!tpu.dma_semaphore, #tpu.memory_space<semaphore_mem>> -> memref<!tpu.dma_semaphore, #tpu.memory_space<semaphore_mem>>
    tpu.wait_indirect_dma semaphore(%dma_wait3A_103 : memref<!tpu.dma_semaphore, #tpu.memory_space<semaphore_mem>>) src(%dma_wait3A_101 : memref<1000000x128xf32, #tpu.memory_space<hbm>>) dst(%dma_wait3A_96 : memref<256x128xf32, #tpu.memory_space<vmem>>)
    %dma_wait3A_104 = arith.constant 1 : i32
    %dma_wait3A_105 = arith.constant 1 : i32
    %dma_wait3A_106 = arith.constant 0 : i32
    %dma_wait3A_107 = arith.constant 0 : i32
    %dma_wait3A_108 = tpu.memref_slice %arg11[%dma_wait3A_104, %dma_wait3A_106, %dma_wait3A_107] : memref<2x128x128xf32, #tpu.memory_space<vmem>> -> memref<1x128x128xf32, #tpu.memory_space<vmem>>
    %dma_wait3A_109 = tpu.memref_squeeze %dma_wait3A_108 : memref<1x128x128xf32, #tpu.memory_space<vmem>> -> memref<128x128xf32, #tpu.memory_space<vmem>>
    %dma_wait3A_110 = arith.constant 128 : i32
    %dma_wait3A_111 = tpu.memref_slice %arg9[%dma_wait3A_110] : memref<512xi32, #tpu.memory_space<vmem>> -> memref<128xi32, #tpu.memory_space<vmem>>
    %dma_wait3A_112 = arith.constant 0 : i32
    %dma_wait3A_113 = arith.constant 0 : i32
    %dma_wait3A_114 = tpu.memref_slice %arg6[%dma_wait3A_112, %dma_wait3A_113] : memref<1000x128xf32, #tpu.memory_space<hbm>> -> memref<1000x128xf32, #tpu.memory_space<hbm>>
    %dma_wait3A_115 = tpu.memref_slice %arg13[%dma_wait3A_105] : memref<2x!tpu.dma_semaphore, #tpu.memory_space<semaphore_mem>> -> memref<1x!tpu.dma_semaphore, #tpu.memory_space<semaphore_mem>>
    %dma_wait3A_116 = tpu.memref_squeeze %dma_wait3A_115 : memref<1x!tpu.dma_semaphore, #tpu.memory_space<semaphore_mem>> -> memref<!tpu.dma_semaphore, #tpu.memory_space<semaphore_mem>>
    tpu.wait_indirect_dma semaphore(%dma_wait3A_116 : memref<!tpu.dma_semaphore, #tpu.memory_space<semaphore_mem>>) src(%dma_wait3A_114 : memref<1000x128xf32, #tpu.memory_space<hbm>>) dst(%dma_wait3A_109 : memref<128x128xf32, #tpu.memory_space<vmem>>)
    %dma_start3A_117 = arith.constant 0 : i32
    %dma_start3A_118 = arith.constant 0 : i32
    %dma_start3A_119 = arith.constant 0 : i32
    %dma_start3A_120 = arith.constant 0 : i32
    %dma_start3A_121 = tpu.memref_slice %arg10[%dma_start3A_117, %dma_start3A_119, %dma_start3A_120] : memref<2x256x128xf32, #tpu.memory_space<vmem>> -> memref<1x256x128xf32, #tpu.memory_space<vmem>>
    %dma_start3A_122 = tpu.memref_squeeze %dma_start3A_121 : memref<1x256x128xf32, #tpu.memory_space<vmem>> -> memref<256x128xf32, #tpu.memory_space<vmem>>
    %dma_start3A_123 = arith.constant 512 : i32
    %dma_start3A_124 = tpu.memref_slice %arg8[%dma_start3A_123] : memref<1024xi32, #tpu.memory_space<vmem>> -> memref<256xi32, #tpu.memory_space<vmem>>
    %dma_start3A_125 = arith.constant 0 : i32
    %dma_start3A_126 = arith.constant 0 : i32
    %dma_start3A_127 = tpu.memref_slice %arg5[%dma_start3A_125, %dma_start3A_126] : memref<1000000x128xf32, #tpu.memory_space<hbm>> -> memref<1000000x128xf32, #tpu.memory_space<hbm>>
    %dma_start3A_128 = tpu.memref_slice %arg13[%dma_start3A_118] : memref<2x!tpu.dma_semaphore, #tpu.memory_space<semaphore_mem>> -> memref<1x!tpu.dma_semaphore, #tpu.memory_space<semaphore_mem>>
    %dma_start3A_129 = tpu.memref_squeeze %dma_start3A_128 : memref<1x!tpu.dma_semaphore, #tpu.memory_space<semaphore_mem>> -> memref<!tpu.dma_semaphore, #tpu.memory_space<semaphore_mem>>
    tpu.enqueue_indirect_dma source(%dma_start3A_127 : memref<1000000x128xf32, #tpu.memory_space<hbm>>) target(%dma_start3A_122 : memref<256x128xf32, #tpu.memory_space<vmem>>) offsets(%dma_start3A_124 : memref<256xi32, #tpu.memory_space<vmem>>) semaphore(%dma_start3A_129 : memref<!tpu.dma_semaphore, #tpu.memory_space<semaphore_mem>>)
    %dma_start3A_130 = arith.constant 0 : i32
    %dma_start3A_131 = arith.constant 0 : i32
    %dma_start3A_132 = arith.constant 0 : i32
    %dma_start3A_133 = arith.constant 0 : i32
    %dma_start3A_134 = tpu.memref_slice %arg11[%dma_start3A_130, %dma_start3A_132, %dma_start3A_133] : memref<2x128x128xf32, #tpu.memory_space<vmem>> -> memref<1x128x128xf32, #tpu.memory_space<vmem>>
    %dma_start3A_135 = tpu.memref_squeeze %dma_start3A_134 : memref<1x128x128xf32, #tpu.memory_space<vmem>> -> memref<128x128xf32, #tpu.memory_space<vmem>>
    %dma_start3A_136 = arith.constant 256 : i32
    %dma_start3A_137 = tpu.memref_slice %arg9[%dma_start3A_136] : memref<512xi32, #tpu.memory_space<vmem>> -> memref<128xi32, #tpu.memory_space<vmem>>
    %dma_start3A_138 = arith.constant 0 : i32
    %dma_start3A_139 = arith.constant 0 : i32
    %dma_start3A_140 = tpu.memref_slice %arg6[%dma_start3A_138, %dma_start3A_139] : memref<1000x128xf32, #tpu.memory_space<hbm>> -> memref<1000x128xf32, #tpu.memory_space<hbm>>
    %dma_start3A_141 = tpu.memref_slice %arg13[%dma_start3A_131] : memref<2x!tpu.dma_semaphore, #tpu.memory_space<semaphore_mem>> -> memref<1x!tpu.dma_semaphore, #tpu.memory_space<semaphore_mem>>
    %dma_start3A_142 = tpu.memref_squeeze %dma_start3A_141 : memref<1x!tpu.dma_semaphore, #tpu.memory_space<semaphore_mem>> -> memref<!tpu.dma_semaphore, #tpu.memory_space<semaphore_mem>>
    tpu.enqueue_indirect_dma source(%dma_start3A_140 : memref<1000x128xf32, #tpu.memory_space<hbm>>) target(%dma_start3A_135 : memref<128x128xf32, #tpu.memory_space<vmem>>) offsets(%dma_start3A_137 : memref<128xi32, #tpu.memory_space<vmem>>) semaphore(%dma_start3A_142 : memref<!tpu.dma_semaphore, #tpu.memory_space<semaphore_mem>>)
    %parallel_loop3A_143 = arith.constant 0 : i32
    %parallel_loop3A_144 = arith.constant 128 : i32
    %parallel_loop3A_145 = arith.constant 1 : i32
    scf.for %parallel_loop3A_230 = %parallel_loop3A_143 to %parallel_loop3A_144 step %parallel_loop3A_145  : i32 {
      %parallel_loop3A_231 = arith.constant 0.000000e+00 : f32
      %parallel_loop3A_232 = vector.broadcast %parallel_loop3A_231 : f32 to vector<16xf32>
      %parallel_loop3A_233 = arith.constant 1 : i32
      %parallel_loop3A_234 = arith.index_cast %parallel_loop3A_233 : i32 to index
      %parallel_loop3A_235 = arith.index_cast %parallel_loop3A_230 : i32 to index
      %parallel_loop3A_236 = arith.constant 0 : index
      %parallel_loop3A_237 = tpu.vector_load %arg10[%parallel_loop3A_234, %parallel_loop3A_235, %parallel_loop3A_236] {strides = array<i32>} : memref<2x256x128xf32, #tpu.memory_space<vmem>>, vector<16xf32>,
      %parallel_loop3A_238 = arith.constant 1 : i32
      %parallel_loop3A_239 = arith.index_cast %parallel_loop3A_238 : i32 to index
      %parallel_loop3A_240 = arith.index_cast %parallel_loop3A_230 : i32 to index
      %parallel_loop3A_241 = arith.constant 64 : index
      %parallel_loop3A_242 = tpu.vector_load %arg10[%parallel_loop3A_239, %parallel_loop3A_240, %parallel_loop3A_241] {strides = array<i32>} : memref<2x256x128xf32, #tpu.memory_space<vmem>>, vector<16xf32>,
      %parallel_loop3A_243 = arith.constant 1 : i32
      %parallel_loop3A_244 = arith.index_cast %parallel_loop3A_243 : i32 to index
      %parallel_loop3A_245 = arith.index_cast %parallel_loop3A_230 : i32 to index
      %parallel_loop3A_246 = arith.constant 0 : index
      %parallel_loop3A_247 = tpu.vector_load %arg11[%parallel_loop3A_244, %parallel_loop3A_245, %parallel_loop3A_246] {strides = array<i32>} : memref<2x128x128xf32, #tpu.memory_space<vmem>>, vector<16xf32>,
      %parallel_loop3A_248 = arith.constant 1 : i32
      %parallel_loop3A_249 = arith.index_cast %parallel_loop3A_248 : i32 to index
      %parallel_loop3A_250 = arith.index_cast %parallel_loop3A_230 : i32 to index
      %parallel_loop3A_251 = arith.constant 64 : index
      %parallel_loop3A_252 = tpu.vector_load %arg11[%parallel_loop3A_249, %parallel_loop3A_250, %parallel_loop3A_251] {strides = array<i32>} : memref<2x128x128xf32, #tpu.memory_space<vmem>>, vector<16xf32>,
      %parallel_loop3A_253 = arith.constant 128 : i32
      %parallel_loop3A_254 = arith.addi %parallel_loop3A_253, %parallel_loop3A_230 : i32
      %parallel_loop3A_255 = arith.constant 1 : i32
      %parallel_loop3A_256 = arith.index_cast %parallel_loop3A_255 : i32 to index
      %parallel_loop3A_257 = arith.index_cast %parallel_loop3A_254 : i32 to index
      %parallel_loop3A_258 = arith.constant 0 : index
      %parallel_loop3A_259 = tpu.vector_load %arg10[%parallel_loop3A_256, %parallel_loop3A_257, %parallel_loop3A_258] {strides = array<i32>} : memref<2x256x128xf32, #tpu.memory_space<vmem>>, vector<16xf32>,
      %parallel_loop3A_260 = arith.constant 128 : i32
      %parallel_loop3A_261 = arith.addi %parallel_loop3A_260, %parallel_loop3A_230 : i32
      %parallel_loop3A_262 = arith.constant 1 : i32
      %parallel_loop3A_263 = arith.index_cast %parallel_loop3A_262 : i32 to index
      %parallel_loop3A_264 = arith.index_cast %parallel_loop3A_261 : i32 to index
      %parallel_loop3A_265 = arith.constant 64 : index
      %parallel_loop3A_266 = tpu.vector_load %arg10[%parallel_loop3A_263, %parallel_loop3A_264, %parallel_loop3A_265] {strides = array<i32>} : memref<2x256x128xf32, #tpu.memory_space<vmem>>, vector<16xf32>,
      %parallel_loop3A_267 = arith.mulf %parallel_loop3A_237, %parallel_loop3A_247 : vector<16xf32>
      %parallel_loop3A_268 = arith.mulf %parallel_loop3A_242, %parallel_loop3A_252 : vector<16xf32>
      %parallel_loop3A_269 = arith.addf %parallel_loop3A_267, %parallel_loop3A_268 : vector<16xf32>
      %parallel_loop3A_270 = arith.mulf %parallel_loop3A_237, %parallel_loop3A_252 : vector<16xf32>
      %parallel_loop3A_271 = arith.mulf %parallel_loop3A_242, %parallel_loop3A_247 : vector<16xf32>
      %parallel_loop3A_272 = arith.subf %parallel_loop3A_270, %parallel_loop3A_271 : vector<16xf32>
      %parallel_loop3A_273 = arith.mulf %parallel_loop3A_269, %parallel_loop3A_259 : vector<16xf32>
      %parallel_loop3A_274 = arith.mulf %parallel_loop3A_272, %parallel_loop3A_266 : vector<16xf32>
      %parallel_loop3A_275 = arith.subf %parallel_loop3A_273, %parallel_loop3A_274 : vector<16xf32>
      %parallel_loop3A_276 = arith.addf %parallel_loop3A_232, %parallel_loop3A_275 : vector<16xf32>
      %parallel_loop3A_277 = arith.constant 1 : i32
      %parallel_loop3A_278 = arith.index_cast %parallel_loop3A_277 : i32 to index
      %parallel_loop3A_279 = arith.index_cast %parallel_loop3A_230 : i32 to index
      %parallel_loop3A_280 = arith.constant 16 : index
      %parallel_loop3A_281 = tpu.vector_load %arg10[%parallel_loop3A_278, %parallel_loop3A_279, %parallel_loop3A_280] {strides = array<i32>} : memref<2x256x128xf32, #tpu.memory_space<vmem>>, vector<16xf32>,
      %parallel_loop3A_282 = arith.constant 1 : i32
      %parallel_loop3A_283 = arith.index_cast %parallel_loop3A_282 : i32 to index
      %parallel_loop3A_284 = arith.index_cast %parallel_loop3A_230 : i32 to index
      %parallel_loop3A_285 = arith.constant 80 : index
      %parallel_loop3A_286 = tpu.vector_load %arg10[%parallel_loop3A_283, %parallel_loop3A_284, %parallel_loop3A_285] {strides = array<i32>} : memref<2x256x128xf32, #tpu.memory_space<vmem>>, vector<16xf32>,
      %parallel_loop3A_287 = arith.constant 1 : i32
      %parallel_loop3A_288 = arith.index_cast %parallel_loop3A_287 : i32 to index
      %parallel_loop3A_289 = arith.index_cast %parallel_loop3A_230 : i32 to index
      %parallel_loop3A_290 = arith.constant 16 : index
      %parallel_loop3A_291 = tpu.vector_load %arg11[%parallel_loop3A_288, %parallel_loop3A_289, %parallel_loop3A_290] {strides = array<i32>} : memref<2x128x128xf32, #tpu.memory_space<vmem>>, vector<16xf32>,
      %parallel_loop3A_292 = arith.constant 1 : i32
      %parallel_loop3A_293 = arith.index_cast %parallel_loop3A_292 : i32 to index
      %parallel_loop3A_294 = arith.index_cast %parallel_loop3A_230 : i32 to index
      %parallel_loop3A_295 = arith.constant 80 : index
      %parallel_loop3A_296 = tpu.vector_load %arg11[%parallel_loop3A_293, %parallel_loop3A_294, %parallel_loop3A_295] {strides = array<i32>} : memref<2x128x128xf32, #tpu.memory_space<vmem>>, vector<16xf32>,
      %parallel_loop3A_297 = arith.constant 128 : i32
      %parallel_loop3A_298 = arith.addi %parallel_loop3A_297, %parallel_loop3A_230 : i32
      %parallel_loop3A_299 = arith.constant 1 : i32
      %parallel_loop3A_300 = arith.index_cast %parallel_loop3A_299 : i32 to index
      %parallel_loop3A_301 = arith.index_cast %parallel_loop3A_298 : i32 to index
      %parallel_loop3A_302 = arith.constant 16 : index
      %parallel_loop3A_303 = tpu.vector_load %arg10[%parallel_loop3A_300, %parallel_loop3A_301, %parallel_loop3A_302] {strides = array<i32>} : memref<2x256x128xf32, #tpu.memory_space<vmem>>, vector<16xf32>,
      %parallel_loop3A_304 = arith.constant 128 : i32
      %parallel_loop3A_305 = arith.addi %parallel_loop3A_304, %parallel_loop3A_230 : i32
      %parallel_loop3A_306 = arith.constant 1 : i32
      %parallel_loop3A_307 = arith.index_cast %parallel_loop3A_306 : i32 to index
      %parallel_loop3A_308 = arith.index_cast %parallel_loop3A_305 : i32 to index
      %parallel_loop3A_309 = arith.constant 80 : index
      %parallel_loop3A_310 = tpu.vector_load %arg10[%parallel_loop3A_307, %parallel_loop3A_308, %parallel_loop3A_309] {strides = array<i32>} : memref<2x256x128xf32, #tpu.memory_space<vmem>>, vector<16xf32>,
      %parallel_loop3A_311 = arith.mulf %parallel_loop3A_281, %parallel_loop3A_291 : vector<16xf32>
      %parallel_loop3A_312 = arith.mulf %parallel_loop3A_286, %parallel_loop3A_296 : vector<16xf32>
      %parallel_loop3A_313 = arith.addf %parallel_loop3A_311, %parallel_loop3A_312 : vector<16xf32>
      %parallel_loop3A_314 = arith.mulf %parallel_loop3A_281, %parallel_loop3A_296 : vector<16xf32>
      %parallel_loop3A_315 = arith.mulf %parallel_loop3A_286, %parallel_loop3A_291 : vector<16xf32>
      %parallel_loop3A_316 = arith.subf %parallel_loop3A_314, %parallel_loop3A_315 : vector<16xf32>
      %parallel_loop3A_317 = arith.mulf %parallel_loop3A_313, %parallel_loop3A_303 : vector<16xf32>
      %parallel_loop3A_318 = arith.mulf %parallel_loop3A_316, %parallel_loop3A_310 : vector<16xf32>
      %parallel_loop3A_319 = arith.subf %parallel_loop3A_317, %parallel_loop3A_318 : vector<16xf32>
      %parallel_loop3A_320 = arith.addf %parallel_loop3A_276, %parallel_loop3A_319 : vector<16xf32>
      %parallel_loop3A_321 = arith.constant 1 : i32
      %parallel_loop3A_322 = arith.index_cast %parallel_loop3A_321 : i32 to index
      %parallel_loop3A_323 = arith.index_cast %parallel_loop3A_230 : i32 to index
      %parallel_loop3A_324 = arith.constant 32 : index
      %parallel_loop3A_325 = tpu.vector_load %arg10[%parallel_loop3A_322, %parallel_loop3A_323, %parallel_loop3A_324] {strides = array<i32>} : memref<2x256x128xf32, #tpu.memory_space<vmem>>, vector<16xf32>,
      %parallel_loop3A_326 = arith.constant 1 : i32
      %parallel_loop3A_327 = arith.index_cast %parallel_loop3A_326 : i32 to index
      %parallel_loop3A_328 = arith.index_cast %parallel_loop3A_230 : i32 to index
      %parallel_loop3A_329 = arith.constant 96 : index
      %parallel_loop3A_330 = tpu.vector_load %arg10[%parallel_loop3A_327, %parallel_loop3A_328, %parallel_loop3A_329] {strides = array<i32>} : memref<2x256x128xf32, #tpu.memory_space<vmem>>, vector<16xf32>,
      %parallel_loop3A_331 = arith.constant 1 : i32
      %parallel_loop3A_332 = arith.index_cast %parallel_loop3A_331 : i32 to index
      %parallel_loop3A_333 = arith.index_cast %parallel_loop3A_230 : i32 to index
      %parallel_loop3A_334 = arith.constant 32 : index
      %parallel_loop3A_335 = tpu.vector_load %arg11[%parallel_loop3A_332, %parallel_loop3A_333, %parallel_loop3A_334] {strides = array<i32>} : memref<2x128x128xf32, #tpu.memory_space<vmem>>, vector<16xf32>,
      %parallel_loop3A_336 = arith.constant 1 : i32
      %parallel_loop3A_337 = arith.index_cast %parallel_loop3A_336 : i32 to index
      %parallel_loop3A_338 = arith.index_cast %parallel_loop3A_230 : i32 to index
      %parallel_loop3A_339 = arith.constant 96 : index
      %parallel_loop3A_340 = tpu.vector_load %arg11[%parallel_loop3A_337, %parallel_loop3A_338, %parallel_loop3A_339] {strides = array<i32>} : memref<2x128x128xf32, #tpu.memory_space<vmem>>, vector<16xf32>,
      %parallel_loop3A_341 = arith.constant 128 : i32
      %parallel_loop3A_342 = arith.addi %parallel_loop3A_341, %parallel_loop3A_230 : i32
      %parallel_loop3A_343 = arith.constant 1 : i32
      %parallel_loop3A_344 = arith.index_cast %parallel_loop3A_343 : i32 to index
      %parallel_loop3A_345 = arith.index_cast %parallel_loop3A_342 : i32 to index
      %parallel_loop3A_346 = arith.constant 32 : index
      %parallel_loop3A_347 = tpu.vector_load %arg10[%parallel_loop3A_344, %parallel_loop3A_345, %parallel_loop3A_346] {strides = array<i32>} : memref<2x256x128xf32, #tpu.memory_space<vmem>>, vector<16xf32>,
      %parallel_loop3A_348 = arith.constant 128 : i32
      %parallel_loop3A_349 = arith.addi %parallel_loop3A_348, %parallel_loop3A_230 : i32
      %parallel_loop3A_350 = arith.constant 1 : i32
      %parallel_loop3A_351 = arith.index_cast %parallel_loop3A_350 : i32 to index
      %parallel_loop3A_352 = arith.index_cast %parallel_loop3A_349 : i32 to index
      %parallel_loop3A_353 = arith.constant 96 : index
      %parallel_loop3A_354 = tpu.vector_load %arg10[%parallel_loop3A_351, %parallel_loop3A_352, %parallel_loop3A_353] {strides = array<i32>} : memref<2x256x128xf32, #tpu.memory_space<vmem>>, vector<16xf32>,
      %parallel_loop3A_355 = arith.mulf %parallel_loop3A_325, %parallel_loop3A_335 : vector<16xf32>
      %parallel_loop3A_356 = arith.mulf %parallel_loop3A_330, %parallel_loop3A_340 : vector<16xf32>
      %parallel_loop3A_357 = arith.addf %parallel_loop3A_355, %parallel_loop3A_356 : vector<16xf32>
      %parallel_loop3A_358 = arith.mulf %parallel_loop3A_325, %parallel_loop3A_340 : vector<16xf32>
      %parallel_loop3A_359 = arith.mulf %parallel_loop3A_330, %parallel_loop3A_335 : vector<16xf32>
      %parallel_loop3A_360 = arith.subf %parallel_loop3A_358, %parallel_loop3A_359 : vector<16xf32>
      %parallel_loop3A_361 = arith.mulf %parallel_loop3A_357, %parallel_loop3A_347 : vector<16xf32>
      %parallel_loop3A_362 = arith.mulf %parallel_loop3A_360, %parallel_loop3A_354 : vector<16xf32>
      %parallel_loop3A_363 = arith.subf %parallel_loop3A_361, %parallel_loop3A_362 : vector<16xf32>
      %parallel_loop3A_364 = arith.addf %parallel_loop3A_320, %parallel_loop3A_363 : vector<16xf32>
      %parallel_loop3A_365 = arith.constant 1 : i32
      %parallel_loop3A_366 = arith.index_cast %parallel_loop3A_365 : i32 to index
      %parallel_loop3A_367 = arith.index_cast %parallel_loop3A_230 : i32 to index
      %parallel_loop3A_368 = arith.constant 48 : index
      %parallel_loop3A_369 = tpu.vector_load %arg10[%parallel_loop3A_366, %parallel_loop3A_367, %parallel_loop3A_368] {strides = array<i32>} : memref<2x256x128xf32, #tpu.memory_space<vmem>>, vector<16xf32>,
      %parallel_loop3A_370 = arith.constant 1 : i32
      %parallel_loop3A_371 = arith.index_cast %parallel_loop3A_370 : i32 to index
      %parallel_loop3A_372 = arith.index_cast %parallel_loop3A_230 : i32 to index
      %parallel_loop3A_373 = arith.constant 112 : index
      %parallel_loop3A_374 = tpu.vector_load %arg10[%parallel_loop3A_371, %parallel_loop3A_372, %parallel_loop3A_373] {strides = array<i32>} : memref<2x256x128xf32, #tpu.memory_space<vmem>>, vector<16xf32>,
      %parallel_loop3A_375 = arith.constant 1 : i32
      %parallel_loop3A_376 = arith.index_cast %parallel_loop3A_375 : i32 to index
      %parallel_loop3A_377 = arith.index_cast %parallel_loop3A_230 : i32 to index
      %parallel_loop3A_378 = arith.constant 48 : index
      %parallel_loop3A_379 = tpu.vector_load %arg11[%parallel_loop3A_376, %parallel_loop3A_377, %parallel_loop3A_378] {strides = array<i32>} : memref<2x128x128xf32, #tpu.memory_space<vmem>>, vector<16xf32>,
      %parallel_loop3A_380 = arith.constant 1 : i32
      %parallel_loop3A_381 = arith.index_cast %parallel_loop3A_380 : i32 to index
      %parallel_loop3A_382 = arith.index_cast %parallel_loop3A_230 : i32 to index
      %parallel_loop3A_383 = arith.constant 112 : index
      %parallel_loop3A_384 = tpu.vector_load %arg11[%parallel_loop3A_381, %parallel_loop3A_382, %parallel_loop3A_383] {strides = array<i32>} : memref<2x128x128xf32, #tpu.memory_space<vmem>>, vector<16xf32>,
      %parallel_loop3A_385 = arith.constant 128 : i32
      %parallel_loop3A_386 = arith.addi %parallel_loop3A_385, %parallel_loop3A_230 : i32
      %parallel_loop3A_387 = arith.constant 1 : i32
      %parallel_loop3A_388 = arith.index_cast %parallel_loop3A_387 : i32 to index
      %parallel_loop3A_389 = arith.index_cast %parallel_loop3A_386 : i32 to index
      %parallel_loop3A_390 = arith.constant 48 : index
      %parallel_loop3A_391 = tpu.vector_load %arg10[%parallel_loop3A_388, %parallel_loop3A_389, %parallel_loop3A_390] {strides = array<i32>} : memref<2x256x128xf32, #tpu.memory_space<vmem>>, vector<16xf32>,
      %parallel_loop3A_392 = arith.constant 128 : i32
      %parallel_loop3A_393 = arith.addi %parallel_loop3A_392, %parallel_loop3A_230 : i32
      %parallel_loop3A_394 = arith.constant 1 : i32
      %parallel_loop3A_395 = arith.index_cast %parallel_loop3A_394 : i32 to index
      %parallel_loop3A_396 = arith.index_cast %parallel_loop3A_393 : i32 to index
      %parallel_loop3A_397 = arith.constant 112 : index
      %parallel_loop3A_398 = tpu.vector_load %arg10[%parallel_loop3A_395, %parallel_loop3A_396, %parallel_loop3A_397] {strides = array<i32>} : memref<2x256x128xf32, #tpu.memory_space<vmem>>, vector<16xf32>,
      %parallel_loop3A_399 = arith.mulf %parallel_loop3A_369, %parallel_loop3A_379 : vector<16xf32>
      %parallel_loop3A_400 = arith.mulf %parallel_loop3A_374, %parallel_loop3A_384 : vector<16xf32>
      %parallel_loop3A_401 = arith.addf %parallel_loop3A_399, %parallel_loop3A_400 : vector<16xf32>
      %parallel_loop3A_402 = arith.mulf %parallel_loop3A_369, %parallel_loop3A_384 : vector<16xf32>
      %parallel_loop3A_403 = arith.mulf %parallel_loop3A_374, %parallel_loop3A_379 : vector<16xf32>
      %parallel_loop3A_404 = arith.subf %parallel_loop3A_402, %parallel_loop3A_403 : vector<16xf32>
      %parallel_loop3A_405 = arith.mulf %parallel_loop3A_401, %parallel_loop3A_391 : vector<16xf32>
      %parallel_loop3A_406 = arith.mulf %parallel_loop3A_404, %parallel_loop3A_398 : vector<16xf32>
      %parallel_loop3A_407 = arith.subf %parallel_loop3A_405, %parallel_loop3A_406 : vector<16xf32>
      %parallel_loop3A_408 = arith.addf %parallel_loop3A_364, %parallel_loop3A_407 : vector<16xf32>
      %parallel_loop3A_409 = arith.constant true
      %parallel_loop3A_410 = vector.broadcast %parallel_loop3A_409 : i1 to vector<16xi1>
      %parallel_loop3A_411 = tpu.scan <sum>, %parallel_loop3A_408 masked %parallel_loop3A_410 : vector<16xf32>, vector<16xi1> -> vector<16xf32>
      %parallel_loop3A_412 = arith.constant 128 : i32
      %parallel_loop3A_413 = arith.addi %parallel_loop3A_412, %parallel_loop3A_230 : i32
      %parallel_loop3A_414 = vector.broadcast %parallel_loop3A_413 : i32 to vector<16xi32>
      tpu.vector_store_idx %arg12[%parallel_loop3A_414], %parallel_loop3A_411 masked %eq3A_4 : memref<512xf32, #tpu.memory_space<vmem>>[vector<16xi32>], vector<16xf32>, vector<16xi1>
    } {sc.loop_unroll_factor = 4 : i64, sc.parallel_access}
    %dma_wait3A_146 = arith.constant 0 : i32
    %dma_wait3A_147 = arith.constant 0 : i32
    %dma_wait3A_148 = arith.constant 0 : i32
    %dma_wait3A_149 = arith.constant 0 : i32
    %dma_wait3A_150 = tpu.memref_slice %arg10[%dma_wait3A_146, %dma_wait3A_148, %dma_wait3A_149] : memref<2x256x128xf32, #tpu.memory_space<vmem>> -> memref<1x256x128xf32, #tpu.memory_space<vmem>>
    %dma_wait3A_151 = tpu.memref_squeeze %dma_wait3A_150 : memref<1x256x128xf32, #tpu.memory_space<vmem>> -> memref<256x128xf32, #tpu.memory_space<vmem>>
    %dma_wait3A_152 = arith.constant 512 : i32
    %dma_wait3A_153 = tpu.memref_slice %arg8[%dma_wait3A_152] : memref<1024xi32, #tpu.memory_space<vmem>> -> memref<256xi32, #tpu.memory_space<vmem>>
    %dma_wait3A_154 = arith.constant 0 : i32
    %dma_wait3A_155 = arith.constant 0 : i32
    %dma_wait3A_156 = tpu.memref_slice %arg5[%dma_wait3A_154, %dma_wait3A_155] : memref<1000000x128xf32, #tpu.memory_space<hbm>> -> memref<1000000x128xf32, #tpu.memory_space<hbm>>
    %dma_wait3A_157 = tpu.memref_slice %arg13[%dma_wait3A_147] : memref<2x!tpu.dma_semaphore, #tpu.memory_space<semaphore_mem>> -> memref<1x!tpu.dma_semaphore, #tpu.memory_space<semaphore_mem>>
    %dma_wait3A_158 = tpu.memref_squeeze %dma_wait3A_157 : memref<1x!tpu.dma_semaphore, #tpu.memory_space<semaphore_mem>> -> memref<!tpu.dma_semaphore, #tpu.memory_space<semaphore_mem>>
    tpu.wait_indirect_dma semaphore(%dma_wait3A_158 : memref<!tpu.dma_semaphore, #tpu.memory_space<semaphore_mem>>) src(%dma_wait3A_156 : memref<1000000x128xf32, #tpu.memory_space<hbm>>) dst(%dma_wait3A_151 : memref<256x128xf32, #tpu.memory_space<vmem>>)
    %dma_wait3A_159 = arith.constant 0 : i32
    %dma_wait3A_160 = arith.constant 0 : i32
    %dma_wait3A_161 = arith.constant 0 : i32
    %dma_wait3A_162 = arith.constant 0 : i32
    %dma_wait3A_163 = tpu.memref_slice %arg11[%dma_wait3A_159, %dma_wait3A_161, %dma_wait3A_162] : memref<2x128x128xf32, #tpu.memory_space<vmem>> -> memref<1x128x128xf32, #tpu.memory_space<vmem>>
    %dma_wait3A_164 = tpu.memref_squeeze %dma_wait3A_163 : memref<1x128x128xf32, #tpu.memory_space<vmem>> -> memref<128x128xf32, #tpu.memory_space<vmem>>
    %dma_wait3A_165 = arith.constant 256 : i32
    %dma_wait3A_166 = tpu.memref_slice %arg9[%dma_wait3A_165] : memref<512xi32, #tpu.memory_space<vmem>> -> memref<128xi32, #tpu.memory_space<vmem>>
    %dma_wait3A_167 = arith.constant 0 : i32
    %dma_wait3A_168 = arith.constant 0 : i32
    %dma_wait3A_169 = tpu.memref_slice %arg6[%dma_wait3A_167, %dma_wait3A_168] : memref<1000x128xf32, #tpu.memory_space<hbm>> -> memref<1000x128xf32, #tpu.memory_space<hbm>>
    %dma_wait3A_170 = tpu.memref_slice %arg13[%dma_wait3A_160] : memref<2x!tpu.dma_semaphore, #tpu.memory_space<semaphore_mem>> -> memref<1x!tpu.dma_semaphore, #tpu.memory_space<semaphore_mem>>
    %dma_wait3A_171 = tpu.memref_squeeze %dma_wait3A_170 : memref<1x!tpu.dma_semaphore, #tpu.memory_space<semaphore_mem>> -> memref<!tpu.dma_semaphore, #tpu.memory_space<semaphore_mem>>
    tpu.wait_indirect_dma semaphore(%dma_wait3A_171 : memref<!tpu.dma_semaphore, #tpu.memory_space<semaphore_mem>>) src(%dma_wait3A_169 : memref<1000x128xf32, #tpu.memory_space<hbm>>) dst(%dma_wait3A_164 : memref<128x128xf32, #tpu.memory_space<vmem>>)
    %dma_start3A_172 = arith.constant 1 : i32
    %dma_start3A_173 = arith.constant 1 : i32
    %dma_start3A_174 = arith.constant 0 : i32
    %dma_start3A_175 = arith.constant 0 : i32
    %dma_start3A_176 = tpu.memref_slice %arg10[%dma_start3A_172, %dma_start3A_174, %dma_start3A_175] : memref<2x256x128xf32, #tpu.memory_space<vmem>> -> memref<1x256x128xf32, #tpu.memory_space<vmem>>
    %dma_start3A_177 = tpu.memref_squeeze %dma_start3A_176 : memref<1x256x128xf32, #tpu.memory_space<vmem>> -> memref<256x128xf32, #tpu.memory_space<vmem>>
    %dma_start3A_178 = arith.constant 768 : i32
    %dma_start3A_179 = tpu.memref_slice %arg8[%dma_start3A_178] : memref<1024xi32, #tpu.memory_space<vmem>> -> memref<256xi32, #tpu.memory_space<vmem>>
    %dma_start3A_180 = arith.constant 0 : i32
    %dma_start3A_181 = arith.constant 0 : i32
    %dma_start3A_182 = tpu.memref_slice %arg5[%dma_start3A_180, %dma_start3A_181] : memref<1000000x128xf32, #tpu.memory_space<hbm>> -> memref<1000000x128xf32, #tpu.memory_space<hbm>>
    %dma_start3A_183 = tpu.memref_slice %arg13[%dma_start3A_173] : memref<2x!tpu.dma_semaphore, #tpu.memory_space<semaphore_mem>> -> memref<1x!tpu.dma_semaphore, #tpu.memory_space<semaphore_mem>>
    %dma_start3A_184 = tpu.memref_squeeze %dma_start3A_183 : memref<1x!tpu.dma_semaphore, #tpu.memory_space<semaphore_mem>> -> memref<!tpu.dma_semaphore, #tpu.memory_space<semaphore_mem>>
    tpu.enqueue_indirect_dma source(%dma_start3A_182 : memref<1000000x128xf32, #tpu.memory_space<hbm>>) target(%dma_start3A_177 : memref<256x128xf32, #tpu.memory_space<vmem>>) offsets(%dma_start3A_179 : memref<256xi32, #tpu.memory_space<vmem>>) semaphore(%dma_start3A_184 : memref<!tpu.dma_semaphore, #tpu.memory_space<semaphore_mem>>)
    %dma_start3A_185 = arith.constant 1 : i32
    %dma_start3A_186 = arith.constant 1 : i32
    %dma_start3A_187 = arith.constant 0 : i32
    %dma_start3A_188 = arith.constant 0 : i32
    %dma_start3A_189 = tpu.memref_slice %arg11[%dma_start3A_185, %dma_start3A_187, %dma_start3A_188] : memref<2x128x128xf32, #tpu.memory_space<vmem>> -> memref<1x128x128xf32, #tpu.memory_space<vmem>>
    %dma_start3A_190 = tpu.memref_squeeze %dma_start3A_189 : memref<1x128x128xf32, #tpu.memory_space<vmem>> -> memref<128x128xf32, #tpu.memory_space<vmem>>
    %dma_start3A_191 = arith.constant 384 : i32
    %dma_start3A_192 = tpu.memref_slice %arg9[%dma_start3A_191] : memref<512xi32, #tpu.memory_space<vmem>> -> memref<128xi32, #tpu.memory_space<vmem>>
    %dma_start3A_193 = arith.constant 0 : i32
    %dma_start3A_194 = arith.constant 0 : i32
    %dma_start3A_195 = tpu.memref_slice %arg6[%dma_start3A_193, %dma_start3A_194] : memref<1000x128xf32, #tpu.memory_space<hbm>> -> memref<1000x128xf32, #tpu.memory_space<hbm>>
    %dma_start3A_196 = tpu.memref_slice %arg13[%dma_start3A_186] : memref<2x!tpu.dma_semaphore, #tpu.memory_space<semaphore_mem>> -> memref<1x!tpu.dma_semaphore, #tpu.memory_space<semaphore_mem>>
    %dma_start3A_197 = tpu.memref_squeeze %dma_start3A_196 : memref<1x!tpu.dma_semaphore, #tpu.memory_space<semaphore_mem>> -> memref<!tpu.dma_semaphore, #tpu.memory_space<semaphore_mem>>
    tpu.enqueue_indirect_dma source(%dma_start3A_195 : memref<1000x128xf32, #tpu.memory_space<hbm>>) target(%dma_start3A_190 : memref<128x128xf32, #tpu.memory_space<vmem>>) offsets(%dma_start3A_192 : memref<128xi32, #tpu.memory_space<vmem>>) semaphore(%dma_start3A_197 : memref<!tpu.dma_semaphore, #tpu.memory_space<semaphore_mem>>)
    %parallel_loop3A_198 = arith.constant 0 : i32
    %parallel_loop3A_199 = arith.constant 128 : i32
    %parallel_loop3A_200 = arith.constant 1 : i32
    scf.for %parallel_loop3A_230 = %parallel_loop3A_198 to %parallel_loop3A_199 step %parallel_loop3A_200  : i32 {
      %parallel_loop3A_231 = arith.constant 0.000000e+00 : f32
      %parallel_loop3A_232 = vector.broadcast %parallel_loop3A_231 : f32 to vector<16xf32>
      %parallel_loop3A_233 = arith.constant 0 : i32
      %parallel_loop3A_234 = arith.index_cast %parallel_loop3A_233 : i32 to index
      %parallel_loop3A_235 = arith.index_cast %parallel_loop3A_230 : i32 to index
      %parallel_loop3A_236 = arith.constant 0 : index
      %parallel_loop3A_237 = tpu.vector_load %arg10[%parallel_loop3A_234, %parallel_loop3A_235, %parallel_loop3A_236] {strides = array<i32>} : memref<2x256x128xf32, #tpu.memory_space<vmem>>, vector<16xf32>,
      %parallel_loop3A_238 = arith.constant 0 : i32
      %parallel_loop3A_239 = arith.index_cast %parallel_loop3A_238 : i32 to index
      %parallel_loop3A_240 = arith.index_cast %parallel_loop3A_230 : i32 to index
      %parallel_loop3A_241 = arith.constant 64 : index
      %parallel_loop3A_242 = tpu.vector_load %arg10[%parallel_loop3A_239, %parallel_loop3A_240, %parallel_loop3A_241] {strides = array<i32>} : memref<2x256x128xf32, #tpu.memory_space<vmem>>, vector<16xf32>,
      %parallel_loop3A_243 = arith.constant 0 : i32
      %parallel_loop3A_244 = arith.index_cast %parallel_loop3A_243 : i32 to index
      %parallel_loop3A_245 = arith.index_cast %parallel_loop3A_230 : i32 to index
      %parallel_loop3A_246 = arith.constant 0 : index
      %parallel_loop3A_247 = tpu.vector_load %arg11[%parallel_loop3A_244, %parallel_loop3A_245, %parallel_loop3A_246] {strides = array<i32>} : memref<2x128x128xf32, #tpu.memory_space<vmem>>, vector<16xf32>,
      %parallel_loop3A_248 = arith.constant 0 : i32
      %parallel_loop3A_249 = arith.index_cast %parallel_loop3A_248 : i32 to index
      %parallel_loop3A_250 = arith.index_cast %parallel_loop3A_230 : i32 to index
      %parallel_loop3A_251 = arith.constant 64 : index
      %parallel_loop3A_252 = tpu.vector_load %arg11[%parallel_loop3A_249, %parallel_loop3A_250, %parallel_loop3A_251] {strides = array<i32>} : memref<2x128x128xf32, #tpu.memory_space<vmem>>, vector<16xf32>,
      %parallel_loop3A_253 = arith.constant 128 : i32
      %parallel_loop3A_254 = arith.addi %parallel_loop3A_253, %parallel_loop3A_230 : i32
      %parallel_loop3A_255 = arith.constant 0 : i32
      %parallel_loop3A_256 = arith.index_cast %parallel_loop3A_255 : i32 to index
      %parallel_loop3A_257 = arith.index_cast %parallel_loop3A_254 : i32 to index
      %parallel_loop3A_258 = arith.constant 0 : index
      %parallel_loop3A_259 = tpu.vector_load %arg10[%parallel_loop3A_256, %parallel_loop3A_257, %parallel_loop3A_258] {strides = array<i32>} : memref<2x256x128xf32, #tpu.memory_space<vmem>>, vector<16xf32>,
      %parallel_loop3A_260 = arith.constant 128 : i32
      %parallel_loop3A_261 = arith.addi %parallel_loop3A_260, %parallel_loop3A_230 : i32
      %parallel_loop3A_262 = arith.constant 0 : i32
      %parallel_loop3A_263 = arith.index_cast %parallel_loop3A_262 : i32 to index
      %parallel_loop3A_264 = arith.index_cast %parallel_loop3A_261 : i32 to index
      %parallel_loop3A_265 = arith.constant 64 : index
      %parallel_loop3A_266 = tpu.vector_load %arg10[%parallel_loop3A_263, %parallel_loop3A_264, %parallel_loop3A_265] {strides = array<i32>} : memref<2x256x128xf32, #tpu.memory_space<vmem>>, vector<16xf32>,
      %parallel_loop3A_267 = arith.mulf %parallel_loop3A_237, %parallel_loop3A_247 : vector<16xf32>
      %parallel_loop3A_268 = arith.mulf %parallel_loop3A_242, %parallel_loop3A_252 : vector<16xf32>
      %parallel_loop3A_269 = arith.addf %parallel_loop3A_267, %parallel_loop3A_268 : vector<16xf32>
      %parallel_loop3A_270 = arith.mulf %parallel_loop3A_237, %parallel_loop3A_252 : vector<16xf32>
      %parallel_loop3A_271 = arith.mulf %parallel_loop3A_242, %parallel_loop3A_247 : vector<16xf32>
      %parallel_loop3A_272 = arith.subf %parallel_loop3A_270, %parallel_loop3A_271 : vector<16xf32>
      %parallel_loop3A_273 = arith.mulf %parallel_loop3A_269, %parallel_loop3A_259 : vector<16xf32>
      %parallel_loop3A_274 = arith.mulf %parallel_loop3A_272, %parallel_loop3A_266 : vector<16xf32>
      %parallel_loop3A_275 = arith.subf %parallel_loop3A_273, %parallel_loop3A_274 : vector<16xf32>
      %parallel_loop3A_276 = arith.addf %parallel_loop3A_232, %parallel_loop3A_275 : vector<16xf32>
      %parallel_loop3A_277 = arith.constant 0 : i32
      %parallel_loop3A_278 = arith.index_cast %parallel_loop3A_277 : i32 to index
      %parallel_loop3A_279 = arith.index_cast %parallel_loop3A_230 : i32 to index
      %parallel_loop3A_280 = arith.constant 16 : index
      %parallel_loop3A_281 = tpu.vector_load %arg10[%parallel_loop3A_278, %parallel_loop3A_279, %parallel_loop3A_280] {strides = array<i32>} : memref<2x256x128xf32, #tpu.memory_space<vmem>>, vector<16xf32>,
      %parallel_loop3A_282 = arith.constant 0 : i32
      %parallel_loop3A_283 = arith.index_cast %parallel_loop3A_282 : i32 to index
      %parallel_loop3A_284 = arith.index_cast %parallel_loop3A_230 : i32 to index
      %parallel_loop3A_285 = arith.constant 80 : index
      %parallel_loop3A_286 = tpu.vector_load %arg10[%parallel_loop3A_283, %parallel_loop3A_284, %parallel_loop3A_285] {strides = array<i32>} : memref<2x256x128xf32, #tpu.memory_space<vmem>>, vector<16xf32>,
      %parallel_loop3A_287 = arith.constant 0 : i32
      %parallel_loop3A_288 = arith.index_cast %parallel_loop3A_287 : i32 to index
      %parallel_loop3A_289 = arith.index_cast %parallel_loop3A_230 : i32 to index
      %parallel_loop3A_290 = arith.constant 16 : index
      %parallel_loop3A_291 = tpu.vector_load %arg11[%parallel_loop3A_288, %parallel_loop3A_289, %parallel_loop3A_290] {strides = array<i32>} : memref<2x128x128xf32, #tpu.memory_space<vmem>>, vector<16xf32>,
      %parallel_loop3A_292 = arith.constant 0 : i32
      %parallel_loop3A_293 = arith.index_cast %parallel_loop3A_292 : i32 to index
      %parallel_loop3A_294 = arith.index_cast %parallel_loop3A_230 : i32 to index
      %parallel_loop3A_295 = arith.constant 80 : index
      %parallel_loop3A_296 = tpu.vector_load %arg11[%parallel_loop3A_293, %parallel_loop3A_294, %parallel_loop3A_295] {strides = array<i32>} : memref<2x128x128xf32, #tpu.memory_space<vmem>>, vector<16xf32>,
      %parallel_loop3A_297 = arith.constant 128 : i32
      %parallel_loop3A_298 = arith.addi %parallel_loop3A_297, %parallel_loop3A_230 : i32
      %parallel_loop3A_299 = arith.constant 0 : i32
      %parallel_loop3A_300 = arith.index_cast %parallel_loop3A_299 : i32 to index
      %parallel_loop3A_301 = arith.index_cast %parallel_loop3A_298 : i32 to index
      %parallel_loop3A_302 = arith.constant 16 : index
      %parallel_loop3A_303 = tpu.vector_load %arg10[%parallel_loop3A_300, %parallel_loop3A_301, %parallel_loop3A_302] {strides = array<i32>} : memref<2x256x128xf32, #tpu.memory_space<vmem>>, vector<16xf32>,
      %parallel_loop3A_304 = arith.constant 128 : i32
      %parallel_loop3A_305 = arith.addi %parallel_loop3A_304, %parallel_loop3A_230 : i32
      %parallel_loop3A_306 = arith.constant 0 : i32
      %parallel_loop3A_307 = arith.index_cast %parallel_loop3A_306 : i32 to index
      %parallel_loop3A_308 = arith.index_cast %parallel_loop3A_305 : i32 to index
      %parallel_loop3A_309 = arith.constant 80 : index
      %parallel_loop3A_310 = tpu.vector_load %arg10[%parallel_loop3A_307, %parallel_loop3A_308, %parallel_loop3A_309] {strides = array<i32>} : memref<2x256x128xf32, #tpu.memory_space<vmem>>, vector<16xf32>,
      %parallel_loop3A_311 = arith.mulf %parallel_loop3A_281, %parallel_loop3A_291 : vector<16xf32>
      %parallel_loop3A_312 = arith.mulf %parallel_loop3A_286, %parallel_loop3A_296 : vector<16xf32>
      %parallel_loop3A_313 = arith.addf %parallel_loop3A_311, %parallel_loop3A_312 : vector<16xf32>
      %parallel_loop3A_314 = arith.mulf %parallel_loop3A_281, %parallel_loop3A_296 : vector<16xf32>
      %parallel_loop3A_315 = arith.mulf %parallel_loop3A_286, %parallel_loop3A_291 : vector<16xf32>
      %parallel_loop3A_316 = arith.subf %parallel_loop3A_314, %parallel_loop3A_315 : vector<16xf32>
      %parallel_loop3A_317 = arith.mulf %parallel_loop3A_313, %parallel_loop3A_303 : vector<16xf32>
      %parallel_loop3A_318 = arith.mulf %parallel_loop3A_316, %parallel_loop3A_310 : vector<16xf32>
      %parallel_loop3A_319 = arith.subf %parallel_loop3A_317, %parallel_loop3A_318 : vector<16xf32>
      %parallel_loop3A_320 = arith.addf %parallel_loop3A_276, %parallel_loop3A_319 : vector<16xf32>
      %parallel_loop3A_321 = arith.constant 0 : i32
      %parallel_loop3A_322 = arith.index_cast %parallel_loop3A_321 : i32 to index
      %parallel_loop3A_323 = arith.index_cast %parallel_loop3A_230 : i32 to index
      %parallel_loop3A_324 = arith.constant 32 : index
      %parallel_loop3A_325 = tpu.vector_load %arg10[%parallel_loop3A_322, %parallel_loop3A_323, %parallel_loop3A_324] {strides = array<i32>} : memref<2x256x128xf32, #tpu.memory_space<vmem>>, vector<16xf32>,
      %parallel_loop3A_326 = arith.constant 0 : i32
      %parallel_loop3A_327 = arith.index_cast %parallel_loop3A_326 : i32 to index
      %parallel_loop3A_328 = arith.index_cast %parallel_loop3A_230 : i32 to index
      %parallel_loop3A_329 = arith.constant 96 : index
      %parallel_loop3A_330 = tpu.vector_load %arg10[%parallel_loop3A_327, %parallel_loop3A_328, %parallel_loop3A_329] {strides = array<i32>} : memref<2x256x128xf32, #tpu.memory_space<vmem>>, vector<16xf32>,
      %parallel_loop3A_331 = arith.constant 0 : i32
      %parallel_loop3A_332 = arith.index_cast %parallel_loop3A_331 : i32 to index
      %parallel_loop3A_333 = arith.index_cast %parallel_loop3A_230 : i32 to index
      %parallel_loop3A_334 = arith.constant 32 : index
      %parallel_loop3A_335 = tpu.vector_load %arg11[%parallel_loop3A_332, %parallel_loop3A_333, %parallel_loop3A_334] {strides = array<i32>} : memref<2x128x128xf32, #tpu.memory_space<vmem>>, vector<16xf32>,
      %parallel_loop3A_336 = arith.constant 0 : i32
      %parallel_loop3A_337 = arith.index_cast %parallel_loop3A_336 : i32 to index
      %parallel_loop3A_338 = arith.index_cast %parallel_loop3A_230 : i32 to index
      %parallel_loop3A_339 = arith.constant 96 : index
      %parallel_loop3A_340 = tpu.vector_load %arg11[%parallel_loop3A_337, %parallel_loop3A_338, %parallel_loop3A_339] {strides = array<i32>} : memref<2x128x128xf32, #tpu.memory_space<vmem>>, vector<16xf32>,
      %parallel_loop3A_341 = arith.constant 128 : i32
      %parallel_loop3A_342 = arith.addi %parallel_loop3A_341, %parallel_loop3A_230 : i32
      %parallel_loop3A_343 = arith.constant 0 : i32
      %parallel_loop3A_344 = arith.index_cast %parallel_loop3A_343 : i32 to index
      %parallel_loop3A_345 = arith.index_cast %parallel_loop3A_342 : i32 to index
      %parallel_loop3A_346 = arith.constant 32 : index
      %parallel_loop3A_347 = tpu.vector_load %arg10[%parallel_loop3A_344, %parallel_loop3A_345, %parallel_loop3A_346] {strides = array<i32>} : memref<2x256x128xf32, #tpu.memory_space<vmem>>, vector<16xf32>,
      %parallel_loop3A_348 = arith.constant 128 : i32
      %parallel_loop3A_349 = arith.addi %parallel_loop3A_348, %parallel_loop3A_230 : i32
      %parallel_loop3A_350 = arith.constant 0 : i32
      %parallel_loop3A_351 = arith.index_cast %parallel_loop3A_350 : i32 to index
      %parallel_loop3A_352 = arith.index_cast %parallel_loop3A_349 : i32 to index
      %parallel_loop3A_353 = arith.constant 96 : index
      %parallel_loop3A_354 = tpu.vector_load %arg10[%parallel_loop3A_351, %parallel_loop3A_352, %parallel_loop3A_353] {strides = array<i32>} : memref<2x256x128xf32, #tpu.memory_space<vmem>>, vector<16xf32>,
      %parallel_loop3A_355 = arith.mulf %parallel_loop3A_325, %parallel_loop3A_335 : vector<16xf32>
      %parallel_loop3A_356 = arith.mulf %parallel_loop3A_330, %parallel_loop3A_340 : vector<16xf32>
      %parallel_loop3A_357 = arith.addf %parallel_loop3A_355, %parallel_loop3A_356 : vector<16xf32>
      %parallel_loop3A_358 = arith.mulf %parallel_loop3A_325, %parallel_loop3A_340 : vector<16xf32>
      %parallel_loop3A_359 = arith.mulf %parallel_loop3A_330, %parallel_loop3A_335 : vector<16xf32>
      %parallel_loop3A_360 = arith.subf %parallel_loop3A_358, %parallel_loop3A_359 : vector<16xf32>
      %parallel_loop3A_361 = arith.mulf %parallel_loop3A_357, %parallel_loop3A_347 : vector<16xf32>
      %parallel_loop3A_362 = arith.mulf %parallel_loop3A_360, %parallel_loop3A_354 : vector<16xf32>
      %parallel_loop3A_363 = arith.subf %parallel_loop3A_361, %parallel_loop3A_362 : vector<16xf32>
      %parallel_loop3A_364 = arith.addf %parallel_loop3A_320, %parallel_loop3A_363 : vector<16xf32>
      %parallel_loop3A_365 = arith.constant 0 : i32
      %parallel_loop3A_366 = arith.index_cast %parallel_loop3A_365 : i32 to index
      %parallel_loop3A_367 = arith.index_cast %parallel_loop3A_230 : i32 to index
      %parallel_loop3A_368 = arith.constant 48 : index
      %parallel_loop3A_369 = tpu.vector_load %arg10[%parallel_loop3A_366, %parallel_loop3A_367, %parallel_loop3A_368] {strides = array<i32>} : memref<2x256x128xf32, #tpu.memory_space<vmem>>, vector<16xf32>,
      %parallel_loop3A_370 = arith.constant 0 : i32
      %parallel_loop3A_371 = arith.index_cast %parallel_loop3A_370 : i32 to index
      %parallel_loop3A_372 = arith.index_cast %parallel_loop3A_230 : i32 to index
      %parallel_loop3A_373 = arith.constant 112 : index
      %parallel_loop3A_374 = tpu.vector_load %arg10[%parallel_loop3A_371, %parallel_loop3A_372, %parallel_loop3A_373] {strides = array<i32>} : memref<2x256x128xf32, #tpu.memory_space<vmem>>, vector<16xf32>,
      %parallel_loop3A_375 = arith.constant 0 : i32
      %parallel_loop3A_376 = arith.index_cast %parallel_loop3A_375 : i32 to index
      %parallel_loop3A_377 = arith.index_cast %parallel_loop3A_230 : i32 to index
      %parallel_loop3A_378 = arith.constant 48 : index
      %parallel_loop3A_379 = tpu.vector_load %arg11[%parallel_loop3A_376, %parallel_loop3A_377, %parallel_loop3A_378] {strides = array<i32>} : memref<2x128x128xf32, #tpu.memory_space<vmem>>, vector<16xf32>,
      %parallel_loop3A_380 = arith.constant 0 : i32
      %parallel_loop3A_381 = arith.index_cast %parallel_loop3A_380 : i32 to index
      %parallel_loop3A_382 = arith.index_cast %parallel_loop3A_230 : i32 to index
      %parallel_loop3A_383 = arith.constant 112 : index
      %parallel_loop3A_384 = tpu.vector_load %arg11[%parallel_loop3A_381, %parallel_loop3A_382, %parallel_loop3A_383] {strides = array<i32>} : memref<2x128x128xf32, #tpu.memory_space<vmem>>, vector<16xf32>,
      %parallel_loop3A_385 = arith.constant 128 : i32
      %parallel_loop3A_386 = arith.addi %parallel_loop3A_385, %parallel_loop3A_230 : i32
      %parallel_loop3A_387 = arith.constant 0 : i32
      %parallel_loop3A_388 = arith.index_cast %parallel_loop3A_387 : i32 to index
      %parallel_loop3A_389 = arith.index_cast %parallel_loop3A_386 : i32 to index
      %parallel_loop3A_390 = arith.constant 48 : index
      %parallel_loop3A_391 = tpu.vector_load %arg10[%parallel_loop3A_388, %parallel_loop3A_389, %parallel_loop3A_390] {strides = array<i32>} : memref<2x256x128xf32, #tpu.memory_space<vmem>>, vector<16xf32>,
      %parallel_loop3A_392 = arith.constant 128 : i32
      %parallel_loop3A_393 = arith.addi %parallel_loop3A_392, %parallel_loop3A_230 : i32
      %parallel_loop3A_394 = arith.constant 0 : i32
      %parallel_loop3A_395 = arith.index_cast %parallel_loop3A_394 : i32 to index
      %parallel_loop3A_396 = arith.index_cast %parallel_loop3A_393 : i32 to index
      %parallel_loop3A_397 = arith.constant 112 : index
      %parallel_loop3A_398 = tpu.vector_load %arg10[%parallel_loop3A_395, %parallel_loop3A_396, %parallel_loop3A_397] {strides = array<i32>} : memref<2x256x128xf32, #tpu.memory_space<vmem>>, vector<16xf32>,
      %parallel_loop3A_399 = arith.mulf %parallel_loop3A_369, %parallel_loop3A_379 : vector<16xf32>
      %parallel_loop3A_400 = arith.mulf %parallel_loop3A_374, %parallel_loop3A_384 : vector<16xf32>
      %parallel_loop3A_401 = arith.addf %parallel_loop3A_399, %parallel_loop3A_400 : vector<16xf32>
      %parallel_loop3A_402 = arith.mulf %parallel_loop3A_369, %parallel_loop3A_384 : vector<16xf32>
      %parallel_loop3A_403 = arith.mulf %parallel_loop3A_374, %parallel_loop3A_379 : vector<16xf32>
      %parallel_loop3A_404 = arith.subf %parallel_loop3A_402, %parallel_loop3A_403 : vector<16xf32>
      %parallel_loop3A_405 = arith.mulf %parallel_loop3A_401, %parallel_loop3A_391 : vector<16xf32>
      %parallel_loop3A_406 = arith.mulf %parallel_loop3A_404, %parallel_loop3A_398 : vector<16xf32>
      %parallel_loop3A_407 = arith.subf %parallel_loop3A_405, %parallel_loop3A_406 : vector<16xf32>
      %parallel_loop3A_408 = arith.addf %parallel_loop3A_364, %parallel_loop3A_407 : vector<16xf32>
      %parallel_loop3A_409 = arith.constant true
      %parallel_loop3A_410 = vector.broadcast %parallel_loop3A_409 : i1 to vector<16xi1>
      %parallel_loop3A_411 = tpu.scan <sum>, %parallel_loop3A_408 masked %parallel_loop3A_410 : vector<16xf32>, vector<16xi1> -> vector<16xf32>
      %parallel_loop3A_412 = arith.constant 256 : i32
      %parallel_loop3A_413 = arith.addi %parallel_loop3A_412, %parallel_loop3A_230 : i32
      %parallel_loop3A_414 = vector.broadcast %parallel_loop3A_413 : i32 to vector<16xi32>
      tpu.vector_store_idx %arg12[%parallel_loop3A_414], %parallel_loop3A_411 masked %eq3A_4 : memref<512xf32, #tpu.memory_space<vmem>>[vector<16xi32>], vector<16xf32>, vector<16xi1>
    } {sc.loop_unroll_factor = 4 : i64, sc.parallel_access}
    %dma_wait3A_201 = arith.constant 1 : i32
    %dma_wait3A_202 = arith.constant 1 : i32
    %dma_wait3A_203 = arith.constant 0 : i32
    %dma_wait3A_204 = arith.constant 0 : i32
    %dma_wait3A_205 = tpu.memref_slice %arg10[%dma_wait3A_201, %dma_wait3A_203, %dma_wait3A_204] : memref<2x256x128xf32, #tpu.memory_space<vmem>> -> memref<1x256x128xf32, #tpu.memory_space<vmem>>
    %dma_wait3A_206 = tpu.memref_squeeze %dma_wait3A_205 : memref<1x256x128xf32, #tpu.memory_space<vmem>> -> memref<256x128xf32, #tpu.memory_space<vmem>>
    %dma_wait3A_207 = arith.constant 768 : i32
    %dma_wait3A_208 = tpu.memref_slice %arg8[%dma_wait3A_207] : memref<1024xi32, #tpu.memory_space<vmem>> -> memref<256xi32, #tpu.memory_space<vmem>>
    %dma_wait3A_209 = arith.constant 0 : i32
    %dma_wait3A_210 = arith.constant 0 : i32
    %dma_wait3A_211 = tpu.memref_slice %arg5[%dma_wait3A_209, %dma_wait3A_210] : memref<1000000x128xf32, #tpu.memory_space<hbm>> -> memref<1000000x128xf32, #tpu.memory_space<hbm>>
    %dma_wait3A_212 = tpu.memref_slice %arg13[%dma_wait3A_202] : memref<2x!tpu.dma_semaphore, #tpu.memory_space<semaphore_mem>> -> memref<1x!tpu.dma_semaphore, #tpu.memory_space<semaphore_mem>>
    %dma_wait3A_213 = tpu.memref_squeeze %dma_wait3A_212 : memref<1x!tpu.dma_semaphore, #tpu.memory_space<semaphore_mem>> -> memref<!tpu.dma_semaphore, #tpu.memory_space<semaphore_mem>>
    tpu.wait_indirect_dma semaphore(%dma_wait3A_213 : memref<!tpu.dma_semaphore, #tpu.memory_space<semaphore_mem>>) src(%dma_wait3A_211 : memref<1000000x128xf32, #tpu.memory_space<hbm>>) dst(%dma_wait3A_206 : memref<256x128xf32, #tpu.memory_space<vmem>>)
    %dma_wait3A_214 = arith.constant 1 : i32
    %dma_wait3A_215 = arith.constant 1 : i32
    %dma_wait3A_216 = arith.constant 0 : i32
    %dma_wait3A_217 = arith.constant 0 : i32
    %dma_wait3A_218 = tpu.memref_slice %arg11[%dma_wait3A_214, %dma_wait3A_216, %dma_wait3A_217] : memref<2x128x128xf32, #tpu.memory_space<vmem>> -> memref<1x128x128xf32, #tpu.memory_space<vmem>>
    %dma_wait3A_219 = tpu.memref_squeeze %dma_wait3A_218 : memref<1x128x128xf32, #tpu.memory_space<vmem>> -> memref<128x128xf32, #tpu.memory_space<vmem>>
    %dma_wait3A_220 = arith.constant 384 : i32
    %dma_wait3A_221 = tpu.memref_slice %arg9[%dma_wait3A_220] : memref<512xi32, #tpu.memory_space<vmem>> -> memref<128xi32, #tpu.memory_space<vmem>>
    %dma_wait3A_222 = arith.constant 0 : i32
    %dma_wait3A_223 = arith.constant 0 : i32
    %dma_wait3A_224 = tpu.memref_slice %arg6[%dma_wait3A_222, %dma_wait3A_223] : memref<1000x128xf32, #tpu.memory_space<hbm>> -> memref<1000x128xf32, #tpu.memory_space<hbm>>
    %dma_wait3A_225 = tpu.memref_slice %arg13[%dma_wait3A_215] : memref<2x!tpu.dma_semaphore, #tpu.memory_space<semaphore_mem>> -> memref<1x!tpu.dma_semaphore, #tpu.memory_space<semaphore_mem>>
    %dma_wait3A_226 = tpu.memref_squeeze %dma_wait3A_225 : memref<1x!tpu.dma_semaphore, #tpu.memory_space<semaphore_mem>> -> memref<!tpu.dma_semaphore, #tpu.memory_space<semaphore_mem>>
    tpu.wait_indirect_dma semaphore(%dma_wait3A_226 : memref<!tpu.dma_semaphore, #tpu.memory_space<semaphore_mem>>) src(%dma_wait3A_224 : memref<1000x128xf32, #tpu.memory_space<hbm>>) dst(%dma_wait3A_219 : memref<128x128xf32, #tpu.memory_space<vmem>>)
    %parallel_loop3A_227 = arith.constant 0 : i32
    %parallel_loop3A_228 = arith.constant 128 : i32
    %parallel_loop3A_229 = arith.constant 1 : i32
    scf.for %parallel_loop3A_230 = %parallel_loop3A_227 to %parallel_loop3A_228 step %parallel_loop3A_229  : i32 {
      %parallel_loop3A_231 = arith.constant 0.000000e+00 : f32
      %parallel_loop3A_232 = vector.broadcast %parallel_loop3A_231 : f32 to vector<16xf32>
      %parallel_loop3A_233 = arith.constant 1 : i32
      %parallel_loop3A_234 = arith.index_cast %parallel_loop3A_233 : i32 to index
      %parallel_loop3A_235 = arith.index_cast %parallel_loop3A_230 : i32 to index
      %parallel_loop3A_236 = arith.constant 0 : index
      %parallel_loop3A_237 = tpu.vector_load %arg10[%parallel_loop3A_234, %parallel_loop3A_235, %parallel_loop3A_236] {strides = array<i32>} : memref<2x256x128xf32, #tpu.memory_space<vmem>>, vector<16xf32>,
      %parallel_loop3A_238 = arith.constant 1 : i32
      %parallel_loop3A_239 = arith.index_cast %parallel_loop3A_238 : i32 to index
      %parallel_loop3A_240 = arith.index_cast %parallel_loop3A_230 : i32 to index
      %parallel_loop3A_241 = arith.constant 64 : index
      %parallel_loop3A_242 = tpu.vector_load %arg10[%parallel_loop3A_239, %parallel_loop3A_240, %parallel_loop3A_241] {strides = array<i32>} : memref<2x256x128xf32, #tpu.memory_space<vmem>>, vector<16xf32>,
      %parallel_loop3A_243 = arith.constant 1 : i32
      %parallel_loop3A_244 = arith.index_cast %parallel_loop3A_243 : i32 to index
      %parallel_loop3A_245 = arith.index_cast %parallel_loop3A_230 : i32 to index
      %parallel_loop3A_246 = arith.constant 0 : index
      %parallel_loop3A_247 = tpu.vector_load %arg11[%parallel_loop3A_244, %parallel_loop3A_245, %parallel_loop3A_246] {strides = array<i32>} : memref<2x128x128xf32, #tpu.memory_space<vmem>>, vector<16xf32>,
      %parallel_loop3A_248 = arith.constant 1 : i32
      %parallel_loop3A_249 = arith.index_cast %parallel_loop3A_248 : i32 to index
      %parallel_loop3A_250 = arith.index_cast %parallel_loop3A_230 : i32 to index
      %parallel_loop3A_251 = arith.constant 64 : index
      %parallel_loop3A_252 = tpu.vector_load %arg11[%parallel_loop3A_249, %parallel_loop3A_250, %parallel_loop3A_251] {strides = array<i32>} : memref<2x128x128xf32, #tpu.memory_space<vmem>>, vector<16xf32>,
      %parallel_loop3A_253 = arith.constant 128 : i32
      %parallel_loop3A_254 = arith.addi %parallel_loop3A_253, %parallel_loop3A_230 : i32
      %parallel_loop3A_255 = arith.constant 1 : i32
      %parallel_loop3A_256 = arith.index_cast %parallel_loop3A_255 : i32 to index
      %parallel_loop3A_257 = arith.index_cast %parallel_loop3A_254 : i32 to index
      %parallel_loop3A_258 = arith.constant 0 : index
      %parallel_loop3A_259 = tpu.vector_load %arg10[%parallel_loop3A_256, %parallel_loop3A_257, %parallel_loop3A_258] {strides = array<i32>} : memref<2x256x128xf32, #tpu.memory_space<vmem>>, vector<16xf32>,
      %parallel_loop3A_260 = arith.constant 128 : i32
      %parallel_loop3A_261 = arith.addi %parallel_loop3A_260, %parallel_loop3A_230 : i32
      %parallel_loop3A_262 = arith.constant 1 : i32
      %parallel_loop3A_263 = arith.index_cast %parallel_loop3A_262 : i32 to index
      %parallel_loop3A_264 = arith.index_cast %parallel_loop3A_261 : i32 to index
      %parallel_loop3A_265 = arith.constant 64 : index
      %parallel_loop3A_266 = tpu.vector_load %arg10[%parallel_loop3A_263, %parallel_loop3A_264, %parallel_loop3A_265] {strides = array<i32>} : memref<2x256x128xf32, #tpu.memory_space<vmem>>, vector<16xf32>,
      %parallel_loop3A_267 = arith.mulf %parallel_loop3A_237, %parallel_loop3A_247 : vector<16xf32>
      %parallel_loop3A_268 = arith.mulf %parallel_loop3A_242, %parallel_loop3A_252 : vector<16xf32>
      %parallel_loop3A_269 = arith.addf %parallel_loop3A_267, %parallel_loop3A_268 : vector<16xf32>
      %parallel_loop3A_270 = arith.mulf %parallel_loop3A_237, %parallel_loop3A_252 : vector<16xf32>
      %parallel_loop3A_271 = arith.mulf %parallel_loop3A_242, %parallel_loop3A_247 : vector<16xf32>
      %parallel_loop3A_272 = arith.subf %parallel_loop3A_270, %parallel_loop3A_271 : vector<16xf32>
      %parallel_loop3A_273 = arith.mulf %parallel_loop3A_269, %parallel_loop3A_259 : vector<16xf32>
      %parallel_loop3A_274 = arith.mulf %parallel_loop3A_272, %parallel_loop3A_266 : vector<16xf32>
      %parallel_loop3A_275 = arith.subf %parallel_loop3A_273, %parallel_loop3A_274 : vector<16xf32>
      %parallel_loop3A_276 = arith.addf %parallel_loop3A_232, %parallel_loop3A_275 : vector<16xf32>
      %parallel_loop3A_277 = arith.constant 1 : i32
      %parallel_loop3A_278 = arith.index_cast %parallel_loop3A_277 : i32 to index
      %parallel_loop3A_279 = arith.index_cast %parallel_loop3A_230 : i32 to index
      %parallel_loop3A_280 = arith.constant 16 : index
      %parallel_loop3A_281 = tpu.vector_load %arg10[%parallel_loop3A_278, %parallel_loop3A_279, %parallel_loop3A_280] {strides = array<i32>} : memref<2x256x128xf32, #tpu.memory_space<vmem>>, vector<16xf32>,
      %parallel_loop3A_282 = arith.constant 1 : i32
      %parallel_loop3A_283 = arith.index_cast %parallel_loop3A_282 : i32 to index
      %parallel_loop3A_284 = arith.index_cast %parallel_loop3A_230 : i32 to index
      %parallel_loop3A_285 = arith.constant 80 : index
      %parallel_loop3A_286 = tpu.vector_load %arg10[%parallel_loop3A_283, %parallel_loop3A_284, %parallel_loop3A_285] {strides = array<i32>} : memref<2x256x128xf32, #tpu.memory_space<vmem>>, vector<16xf32>,
      %parallel_loop3A_287 = arith.constant 1 : i32
      %parallel_loop3A_288 = arith.index_cast %parallel_loop3A_287 : i32 to index
      %parallel_loop3A_289 = arith.index_cast %parallel_loop3A_230 : i32 to index
      %parallel_loop3A_290 = arith.constant 16 : index
      %parallel_loop3A_291 = tpu.vector_load %arg11[%parallel_loop3A_288, %parallel_loop3A_289, %parallel_loop3A_290] {strides = array<i32>} : memref<2x128x128xf32, #tpu.memory_space<vmem>>, vector<16xf32>,
      %parallel_loop3A_292 = arith.constant 1 : i32
      %parallel_loop3A_293 = arith.index_cast %parallel_loop3A_292 : i32 to index
      %parallel_loop3A_294 = arith.index_cast %parallel_loop3A_230 : i32 to index
      %parallel_loop3A_295 = arith.constant 80 : index
      %parallel_loop3A_296 = tpu.vector_load %arg11[%parallel_loop3A_293, %parallel_loop3A_294, %parallel_loop3A_295] {strides = array<i32>} : memref<2x128x128xf32, #tpu.memory_space<vmem>>, vector<16xf32>,
      %parallel_loop3A_297 = arith.constant 128 : i32
      %parallel_loop3A_298 = arith.addi %parallel_loop3A_297, %parallel_loop3A_230 : i32
      %parallel_loop3A_299 = arith.constant 1 : i32
      %parallel_loop3A_300 = arith.index_cast %parallel_loop3A_299 : i32 to index
      %parallel_loop3A_301 = arith.index_cast %parallel_loop3A_298 : i32 to index
      %parallel_loop3A_302 = arith.constant 16 : index
      %parallel_loop3A_303 = tpu.vector_load %arg10[%parallel_loop3A_300, %parallel_loop3A_301, %parallel_loop3A_302] {strides = array<i32>} : memref<2x256x128xf32, #tpu.memory_space<vmem>>, vector<16xf32>,
      %parallel_loop3A_304 = arith.constant 128 : i32
      %parallel_loop3A_305 = arith.addi %parallel_loop3A_304, %parallel_loop3A_230 : i32
      %parallel_loop3A_306 = arith.constant 1 : i32
      %parallel_loop3A_307 = arith.index_cast %parallel_loop3A_306 : i32 to index
      %parallel_loop3A_308 = arith.index_cast %parallel_loop3A_305 : i32 to index
      %parallel_loop3A_309 = arith.constant 80 : index
      %parallel_loop3A_310 = tpu.vector_load %arg10[%parallel_loop3A_307, %parallel_loop3A_308, %parallel_loop3A_309] {strides = array<i32>} : memref<2x256x128xf32, #tpu.memory_space<vmem>>, vector<16xf32>,
      %parallel_loop3A_311 = arith.mulf %parallel_loop3A_281, %parallel_loop3A_291 : vector<16xf32>
      %parallel_loop3A_312 = arith.mulf %parallel_loop3A_286, %parallel_loop3A_296 : vector<16xf32>
      %parallel_loop3A_313 = arith.addf %parallel_loop3A_311, %parallel_loop3A_312 : vector<16xf32>
      %parallel_loop3A_314 = arith.mulf %parallel_loop3A_281, %parallel_loop3A_296 : vector<16xf32>
      %parallel_loop3A_315 = arith.mulf %parallel_loop3A_286, %parallel_loop3A_291 : vector<16xf32>
      %parallel_loop3A_316 = arith.subf %parallel_loop3A_314, %parallel_loop3A_315 : vector<16xf32>
      %parallel_loop3A_317 = arith.mulf %parallel_loop3A_313, %parallel_loop3A_303 : vector<16xf32>
      %parallel_loop3A_318 = arith.mulf %parallel_loop3A_316, %parallel_loop3A_310 : vector<16xf32>
      %parallel_loop3A_319 = arith.subf %parallel_loop3A_317, %parallel_loop3A_318 : vector<16xf32>
      %parallel_loop3A_320 = arith.addf %parallel_loop3A_276, %parallel_loop3A_319 : vector<16xf32>
      %parallel_loop3A_321 = arith.constant 1 : i32
      %parallel_loop3A_322 = arith.index_cast %parallel_loop3A_321 : i32 to index
      %parallel_loop3A_323 = arith.index_cast %parallel_loop3A_230 : i32 to index
      %parallel_loop3A_324 = arith.constant 32 : index
      %parallel_loop3A_325 = tpu.vector_load %arg10[%parallel_loop3A_322, %parallel_loop3A_323, %parallel_loop3A_324] {strides = array<i32>} : memref<2x256x128xf32, #tpu.memory_space<vmem>>, vector<16xf32>,
      %parallel_loop3A_326 = arith.constant 1 : i32
      %parallel_loop3A_327 = arith.index_cast %parallel_loop3A_326 : i32 to index
      %parallel_loop3A_328 = arith.index_cast %parallel_loop3A_230 : i32 to index
      %parallel_loop3A_329 = arith.constant 96 : index
      %parallel_loop3A_330 = tpu.vector_load %arg10[%parallel_loop3A_327, %parallel_loop3A_328, %parallel_loop3A_329] {strides = array<i32>} : memref<2x256x128xf32, #tpu.memory_space<vmem>>, vector<16xf32>,
      %parallel_loop3A_331 = arith.constant 1 : i32
      %parallel_loop3A_332 = arith.index_cast %parallel_loop3A_331 : i32 to index
      %parallel_loop3A_333 = arith.index_cast %parallel_loop3A_230 : i32 to index
      %parallel_loop3A_334 = arith.constant 32 : index
      %parallel_loop3A_335 = tpu.vector_load %arg11[%parallel_loop3A_332, %parallel_loop3A_333, %parallel_loop3A_334] {strides = array<i32>} : memref<2x128x128xf32, #tpu.memory_space<vmem>>, vector<16xf32>,
      %parallel_loop3A_336 = arith.constant 1 : i32
      %parallel_loop3A_337 = arith.index_cast %parallel_loop3A_336 : i32 to index
      %parallel_loop3A_338 = arith.index_cast %parallel_loop3A_230 : i32 to index
      %parallel_loop3A_339 = arith.constant 96 : index
      %parallel_loop3A_340 = tpu.vector_load %arg11[%parallel_loop3A_337, %parallel_loop3A_338, %parallel_loop3A_339] {strides = array<i32>} : memref<2x128x128xf32, #tpu.memory_space<vmem>>, vector<16xf32>,
      %parallel_loop3A_341 = arith.constant 128 : i32
      %parallel_loop3A_342 = arith.addi %parallel_loop3A_341, %parallel_loop3A_230 : i32
      %parallel_loop3A_343 = arith.constant 1 : i32
      %parallel_loop3A_344 = arith.index_cast %parallel_loop3A_343 : i32 to index
      %parallel_loop3A_345 = arith.index_cast %parallel_loop3A_342 : i32 to index
      %parallel_loop3A_346 = arith.constant 32 : index
      %parallel_loop3A_347 = tpu.vector_load %arg10[%parallel_loop3A_344, %parallel_loop3A_345, %parallel_loop3A_346] {strides = array<i32>} : memref<2x256x128xf32, #tpu.memory_space<vmem>>, vector<16xf32>,
      %parallel_loop3A_348 = arith.constant 128 : i32
      %parallel_loop3A_349 = arith.addi %parallel_loop3A_348, %parallel_loop3A_230 : i32
      %parallel_loop3A_350 = arith.constant 1 : i32
      %parallel_loop3A_351 = arith.index_cast %parallel_loop3A_350 : i32 to index
      %parallel_loop3A_352 = arith.index_cast %parallel_loop3A_349 : i32 to index
      %parallel_loop3A_353 = arith.constant 96 : index
      %parallel_loop3A_354 = tpu.vector_load %arg10[%parallel_loop3A_351, %parallel_loop3A_352, %parallel_loop3A_353] {strides = array<i32>} : memref<2x256x128xf32, #tpu.memory_space<vmem>>, vector<16xf32>,
      %parallel_loop3A_355 = arith.mulf %parallel_loop3A_325, %parallel_loop3A_335 : vector<16xf32>
      %parallel_loop3A_356 = arith.mulf %parallel_loop3A_330, %parallel_loop3A_340 : vector<16xf32>
      %parallel_loop3A_357 = arith.addf %parallel_loop3A_355, %parallel_loop3A_356 : vector<16xf32>
      %parallel_loop3A_358 = arith.mulf %parallel_loop3A_325, %parallel_loop3A_340 : vector<16xf32>
      %parallel_loop3A_359 = arith.mulf %parallel_loop3A_330, %parallel_loop3A_335 : vector<16xf32>
      %parallel_loop3A_360 = arith.subf %parallel_loop3A_358, %parallel_loop3A_359 : vector<16xf32>
      %parallel_loop3A_361 = arith.mulf %parallel_loop3A_357, %parallel_loop3A_347 : vector<16xf32>
      %parallel_loop3A_362 = arith.mulf %parallel_loop3A_360, %parallel_loop3A_354 : vector<16xf32>
      %parallel_loop3A_363 = arith.subf %parallel_loop3A_361, %parallel_loop3A_362 : vector<16xf32>
      %parallel_loop3A_364 = arith.addf %parallel_loop3A_320, %parallel_loop3A_363 : vector<16xf32>
      %parallel_loop3A_365 = arith.constant 1 : i32
      %parallel_loop3A_366 = arith.index_cast %parallel_loop3A_365 : i32 to index
      %parallel_loop3A_367 = arith.index_cast %parallel_loop3A_230 : i32 to index
      %parallel_loop3A_368 = arith.constant 48 : index
      %parallel_loop3A_369 = tpu.vector_load %arg10[%parallel_loop3A_366, %parallel_loop3A_367, %parallel_loop3A_368] {strides = array<i32>} : memref<2x256x128xf32, #tpu.memory_space<vmem>>, vector<16xf32>,
      %parallel_loop3A_370 = arith.constant 1 : i32
      %parallel_loop3A_371 = arith.index_cast %parallel_loop3A_370 : i32 to index
      %parallel_loop3A_372 = arith.index_cast %parallel_loop3A_230 : i32 to index
      %parallel_loop3A_373 = arith.constant 112 : index
      %parallel_loop3A_374 = tpu.vector_load %arg10[%parallel_loop3A_371, %parallel_loop3A_372, %parallel_loop3A_373] {strides = array<i32>} : memref<2x256x128xf32, #tpu.memory_space<vmem>>, vector<16xf32>,
      %parallel_loop3A_375 = arith.constant 1 : i32
      %parallel_loop3A_376 = arith.index_cast %parallel_loop3A_375 : i32 to index
      %parallel_loop3A_377 = arith.index_cast %parallel_loop3A_230 : i32 to index
      %parallel_loop3A_378 = arith.constant 48 : index
      %parallel_loop3A_379 = tpu.vector_load %arg11[%parallel_loop3A_376, %parallel_loop3A_377, %parallel_loop3A_378] {strides = array<i32>} : memref<2x128x128xf32, #tpu.memory_space<vmem>>, vector<16xf32>,
      %parallel_loop3A_380 = arith.constant 1 : i32
      %parallel_loop3A_381 = arith.index_cast %parallel_loop3A_380 : i32 to index
      %parallel_loop3A_382 = arith.index_cast %parallel_loop3A_230 : i32 to index
      %parallel_loop3A_383 = arith.constant 112 : index
      %parallel_loop3A_384 = tpu.vector_load %arg11[%parallel_loop3A_381, %parallel_loop3A_382, %parallel_loop3A_383] {strides = array<i32>} : memref<2x128x128xf32, #tpu.memory_space<vmem>>, vector<16xf32>,
      %parallel_loop3A_385 = arith.constant 128 : i32
      %parallel_loop3A_386 = arith.addi %parallel_loop3A_385, %parallel_loop3A_230 : i32
      %parallel_loop3A_387 = arith.constant 1 : i32
      %parallel_loop3A_388 = arith.index_cast %parallel_loop3A_387 : i32 to index
      %parallel_loop3A_389 = arith.index_cast %parallel_loop3A_386 : i32 to index
      %parallel_loop3A_390 = arith.constant 48 : index
      %parallel_loop3A_391 = tpu.vector_load %arg10[%parallel_loop3A_388, %parallel_loop3A_389, %parallel_loop3A_390] {strides = array<i32>} : memref<2x256x128xf32, #tpu.memory_space<vmem>>, vector<16xf32>,
      %parallel_loop3A_392 = arith.constant 128 : i32
      %parallel_loop3A_393 = arith.addi %parallel_loop3A_392, %parallel_loop3A_230 : i32
      %parallel_loop3A_394 = arith.constant 1 : i32
      %parallel_loop3A_395 = arith.index_cast %parallel_loop3A_394 : i32 to index
      %parallel_loop3A_396 = arith.index_cast %parallel_loop3A_393 : i32 to index
      %parallel_loop3A_397 = arith.constant 112 : index
      %parallel_loop3A_398 = tpu.vector_load %arg10[%parallel_loop3A_395, %parallel_loop3A_396, %parallel_loop3A_397] {strides = array<i32>} : memref<2x256x128xf32, #tpu.memory_space<vmem>>, vector<16xf32>,
      %parallel_loop3A_399 = arith.mulf %parallel_loop3A_369, %parallel_loop3A_379 : vector<16xf32>
      %parallel_loop3A_400 = arith.mulf %parallel_loop3A_374, %parallel_loop3A_384 : vector<16xf32>
      %parallel_loop3A_401 = arith.addf %parallel_loop3A_399, %parallel_loop3A_400 : vector<16xf32>
      %parallel_loop3A_402 = arith.mulf %parallel_loop3A_369, %parallel_loop3A_384 : vector<16xf32>
      %parallel_loop3A_403 = arith.mulf %parallel_loop3A_374, %parallel_loop3A_379 : vector<16xf32>
      %parallel_loop3A_404 = arith.subf %parallel_loop3A_402, %parallel_loop3A_403 : vector<16xf32>
      %parallel_loop3A_405 = arith.mulf %parallel_loop3A_401, %parallel_loop3A_391 : vector<16xf32>
      %parallel_loop3A_406 = arith.mulf %parallel_loop3A_404, %parallel_loop3A_398 : vector<16xf32>
      %parallel_loop3A_407 = arith.subf %parallel_loop3A_405, %parallel_loop3A_406 : vector<16xf32>
      %parallel_loop3A_408 = arith.addf %parallel_loop3A_364, %parallel_loop3A_407 : vector<16xf32>
      %parallel_loop3A_409 = arith.constant true
      %parallel_loop3A_410 = vector.broadcast %parallel_loop3A_409 : i1 to vector<16xi1>
      %parallel_loop3A_411 = tpu.scan <sum>, %parallel_loop3A_408 masked %parallel_loop3A_410 : vector<16xf32>, vector<16xi1> -> vector<16xf32>
      %parallel_loop3A_412 = arith.constant 384 : i32
      %parallel_loop3A_413 = arith.addi %parallel_loop3A_412, %parallel_loop3A_230 : i32
      %parallel_loop3A_414 = vector.broadcast %parallel_loop3A_413 : i32 to vector<16xi32>
      tpu.vector_store_idx %arg12[%parallel_loop3A_414], %parallel_loop3A_411 masked %eq3A_4 : memref<512xf32, #tpu.memory_space<vmem>>[vector<16xi32>], vector<16xf32>, vector<16xi1>
    } {sc.loop_unroll_factor = 4 : i64, sc.parallel_access}
    "tpu.region"() ({
      %run_scoped3A = tpu.sem_alloc : memref<!tpu.dma_semaphore, #tpu.memory_space<semaphore_mem>>
      %dma_start3A_230 = tpu.memref_slice %arg7[%mul3A_2] : memref<16384xf32, #tpu.memory_space<hbm>> -> memref<512xf32, #tpu.memory_space<hbm>>
      %dma_start3A_231 = tpu.memref_slice %arg7[%mul3A_2] : memref<16384xf32, #tpu.memory_space<hbm>> -> memref<512xf32, #tpu.memory_space<hbm>>
      tpu.enqueue_dma source(%arg12 : memref<512xf32, #tpu.memory_space<vmem>>) target(%dma_start3A_231 : memref<512xf32, #tpu.memory_space<hbm>>) target_semaphore(%run_scoped3A : memref<!tpu.dma_semaphore, #tpu.memory_space<semaphore_mem>>)
      %dma_wait3A_232 = tpu.memref_slice %arg7[%mul3A_2] : memref<16384xf32, #tpu.memory_space<hbm>> -> memref<512xf32, #tpu.memory_space<hbm>>
      %dma_wait3A_233 = tpu.memref_slice %arg7[%mul3A_2] : memref<16384xf32, #tpu.memory_space<hbm>> -> memref<512xf32, #tpu.memory_space<hbm>>
      tpu.wait_dma2 semaphore(%run_scoped3A : memref<!tpu.dma_semaphore, #tpu.memory_space<semaphore_mem>>) src(%arg12 : memref<512xf32, #tpu.memory_space<vmem>>) dst(%dma_wait3A_233 : memref<512xf32, #tpu.memory_space<hbm>>)
      tpu.yield
    }) : () -> ()
    return
  }
}

</mosaic_0001>

<sc_bundles>
// kernel: kernel.3.cloned.1.call-start
scs
__scs_entry_jumppad:
0x0: {  	(pc) =	sbr.rel $0x88, $3  }
0x1: {  	(tag) =	ssettag $0x0;
	lr =	simm.s32 $0x1  }
0x2: {  	[smem:$0x3F9C] =	sst lr;
	_ =	strace $0xD0000000  }
0x3: {  	_ = 	snop  }
0x4: {  	_ = 	snop  }
0x5: {  	_ = 	snop  }
0x6: {  	_ = 	snop  }
0x7: {  	_ = 	snop  }
__scs_overlays_trampoline_lowered:
0x8: {  	[smem:$0x3FAB] =	sst s0  }
0x9: {  	[smem:$0x3FAC] =	sst s1  }
0xa: {  	[smem:$0x3FAD] =	sst s2  }
0xb: {  	[smem:$0x3FAE] =	sst s3  }
0xc: {  	[smem:$0x3FAF] =	sst s4  }
0xd: {  	[smem:$0x3FB0] =	sst s5  }
0xe: {  	[smem:$0x3FB1] =	sst s6  }
0xf: {  	[smem:$0x3FB2] =	sst s7  }
0x10: {  	[smem:$0x3FB3] =	sst s8  }
0x11: {  	[smem:$0x3FB4] =	sst s9;
	s0 =	simm.s32 @!p0 $0x0  }
0x12: {  	s1 =	sld [smem:$0x3F9A];
	s0 =	simm.s32 @p0 $0x1  }
0x13: {  	[smem:$0x3FB5] =	sst s0;
	s0 =	simm.s32 @!p1 $0x0  }
0x14: {  	s2 =	sld [smem:$0x3F99];
	s0 =	simm.s32 @p1 $0x1  }
0x15: {  	[smem:$0x3FB6] =	sst s0;
	s0 =	simm.s32 @!p2 $0x0  }
0x16: {  	s3 =	sld [smem:$0x3FDB];
	s0 =	simm.s32 @p2 $0x1  }
0x17: {  	s4 =	simm.s32 $0x1BF5;
	[smem:$0x3FB8] =	sst s0  }
0x18: {  	s0 =	sld [smem:$0x3F9B];
	_ =	swait.ge [sflag:s4], $0x0  }
0x19: {  	s7 =	sld [smem:$0x3F9C]  }
0x1a: {  	s8 =	sadd.s32 $0xFFFFE003, lr  }
0x1b: {  	s9 =	sadd.s32 $0xFFFFFEF7, lr;
	s5 =	simm.s32 $0xFFFFFFFF;
	p2 =	slt.u32 s8, $0xFFFFF086  }
0x1c: {  	p1 =	slt.u32 s9, $0xF7A;
	s5 =	simm.s32 @!p2 $0x0  }
0x1d: {  	s5 =	simm.s32 @p1 $0x1;
	p0 =	seq.s32 s7, s2  }
0x1e: {  	s7 =	smul.u32 @!p0 $0xF7A, s2;
	p2 =	seq.s32 @!p0 s5, $0x0  }
0x1f: {  	s9 =	smul.u32 $0xF7A, s1;
	s8 =	simm.s32 @!p0 $0x1BF5;
	p2 =	por !p2, p0  }
0x20: {  	[sflag:s8] =	ssyncset.s32 @!p0 $0xFFFFF086;
	s6 =	sadd.s32 @!p0 s3, s7;
	s7 =	simm.s32 @!p0 $0x108  }
0x21: {  	s3 =	sadd.s32 s3, s9;
	s6 =	sadd.s32 @!p0 $0x88, s6;
	s7 =	simm.s32 @p2 $0x1082  }
0x22: {  	[simem:s7], [sflag:s8] =	dma.local @!p0 [hbm:s6], $0xF7A  }
0x23: {  	s9 =	sor.u32 $0xD0000000, s2;
	s6 =	simm.s32 $0x108;
	_ =	swait.ge @!p0 [sflag:s8], $0x0  }
0x24: {  	s3 =	sadd.s32 $0x88, s3;
	s6 =	simm.s32 @!p1 $0x1082;
	[sflag:s4] =	ssyncset.s32 $0xFFFFF086  }
0x25: {  	[simem:s6], [sflag:s4] =	dma.local [hbm:s3], $0xF7A  }
0x26: {  	[smem:$0x3F9C] =	sst s1;
	(tag) =	ssettag s2;
	_ =	strace s9  }
0x27: {  	s1 =	sld [smem:$0x3FAC]  }
0x28: {  	s2 =	sld [smem:$0x3FAD]  }
0x29: {  	s4 =	sld [smem:$0x3FAF]  }
0x2a: {  	p0 =	seq.s32 s5, $0x0;
	s5 =	sld [smem:$0x3FB0]  }
0x2b: {  	s6 =	sld [smem:$0x3FB1]  }
0x2c: {  	s7 =	sld [smem:$0x3FB2]  }
0x2d: {  	s3 =	simm.s32 $0x108;
	s8 =	sld [smem:$0x3FB3]  }
0x2e: {  	s3 =	simm.s32 @!p0 $0x1082;
	s9 =	sld [smem:$0x3FB4]  }
0x2f: {  	lr =	sadd.s32 s0, s3;
	s0 =	sld [smem:$0x3FAB]  }
0x30: {  	s3 =	sld [smem:$0x3FAE]  }
0x31: {  	[smem:$0x3FB7] =	sst s10  }
0x32: {  	s10 =	sld [smem:$0x3FB5];
	_ =	sdelay $0x3  }
0x33: {  	p0 =	seq.s32 s10, $0x1;
	s10 =	sld [smem:$0x3FB7];
	_ =	sdelay $0x3  }
0x34: {  	[smem:$0x3FB7] =	sst s10  }
0x35: {  	s10 =	sld [smem:$0x3FB6];
	_ =	sdelay $0x3  }
0x36: {  	p1 =	seq.s32 s10, $0x1;
	s10 =	sld [smem:$0x3FB7];
	_ =	sdelay $0x3  }
0x37: {  	[smem:$0x3FB7] =	sst s10  }
0x38: {  	s10 =	sld [smem:$0x3FB8]  }
0x39: {  	_ = 	snop;
	(pc) =	sbr.ind lr, $3  }
0x3a: {  	_ = 	snop  }
0x3b: {  	_ = 	snop  }
0x3c: {  	p2 =	seq.s32 s10, $0x1;
	s10 =	sld [smem:$0x3FB7]  }
0x3d: {  	_ =	shalt  }
0x3e: {  	_ =	shalt  }
0x3f: {  	_ =	shalt  }
0x40: {  	_ =	shalt  }
0x41: {  	_ =	shalt  }
0x42: {  	_ =	shalt  }
0x43: {  	_ =	shalt  }
0x44: {  	_ =	shalt  }
0x45: {  	_ =	shalt  }
0x46: {  	_ =	shalt  }
0x47: {  	_ =	shalt  }
0x48: {  	_ =	shalt  }
0x49: {  	_ =	shalt  }
0x4a: {  	_ =	shalt  }
0x4b: {  	_ =	shalt  }
0x4c: {  	_ =	shalt  }
0x4d: {  	_ =	shalt  }
0x4e: {  	_ =	shalt  }
0x4f: {  	_ =	shalt  }
0x50: {  	_ =	shalt  }
0x51: {  	_ =	shalt  }
0x52: {  	_ =	shalt  }
0x53: {  	_ =	shalt  }
0x54: {  	_ =	shalt  }
0x55: {  	_ =	shalt  }
0x56: {  	_ =	shalt  }
0x57: {  	_ =	shalt  }
0x58: {  	_ =	shalt  }
0x59: {  	_ =	shalt  }
0x5a: {  	_ =	shalt  }
0x5b: {  	_ =	shalt  }
0x5c: {  	_ =	shalt  }
0x5d: {  	_ =	shalt  }
0x5e: {  	_ =	shalt  }
0x5f: {  	_ =	shalt  }
0x60: {  	_ =	shalt  }
0x61: {  	_ =	shalt  }
0x62: {  	_ =	shalt  }
0x63: {  	_ =	shalt  }
0x64: {  	_ =	shalt  }
0x65: {  	_ =	shalt  }
0x66: {  	_ =	shalt  }
0x67: {  	_ =	shalt  }
0x68: {  	_ =	shalt  }
0x69: {  	_ =	shalt  }
0x6a: {  	_ =	shalt  }
0x6b: {  	_ =	shalt  }
0x6c: {  	_ =	shalt  }
0x6d: {  	_ =	shalt  }
0x6e: {  	_ =	shalt  }
0x6f: {  	_ =	shalt  }
0x70: {  	_ =	shalt  }
0x71: {  	_ =	shalt  }
0x72: {  	_ =	shalt  }
0x73: {  	_ =	shalt  }
0x74: {  	_ =	shalt  }
0x75: {  	_ =	shalt  }
0x76: {  	_ =	shalt  }
0x77: {  	_ =	shalt  }
0x78: {  	_ =	shalt  }
0x79: {  	_ =	shalt  }
0x7a: {  	_ =	shalt  }
0x7b: {  	_ =	shalt  }
0x7c: {  	_ =	shalt  }
0x7d: {  	_ =	shalt  }
0x7e: {  	_ =	shalt  }
0x7f: {  	_ =	shalt  }
0x80: {  	_ =	shalt  }
0x81: {  	_ =	shalt  }
0x82: {  	_ =	shalt  }
0x83: {  	_ =	shalt  }
0x84: {  	_ =	shalt  }
0x85: {  	_ =	shalt  }
0x86: {  	_ =	shalt  }
0x87: {  	_ =	shalt  }
.Lfunc_end0:
.L_simem_size_0:
called_computation_lowered:
.L_overlay_start_0:
0x88: {  	s2 =	sld [smem:$0x3FD9]  }
0x89: {  	s3 =	sld [smem:$0x3FFE];
	_ =	sdelay $0x1  }
0x8a: {  	s1 =	srdreg.scid  }
0x8b: {  	s0 =	sand.u32 $0x1, s1  }
0x8c: {  	s18 =	sshll.u32 s0, $0xA;
	s2 =	sadd.s32 s3, s2  }
0x8d: {  	s2 =	sadd.s32 s2, s18  }
0x8e: {  	[smem:$0x3FC3] =	sst s2  }
0x8f: {  	_ = 	snop  }
0x90: {  	s2 =	sld [smem:$0x3FC9]  }
0x91: {  	s19 =	sld [smem:$0x3FC8]  }
0x92: {  	s4 =	sld [smem:$0x3FC7]  }
0x93: {  	s5 =	sld [smem:$0x3FC6]  }
0x94: {  	s6 =	sld [smem:$0x3FC5]  }
0x95: {  	s7 =	sld [smem:$0x3FD0];
	(tm) =	ssettm $0x1  }
0x96: {  	s8 =	sld [smem:$0x3FFB];
	_ =	sdelay $0x3  }
0x97: {  	_ =	strace s8  }
0x98: {  	s8 =	sld [smem:$0x3FFC];
	_ =	sdelay $0x3  }
0x99: {  	_ =	strace s8  }
0x9a: {  	s8 =	sld [smem:$0x3FFD];
	_ =	sdelay $0x3  }
0x9b: {  	_ =	strace s8  }
0x9c: {  	_ =	strace $0x8FFFFFFF  }
0x9d: {  	s20 =	sld [smem:$0x3FDB];
	_ =	sdelay $0x1  }
0x9e: {  	s9 =	simm.s32 $_scs_section_size  }
0x9f: {  	s10 =	simm.s32 $_size__tile_overlayer_lowered;
	s11 =	simm.s32 $_tile_overlayer_lowered  }
0xa0: {  	s23 =	simm.s32 $0x1BFF;
	s22 =	sshll.u32 s11, $0x1;
	s8 =	sadd.s32 s9, s20  }
0xa1: {  	s12 =	simm.s32 $0x0;
	s21 =	sshll.u32 s10, $0x1;
	s10 =	sadd.s32 s22, s8  }
0xa2: {  	[timem:s12], [sflag:s23] =	dma.local [hbm:s10], s21  }
0xa3: {  	_ =	swait.ge [sflag:s23], s21  }
0xa4: {  	s9 =	ssub.s32 $0x0, s21;
	[sflag:s23] =	ssyncset.done $0x0  }
0xa5: {  	[sflag:s23] =	ssyncadd.s32 s9;
	_ =	sdelay $0x1  }
0xa6: {  	s24 =	simm.s32 $0x1B8B  }
0xa7: {  	_ =	swait.ge [sflag:s24], $0x1  }
0xa8: {  	[sflag:s24] =	ssyncset.done $0x0  }
0xa9: {  	s25 =	simm.s32 $0x1B8E;
	[sflag:s24] =	ssyncadd.s32 $0xFFFFFFFF  }
0xaa: {  	s26 =	simm.s32 $execute0_lowered;
	[smem:$0x3FD2] =	sst s25  }
0xab: {  	s9 =	sshll.u32 s26, $0x1;
	_ =	strace $0x80000046;
	[dreg:$0x1] =	wrdreg $0xFFFFFFFF  }
0xac: {  	s28 =	simm.s32 $_size_execute0_lowered;
	s8 =	sadd.s32 s8, s9;
	[dreg:$0x0] =	wrdreg $0x0  }
0xad: {  	s9 =	sshll.u32 s28, $0x1;
	[dreg:$0x2] =	wrdreg s8  }
0xae: {  	[dreg:$0x3] =	wrdreg s9  }
0xaf: {  	[dreg:$0x4] =	wrdreg $0xC0  }
0xb0: {  	_ =	task [dreg:s12], $0x5FFFF  }
0xb1: {  	[dreg:$0x1] =	wrdreg $0xFFFFFFFF  }
0xb2: {  	[dreg:$0x0] =	wrdreg $0x60  }
0xb3: {  	[dreg:$0x2] =	wrdreg s2  }
0xb4: {  	[dreg:$0x3] =	wrdreg s19  }
0xb5: {  	[dreg:$0x4] =	wrdreg s4  }
0xb6: {  	[dreg:$0x5] =	wrdreg s5  }
0xb7: {  	[dreg:$0x6] =	wrdreg s6  }
0xb8: {  	[dreg:$0x7] =	wrdreg s7  }
0xb9: {  	[dreg:$0x8] =	wrdreg $0x9  }
0xba: {  	_ =	task.clear_ibuf [dreg:s12], $0x9FFFF;
	_ =	strace $0x90000046  }
0xbb: {  	s29 =	simm.s32 $0x9;
	_ =	strace $0x80000048  }
0xbc: {  	_ =	swait.ge [sflag:s29], $0x1  }
0xbd: {  	[sflag:s29] =	ssyncadd.s32 $0xFFFFFFFF  }
0xbe: {  	_ =	strace $0x90000048  }
0xbf: {  	_ =	sfence  }
0xc0: {  	s30 =	sld [smem:$0x0];
	_ =	sdelay $0x2  }
0xc1: {  	s31 =	sshll.u32 s1, $0xD;
	s1 =	sshrl.u32 s1, $0x2  }
0xc2: {  	s3 =	sand.u32 $0x4000, s31;
	s1 =	sadd.s32 s1, s30  }
0xc3: {  	s0 =	sor.u32 s3, s0;
	s1 =	sshll.u32 s1, $0x11  }
0xc4: {  	s0 =	sor.u32 s1, s0  }
0xc5: {  	s0 =	sadd.s32 $0x8F2B, s0  }
0xc6: {  	[sflag:s0] =	ssyncadd.remote.s32 $0x1  }
0xc7: {  	_ =	sfence.sel $0xFFFF  }
0xc8: {  	[dreg:$0x0] =	wrdreg $0xFFFFFFFF;
	(pc) =	sbr.abs _section_cstart, $3  }
0xc9: {  	[dreg:$0x1] =	wrdreg $0xFFFFFFFF  }
0xca: {  	_ =	task.clear_ibuf [dreg:s12], $0x2FFFF;
	_ =	strace $0x9FFFFFFF  }
0xcb: {  	(tm) =	ssettm $0x7FFFFFFF  }
tec
execute0_lowered:
.L_overlay_start_1:
0x0: {  	(tag) =	ssettag $0x1  }
0x1: {  	s0 =	rddreg [dreg:$0x0]  }
0x2: {  	s3 =	rddreg [dreg:$0x1]  }
0x3: {  	s12 =	rddreg [dreg:$0x2]  }
0x4: {  	s1 =	rddreg [dreg:$0x3]  }
0x5: {  	s2 =	rddreg [dreg:$0x4]  }
0x6: {  	s14 =	rddreg [dreg:$0x5];
	s5 =	srdreg.scid  }
0x7: {  	s4 =	simm.s32 $0x0;
	s7 =	stileid.u32;
	s17 =	simm.s32 $0x80  }
0x8: {  	s18 =	simm.s32 $0x100;
	s25 =	simm.s32 $0x600;
	s26 =	simm.s32 $0x10600  }
0x9: {  	s28 =	simm.s32 $0x1;
	s29 =	simm.s32 $0x8600;
	s31 =	simm.s32 $0x14600  }
0xa: {  	s23 =	simm.s32 $0x0;
	s5 =	sand.u32 $0x1, s5;
	s7 =	sshll.u32 s7, $0x7  }
0xb: {  	[smem:$0x7FF] =	sst s4;
	s6 =	ssub.s32 $0x2, s5;
	s5 =	sshll.u32 s5, $0x6  }
0xc: {  	_ =	strace $0x80000047;
	s8 =	sshrl.u32 s6, $0x1;
	s15 =	sor.u32 s5, s7  }
0xd: {  	s16 =	ssub.s32 s6, s8;
	s30 =	sor.u32 $0x10, s15;
	s5 =	sadd.s32 s0, s15  }
0xe: {  	s6 =	sadd.s32 s12, s15;
	s10 =	sor.u32 $0x20, s15;
	s13 =	sor.u32 $0x30, s15  }
0xf: {  	s14 =	sadd.s32 s14, s15;
	s7 =	sadd.s32 s0, s30;
	s8 =	sadd.s32 s12, s30  }
0x10: {  	vm0 =	vcmask $0x3F3C;
	s9 =	sadd.s32 s0, s10;
	s10 =	sadd.s32 s12, s10;
	s11 =	sadd.s32 s0, s13  }
0x11: {  	s12 =	sadd.s32 s12, s13;
	s13 =	sadd.s32 s3, s15;
	s15 =	smax.u32 s16, $0x1  }
0x12: {  	s16 =	simm.s32 $0x3;
	s0 =	simm.s32 $0x18600;
	s3 =	simm.s32 $0x2  }
.LBB2_1:
0x13: {  	[tilespmem:s4], [sflag:$0x3] =	stream.linear.gather [hbm4b:s5+s4], $0x80, $0x38;
	[tilespmem:$0x18800] =	vst v63  }
0x14: {  	_ =	swait.ge [sflag:s16], $0x80  }
0x15: {  	[sflag:s16] =	ssyncset.done $0x0  }
0x16: {  	[sflag:s16] =	ssyncadd.s32 $0xFFFFFF80  }
0x17: {  	[tilespmem:s17], [sflag:$0x3] =	stream.linear.gather [hbm4b:s6+s4], $0x80, $0x38;
	[tilespmem:$0x18800] =	vst v63  }
0x18: {  	_ =	swait.ge [sflag:s16], $0x80  }
0x19: {  	[sflag:s16] =	ssyncset.done $0x0  }
0x1a: {  	[sflag:s16] =	ssyncadd.s32 $0xFFFFFF80  }
0x1b: {  	[tilespmem:s18], [sflag:$0x3] =	stream.linear.gather [hbm4b:s7+s4], $0x80, $0x38;
	[tilespmem:$0x18800] =	vst v63  }
0x1c: {  	_ =	swait.ge [sflag:s16], $0x80  }
0x1d: {  	[sflag:s16] =	ssyncset.done $0x0  }
0x1e: {  	s19 =	simm.s32 $0x180;
	[sflag:s16] =	ssyncadd.s32 $0xFFFFFF80  }
0x1f: {  	[tilespmem:s19], [sflag:$0x3] =	stream.linear.gather [hbm4b:s8+s4], $0x80, $0x38;
	[tilespmem:$0x18800] =	vst v63  }
0x20: {  	_ =	swait.ge [sflag:s16], $0x80  }
0x21: {  	[sflag:s16] =	ssyncset.done $0x0  }
0x22: {  	s24 =	simm.s32 $0x200;
	[sflag:s16] =	ssyncadd.s32 $0xFFFFFF80  }
0x23: {  	[tilespmem:s24], [sflag:$0x3] =	stream.linear.gather [hbm4b:s9+s4], $0x80, $0x38;
	[tilespmem:$0x18800] =	vst v63  }
0x24: {  	_ =	swait.ge [sflag:s16], $0x80  }
0x25: {  	[sflag:s16] =	ssyncset.done $0x0  }
0x26: {  	s20 =	simm.s32 $0x280;
	[sflag:s16] =	ssyncadd.s32 $0xFFFFFF80  }
0x27: {  	[tilespmem:s20], [sflag:$0x3] =	stream.linear.gather [hbm4b:s10+s4], $0x80, $0x38;
	[tilespmem:$0x18800] =	vst v63  }
0x28: {  	_ =	swait.ge [sflag:s16], $0x80  }
0x29: {  	[sflag:s16] =	ssyncset.done $0x0  }
0x2a: {  	s21 =	simm.s32 $0x300;
	[sflag:s16] =	ssyncadd.s32 $0xFFFFFF80  }
0x2b: {  	[tilespmem:s21], [sflag:$0x3] =	stream.linear.gather [hbm4b:s11+s4], $0x80, $0x38;
	[tilespmem:$0x18800] =	vst v63  }
0x2c: {  	_ =	swait.ge [sflag:s16], $0x80  }
0x2d: {  	[sflag:s16] =	ssyncset.done $0x0  }
0x2e: {  	s22 =	simm.s32 $0x380;
	[sflag:s16] =	ssyncadd.s32 $0xFFFFFF80  }
0x2f: {  	[tilespmem:s22], [sflag:$0x3] =	stream.linear.gather [hbm4b:s12+s4], $0x80, $0x38;
	[tilespmem:$0x18800] =	vst v63  }
0x30: {  	_ =	swait.ge [sflag:s16], $0x80  }
0x31: {  	[sflag:s16] =	ssyncset.done $0x0  }
0x32: {  	s24 =	simm.s32 $0x400;
	[sflag:s16] =	ssyncadd.s32 $0xFFFFFF80  }
0x33: {  	[tilespmem:s24], [sflag:$0x3] =	stream.linear.gather [hbm4b:s13+s4], $0x200, $0x38;
	[tilespmem:$0x18800] =	vst v63  }
0x34: {  	_ =	swait.ge [sflag:s16], $0x200  }
0x35: {  	[sflag:s16] =	ssyncset.done $0x0  }
0x36: {  	[sflag:s16] =	ssyncadd.s32 $0xFFFFFE00  }
0x37: {  	[tilespmem:s25], [sflag:$0x1] =	stream.indirect.gather [hbm4b:s1+s18], $0x80, s4, s18, $0xb8;
	[tilespmem:$0x18800] =	vst v63  }
0x38: {  	_ = 	snop  }
0x39: {  	[tilespmem:s26], [sflag:$0x1] =	stream.indirect.gather [hbm4b:s2+s17], $0x80, s24, s17, $0xb8;
	[tilespmem:$0x18800] =	vst v63  }
0x3a: {  	_ =	swait.ge [sflag:s28], $0x8000  }
0x3b: {  	[sflag:s28] =	ssyncset.done $0x0  }
0x3c: {  	[sflag:s28] =	ssyncadd.s32 $0xFFFF8000  }
0x3d: {  	_ =	swait.ge [sflag:s28], $0x4000  }
0x3e: {  	[sflag:s28] =	ssyncset.done $0x0  }
0x3f: {  	[sflag:s28] =	ssyncadd.s32 $0xFFFFC000  }
0x40: {  	[tilespmem:s29], [sflag:$0x2] =	stream.indirect.gather [hbm4b:s1+s18], $0x80, s18, s18, $0xb8;
	[tilespmem:$0x18800] =	vst v63  }
0x41: {  	s20 =	simm.s32 $0x480;
	s21 =	simm.s32 $0x0  }
0x42: {  	[tilespmem:s31], [sflag:$0x2] =	stream.indirect.gather [hbm4b:s2+s17], $0x80, s20, s17, $0xb8;
	[tilespmem:$0x18800] =	vst v63  }
0x43: {  	v0 =	vld [tilespmem:s21+$0x7B0]  }
0x44: {  	v1 =	vld [tilespmem:s21+$0x7F0]  }
0x45: {  	v2 =	vld [tilespmem:s21+$0x107B0]  }
0x46: {  	v3 =	vld [tilespmem:s21+$0x107F0]  }
0x47: {  	v4 =	vld [tilespmem:s21+$0x7A0]  }
0x48: {  	v5 =	vld [tilespmem:s21+$0x7E0]  }
0x49: {  	v6 =	vld [tilespmem:s21+$0x107A0]  }
0x4a: {  	v7 =	vld [tilespmem:s21+$0x107E0]  }
0x4b: {  	v8 =	vld [tilespmem:s21+$0x790]  }
0x4c: {  	v9 =	vld [tilespmem:s21+$0x10790]  }
0x4d: {  	v10 =	vld [tilespmem:s21+$0x780]  }
0x4e: {  	v11 =	vld [tilespmem:s21+$0x7C0]  }
0x4f: {  	v12 =	vld [tilespmem:s21+$0x10780]  }
0x50: {  	v13 =	vld [tilespmem:s21+$0x107C0]  }
0x51: {  	v14 =	vld [tilespmem:s21+$0x7D0]  }
0x52: {  	v15 =	vld [tilespmem:s21+$0x107D0]  }
0x53: {  	v16 =	vld [tilespmem:s21+$0x600]  }
0x54: {  	v17 =	vld [tilespmem:s21+$0x4780]  }
0x55: {  	v18 =	vld [tilespmem:s21+$0x47C0]  }
0x56: {  	v19 =	vld [tilespmem:s21+$0x4790]  }
0x57: {  	v20 =	vld [tilespmem:s21+$0x47D0]  }
0x58: {  	v21 =	vld [tilespmem:s21+$0x47A0]  }
0x59: {  	v22 =	vld [tilespmem:s21+$0x47E0]  }
0x5a: {  	v23 =	vld [tilespmem:s21+$0x47B0]  }
0x5b: {  	v24 =	vld [tilespmem:s21+$0x47F0]  }
0x5c: {  	v25 =	vld [tilespmem:s21+$0x640]  }
0x5d: {  	v26 =	vld [tilespmem:s21+$0x10600]  }
0x5e: {  	v27 =	vld [tilespmem:s21+$0x10640]  }
0x5f: {  	v28 =	vld [tilespmem:s21+$0x680]  }
0x60: {  	v29 =	vld [tilespmem:s21+$0x6C0]  }
0x61: {  	v30 =	vld [tilespmem:s21+$0x10680]  }
0x62: {  	v31 =	vld [tilespmem:s21+$0x106C0]  }
0x63: {  	v32 =	vld [tilespmem:s21+$0x700]  }
0x64: {  	v33 =	vld [tilespmem:s21+$0x740]  }
0x65: {  	v34 =	vld [tilespmem:s21+$0x10700]  }
0x66: {  	v35 =	vld [tilespmem:s21+$0x10740]  }
0x67: {  	v36 =	vld [tilespmem:s21+$0x610]  }
0x68: {  	v37 =	vld [tilespmem:s21+$0x650]  }
0x69: {  	v38 =	vld [tilespmem:s21+$0x10610]  }
0x6a: {  	v39 =	vld [tilespmem:s21+$0x10650]  }
0x6b: {  	v40 =	vld [tilespmem:s21+$0x690]  }
0x6c: {  	v41 =	vld [tilespmem:s21+$0x6D0]  }
0x6d: {  	v42 =	vld [tilespmem:s21+$0x10690]  }
0x6e: {  	v43 =	vld [tilespmem:s21+$0x106D0]  }
0x6f: {  	v44 =	vld [tilespmem:s21+$0x710]  }
0x70: {  	v45 =	vld [tilespmem:s21+$0x750];
	v49 =	vmul.f32 v6, v4;
	v50 =	vmul.f32 v12, v10  }
0x71: {  	v46 =	vld [tilespmem:s21+$0x10710];
	v52 =	vmul.f32 v13, v11;
	v10 =	vmul.f32 v13, v10  }
0x72: {  	v47 =	vld [tilespmem:s21+$0x10750];
	v53 =	vmul.f32 v9, v8;
	v11 =	vmul.f32 v12, v11  }
0x73: {  	v48 =	vld [tilespmem:s21+$0x4600];
	v8 =	vmul.f32 v15, v8;
	v15 =	vmul.f32 v15, v14  }
0x74: {  	v51 =	vld [tilespmem:s21+$0x4640];
	v9 =	vmul.f32 v9, v14;
	v4 =	vmul.f32 v7, v4  }
0x75: {  	v55 =	vld [tilespmem:s21+$0x4690];
	v7 =	vmul.f32 v7, v5;
	v5 =	vmul.f32 v6, v5  }
0x76: {  	v58 =	vld [tilespmem:s21+$0x46D0];
	v59 =	vmul.f32 v30, v29;
	v60 =	vmul.f32 v31, v28  }
0x77: {  	v13 =	vld [tilespmem:s21+$0x620];
	v61 =	vmul.f32 v34, v33;
	v62 =	vmul.f32 v35, v32  }
0x78: {  	v12 =	vld [tilespmem:s21+$0x660];
	v63 =	vmul.f32 v38, v36;
	v54 =	vmul.f32 v42, v41  }
0x79: {  	v6 =	vld [tilespmem:s21+$0x4680];
	v56 =	vmul.f32 v43, v41;
	v57 =	vmul.f32 v43, v40;
	v50 =	vadd.f32 v52, v50  }
0x7a: {  	v52 =	vld [tilespmem:s21+$0x10620];
	v10 =	vsub.f32 v10, v11;
	v7 =	vadd.f32 v7, v49;
	v49 =	vmul.f32 v38, v37  }
0x7b: {  	v11 =	vld [tilespmem:s21+$0x10660];
	v14 =	vadd.f32 v15, v53;
	v53 =	vmul.f32 v42, v40;
	v15 =	vmul.f32 v50, v17  }
0x7c: {  	v8 =	vsub.f32 v8, v9;
	v9 =	vld [tilespmem:s21+$0x46C0];
	v10 =	vmul.f32 v18, v10;
	v17 =	vmul.f32 v2, v0  }
0x7d: {  	v4 =	vsub.f32 v4, v5;
	v38 =	vld [tilespmem:s21+$0x6B0];
	v0 =	vmul.f32 v3, v0;
	v3 =	vmul.f32 v3, v1  }
0x7e: {  	v18 =	vld [tilespmem:s21+$0x6A0];
	v1 =	vmul.f32 v2, v1;
	v8 =	vmul.f32 v20, v8  }
0x7f: {  	v2 =	vld [tilespmem:s21+$0x6E0];
	v7 =	vmul.f32 v7, v21;
	v4 =	vmul.f32 v22, v4  }
0x80: {  	v20 =	vld [tilespmem:s21+$0x10760];
	v21 =	vsub.f32 v60, v59;
	v50 =	vmul.f32 v39, v36;
	v59 =	vmul.f32 v46, v44  }
0x81: {  	v22 =	vld [tilespmem:s21+$0x4610];
	v60 =	vmul.f32 v46, v45;
	v5 =	vsub.f32 v15, v10;
	v10 =	vmul.f32 v14, v19  }
0x82: {  	v14 =	vld [tilespmem:s21+$0x106A0];
	v3 =	vadd.f32 v3, v17;
	v0 =	vsub.f32 v0, v1;
	v19 =	vmul.f32 v26, v25  }
0x83: {  	v1 =	vld [tilespmem:s21+$0x106E0];
	v46 =	vmul.f32 v52, v13;
	v8 =	vsub.f32 v10, v8;
	v5 =	vadd.f32 $0.0e+00, v5  }
0x84: {  	v15 =	vld [tilespmem:s21+$0x4740];
	v4 =	vsub.f32 v7, v4;
	v3 =	vmul.f32 v3, v23;
	v0 =	vmul.f32 v24, v0  }
0x85: {  	v7 =	vld [tilespmem:s21+$0x720];
	v23 =	vadd.f32 v56, v53;
	v5 =	vadd.f32 v8, v5;
	v8 =	vmul.f32 v26, v16  }
0x86: {  	v17 =	vld [tilespmem:s21+$0x760];
	v0 =	vsub.f32 v3, v0;
	v3 =	vmul.f32 v27, v25;
	v16 =	vmul.f32 v27, v16  }
0x87: {  	v10 =	vld [tilespmem:s21+$0x4700];
	v25 =	vsub.f32 v62, v61;
	v61 =	vmul.f32 v47, v45;
	v62 =	vmul.f32 v47, v44  }
0x88: {  	v24 =	vld [tilespmem:s21+$0x4650];
	v47 =	vmul.f32 v52, v12;
	v12 =	vmul.f32 v11, v12  }
0x89: {  	v11 =	vmul.f32 v11, v13;
	v13 =	vld [tilespmem:s21+$0x4710];
	v23 =	vmul.f32 v23, v55;
	v4 =	vadd.f32 v4, v5  }
0x8a: {  	v56 =	vld [tilespmem:s21+$0x4630];
	v3 =	vadd.f32 v3, v8;
	v8 =	vmul.f32 v31, v29;
	v16 =	vsub.f32 v16, v19  }
0x8b: {  	v26 =	vld [tilespmem:s21+$0x630];
	v19 =	vmul.f32 v34, v32;
	v29 =	vsub.f32 v50, v49;
	v27 =	vadd.f32 v61, v59  }
0x8c: {  	v45 =	vld [tilespmem:s21+$0x106B0];
	v12 =	vadd.f32 v12, v46;
	v0 =	vadd.f32 v0, v4;
	v4 =	vmul.f32 v30, v28  }
0x8d: {  	v52 =	vld [tilespmem:s21+$0x4720];
	v11 =	vsub.f32 v11, v47;
	v3 =	vmul.f32 v3, v48;
	v16 =	vmul.f32 v51, v16  }
0x8e: {  	v5 =	vld [tilespmem:s21+$0x10720];
	v13 =	vmul.f32 v27, v13;
	v4 =	vadd.f32 v8, v4;
	v8 =	vmul.f32 v35, v33  }
0x8f: {  	v32 =	vld [tilespmem:s21+$0x10670];
	v3 =	vsub.f32 v3, v16;
	v16 =	vmul.f32 v14, v18;
	v14 =	vmul.f32 v14, v2  }
0x90: {  	v49 =	vld [tilespmem:s21+$0x730];
	v33 =	vsub.f32 v57, v54;
	v2 =	vmul.f32 v1, v2;
	v1 =	vmul.f32 v1, v18  }
0x91: {  	v50 =	vld [tilespmem:s21+$0x4620];
	v8 =	vadd.f32 v8, v19;
	v19 =	vmul.f32 v39, v37;
	v37 =	vsub.f32 v62, v60  }
0x92: {  	v28 =	vld [tilespmem:s21+$0x670];
	v4 =	vmul.f32 v4, v6;
	v6 =	vmul.f32 v9, v21;
	v1 =	vsub.f32 v1, v14  }
0x93: {  	v30 =	vld [tilespmem:s21+$0x10630];
	v14 =	vmul.f32 v24, v29;
	v53 =	vmul.f32 v58, v33;
	v19 =	vadd.f32 v19, v63  }
0x94: {  	v48 =	vld [tilespmem:s21+$0x106F0];
	v4 =	vsub.f32 v4, v6;
	v6 =	vmul.f32 v8, v10;
	v8 =	vmul.f32 v15, v25  }
0x95: {  	v9 =	vld [tilespmem:s21+$0x4750];
	v2 =	vadd.f32 v2, v16;
	v15 =	vmul.f32 v5, v7;
	v16 =	vmul.f32 v19, v22  }
0x96: {  	v3 =	vadd.f32 $0.0e+00, v3;
	v63 =	vld [tilespmem:s21+$0x6F0];
	v5 =	vmul.f32 v5, v17;
	v7 =	vmul.f32 v20, v7  }
0x97: {  	v6 =	vsub.f32 v6, v8;
	v8 =	vmul.f32 v20, v17;
	v17 =	vld [tilespmem:s21+$0x4660];
	v14 =	vsub.f32 v16, v14  }
0x98: {  	v51 =	vmul.f32 v30, v28;
	v7 =	vsub.f32 v7, v5;
	v5 =	vmul.f32 v30, v26;
	v16 =	vld [tilespmem:s21+$0x46A0]  }
0x99: {  	v15 =	vadd.f32 v8, v15;
	v8 =	vld [tilespmem:s21+$0x46E0];
	v14 =	vadd.f32 v14, v3;
	v3 =	vmul.f32 v32, v28  }
0x9a: {  	v18 =	vld [tilespmem:s21+$0x770];
	v4 =	vadd.f32 $0.0e+00, v4;
	v26 =	vmul.f32 v32, v26;
	v9 =	vmul.f32 v9, v37  }
0x9b: {  	v10 =	vld [tilespmem:s21+$0x10730];
	v57 =	vmul.f32 v45, v63;
	v55 =	vadd.f32 v3, v5;
	v5 =	vsub.f32 v23, v53  }
0x9c: {  	v19 =	vld [tilespmem:s21+$0x10770];
	v6 =	vadd.f32 $0.0e+00, v6;
	v58 =	vmul.f32 v48, v63;
	v3 =	vmul.f32 v45, v38  }
0x9d: {  	v59 =	vld [tilespmem:s21+$0x4670];
	v11 =	vmul.f32 v17, v11;
	v61 =	vadd.f32 v5, v4;
	v4 =	vmul.f32 v48, v38  }
0x9e: {  	v54 =	vld [tilespmem:s21+$0x4760];
	v2 =	vmul.f32 v2, v16;
	v1 =	vmul.f32 v8, v1;
	v25 =	vadd.f32 v58, v3  }
0x9f: {  	(xrf2) =	vadd.scan.msk.f32 $0xffff, v0;
	v60 =	vld [tilespmem:s21+$0x46B0];
	v3 =	vsub.f32 v13, v9;
	v0 =	vsub.f32 v4, v57;
	v4 =	vmul.f32 v12, v50  }
0xa0: {  	v62 =	vld [tilespmem:s21+$0x46F0];
	v20 =	vsub.f32 v26, v51;
	v9 =	vmul.f32 v10, v49;
	v10 =	vmul.f32 v10, v18  }
0xa1: {  	s30 =	simm.s32 $0x200;
	v63 =	vld [tilespmem:s21+$0x4770];
	v18 =	vmul.f32 v19, v18;
	v12 =	vadd.f32 v3, v6;
	v6 =	vsub.f32 v4, v11  }
0xa2: {  	v8 =	vld [tilespmem:s30+$0x107F0];
	v19 =	vmul.f32 v19, v49;
	v1 =	vsub.f32 v2, v1;
	v2 =	vmul.f32 v15, v52  }
0xa3: {  	s22 =	simm.s32 $0x3;
	v13 =	vld [tilespmem:s21+$0x4730];
	v15 =	vmul.f32 v59, v20;
	v11 =	vadd.f32 v6, v14;
	v14 =	vmul.f32 v55, v56  }
0xa4: {  	v17 =	vmov s22;
	v5 =	vld [tilespmem:s30+$0x7B0];
	v16 =	vadd.f32 v18, v9  }
0xa5: {  	v3 =	vld [tilespmem:s30+$0x7F0];
	v10 =	vsub.f32 v19, v10;
	v9 =	vmul.f32 v54, v7;
	v14 =	vsub.f32 v14, v15  }
0xa6: {  	v7 =	vld [tilespmem:s30+$0x7E0];
	v18 =	vmul.f32 v25, v60;
	v1 =	vadd.f32 v1, v61;
	v0 =	vmul.f32 v62, v0  }
0xa7: {  	v4 =	vld [tilespmem:s30+$0x107B0];
	v2 =	vsub.f32 v2, v9;
	v14 =	vadd.f32 v14, v11  }
0xa8: {  	v9 =	vld [tilespmem:s30+$0x107A0];
	v13 =	vmul.f32 v16, v13;
	v0 =	vsub.f32 v18, v0;
	v15 =	vmul.f32 v63, v10  }
0xa9: {  	v6 =	vld [tilespmem:s30+$0x7A0];
	v2 =	vadd.f32 v2, v12;
	(xrf2) =	vadd.scan.msk.f32 $0xffff, v14  }
0xaa: {  	v12 =	vld [tilespmem:s30+$0x790];
	v16, _, _ =	vpop (xrf2);
	v0 =	vadd.f32 v0, v1;
	v15 =	vsub.f32 v13, v15  }
0xab: {  	[tilespmem:v17+s0+$0x0] =	vst.idx.msk vm0, v16;
	v16 =	vld [tilespmem:s30+$0x107C0]  }
0xac: {  	v10 =	vld [tilespmem:s30+$0x107E0];
	v1 =	vadd.f32 v15, v2;
	v2 =	vmov s4;
	(xrf2) =	vadd.scan.msk.f32 $0xffff, v0  }
0xad: {  	v11 =	vld [tilespmem:s30+$0x10790];
	v0 =	vand.u32 $0xFFFFFFFC, v2  }
0xae: {  	s24 =	simm.s32 $0x1;
	s20 =	simm.s32 $0x2;
	v13 =	vld [tilespmem:s30+$0x780];
	v0 =	vbroadcast v0, $0x0  }
0xaf: {  	v17 =	vmov s20;
	v14 =	vld [tilespmem:s30+$0x7C0];
	v2 =	vmov s24;
	(xrf2) =	vadd.scan.msk.f32 $0xffff, v1  }
0xb0: {  	s19 =	simm.s32 $0x4;
	s21 =	simm.s32 $0x800;
	s20 =	simm.s32 $0x8;
	v15 =	vld [tilespmem:s30+$0x10780];
	v2 =	vand.u32 $0xFFFFFFFD, v2;
	v1 =	vand.u32 $0xFFFFFFFE, v17  }
.LBB2_2:
0xb1: {  	p0 =	slt.u32 s20, $0x7C;
	v17 =	vld [tilespmem:s30+$0x7D0];
	v2 =	vbroadcast v2, $0x0;
	v1 =	vbroadcast v1, $0x0  }
0xb2: {  	v19 =	vmul.f32 v4, v5;
	v20 =	vmul.f32 v8, v3;
	v18 =	vld [tilespmem:s30+$0x107D0]  }
0xb3: {  	v22 =	vmul.f32 v9, v6;
	v5 =	vmul.f32 v8, v5;
	v21 =	vld [tilespmem:s30+$0x600];
	v8, _, _ =	vpop (xrf2)  }
0xb4: {  	v24 =	vmul.f32 v11, v12;
	v25 =	vmul.f32 v10, v7;
	v23 =	vld [tilespmem:s30+$0x4780];
	[tilespmem:v0+s0+$0x0] =	vst.idx.msk vm0, v8  }
0xb5: {  	v8 =	vmul.f32 v15, v13;
	v0 =	vld [tilespmem:s30+$0x47C0];
	v26 =	vmul.f32 v16, v14  }
0xb6: {  	v13 =	vmul.f32 v16, v13;
	v14 =	vmul.f32 v15, v14;
	v15 =	vld [tilespmem:s30+$0x4790];
	v16, _, _ =	vpop (xrf2)  }
0xb7: {  	v27 =	vld [tilespmem:s30+$0x47D0];
	v28 =	vmul.f32 v18, v17;
	v12 =	vmul.f32 v18, v12;
	[tilespmem:v2+s0+$0x0] =	vst.idx.msk vm0, v16  }
0xb8: {  	v11 =	vmul.f32 v11, v17;
	v2 =	vadd.f32 v26, v8;
	v8 =	vsub.f32 v13, v14;
	v13 =	vld [tilespmem:s30+$0x47A0]  }
0xb9: {  	v6 =	vmul.f32 v10, v6;
	v7 =	vmul.f32 v9, v7;
	v14 =	vadd.f32 v28, v24;
	v16 =	vld [tilespmem:s30+$0x47E0];
	v9, _, _ =	vpop (xrf2)  }
0xba: {  	v2 =	vmul.f32 v2, v23;
	v0 =	vmul.f32 v0, v8;
	v8 =	vsub.f32 v12, v11;
	v10 =	vld [tilespmem:s30+$0x47B0]  }
0xbb: {  	v3 =	vmul.f32 v4, v3;
	v6 =	vsub.f32 v6, v7;
	v11 =	vadd.f32 v25, v22;
	v7 =	vld [tilespmem:s30+$0x47F0]  }
0xbc: {  	v4 =	vld [tilespmem:s30+$0x640];
	v0 =	vsub.f32 v2, v0;
	v2 =	vmul.f32 v14, v15;
	v8 =	vmul.f32 v27, v8  }
0xbd: {  	v3 =	vsub.f32 v5, v3;
	v12 =	vld [tilespmem:s30+$0x10600];
	v11 =	vmul.f32 v11, v13;
	v13 =	vadd.f32 v20, v19  }
0xbe: {  	v5 =	vld [tilespmem:s30+$0x10640];
	v0 =	vadd.f32 $0.0e+00, v0;
	v2 =	vsub.f32 v2, v8;
	v6 =	vmul.f32 v16, v6;
	[tilespmem:v1+s0+$0x0] =	vst.idx.msk vm0, v9  }
0xbf: {  	v1 =	vld [tilespmem:s30+$0x680];
	v8 =	vmul.f32 v13, v10  }
0xc0: {  	v9 =	vld [tilespmem:s30+$0x6C0];
	v0 =	vadd.f32 v2, v0;
	v2 =	vsub.f32 v11, v6;
	v3 =	vmul.f32 v7, v3  }
0xc1: {  	v6 =	vld [tilespmem:s30+$0x10680]  }
0xc2: {  	v7 =	vmul.f32 v12, v21;
	v10 =	vld [tilespmem:s30+$0x106C0];
	v0 =	vadd.f32 v2, v0;
	v2 =	vsub.f32 v8, v3  }
0xc3: {  	v3 =	vmul.f32 v5, v4;
	v5 =	vmul.f32 v5, v21;
	v8 =	vld [tilespmem:s30+$0x700]  }
0xc4: {  	v4 =	vmul.f32 v12, v4;
	v11 =	vld [tilespmem:s30+$0x740];
	v0 =	vadd.f32 v2, v0  }
0xc5: {  	v2 =	vadd.f32 v3, v7;
	v3 =	vld [tilespmem:s30+$0x10700]  }
0xc6: {  	v4 =	vsub.f32 v5, v4;
	v5 =	vmul.f32 v6, v1;
	v6 =	vmul.f32 v6, v9;
	v7 =	vld [tilespmem:s30+$0x10740];
	(xrf2) =	vadd.scan.msk.f32 $0xffff, v0  }
0xc7: {  	v0 =	vld [tilespmem:s30+$0x610];
	v9 =	vmul.f32 v10, v9;
	v1 =	vmul.f32 v10, v1  }
0xc8: {  	v10 =	vld [tilespmem:s30+$0x650]  }
0xc9: {  	v12 =	vld [tilespmem:s30+$0x10610];
	v5 =	vadd.f32 v9, v5;
	v1 =	vsub.f32 v1, v6  }
0xca: {  	v6 =	vld [tilespmem:s30+$0x10650];
	v9 =	vmul.f32 v3, v8;
	v3 =	vmul.f32 v3, v11  }
0xcb: {  	s22 =	sadd.s32 $0x3, s19;
	v13 =	vld [tilespmem:s30+$0x690];
	v11 =	vmul.f32 v7, v11;
	v7 =	vmul.f32 v7, v8  }
0xcc: {  	v14 =	vmov s22;
	v8 =	vld [tilespmem:s30+$0x6D0]  }
0xcd: {  	v15 =	vld [tilespmem:s30+$0x10690];
	v9 =	vadd.f32 v11, v9;
	v3 =	vsub.f32 v7, v3  }
0xce: {  	v7 =	vmul.f32 v12, v0;
	v11 =	vmul.f32 v12, v10;
	v12 =	vld [tilespmem:s30+$0x106D0]  }
0xcf: {  	v10 =	vmul.f32 v6, v10;
	v0 =	vmul.f32 v6, v0;
	v6 =	vld [tilespmem:s30+$0x710]  }
0xd0: {  	v16 =	vld [tilespmem:s30+$0x750];
	v17, _, _ =	vpop (xrf2)  }
0xd1: {  	v7 =	vadd.f32 v10, v7;
	v0 =	vsub.f32 v0, v11;
	v10 =	vld [tilespmem:s30+$0x10710];
	[tilespmem:v14+s0+$0x0] =	vst.idx.msk vm0, v17  }
0xd2: {  	v11 =	vmul.f32 v15, v13;
	v14 =	vmul.f32 v15, v8;
	v15 =	vld [tilespmem:s30+$0x10750]  }
0xd3: {  	v17 =	vld [tilespmem:s30+$0x4600];
	v8 =	vmul.f32 v12, v8;
	v12 =	vmul.f32 v12, v13  }
0xd4: {  	v13 =	vld [tilespmem:s30+$0x4640]  }
0xd5: {  	v18 =	vld [tilespmem:s30+$0x620];
	v8 =	vadd.f32 v8, v11;
	v11 =	vsub.f32 v12, v14  }
0xd6: {  	v12 =	vld [tilespmem:s30+$0x660];
	v14 =	vmul.f32 v10, v6;
	v10 =	vmul.f32 v10, v16  }
0xd7: {  	v19 =	vld [tilespmem:s30+$0x10620];
	v16 =	vmul.f32 v15, v16;
	v6 =	vmul.f32 v15, v6  }
0xd8: {  	v2 =	vmul.f32 v2, v17;
	v15 =	vld [tilespmem:s30+$0x10660]  }
0xd9: {  	v4 =	vmul.f32 v13, v4;
	v13 =	vld [tilespmem:s30+$0x4680];
	v14 =	vadd.f32 v16, v14;
	v6 =	vsub.f32 v6, v10  }
0xda: {  	v10 =	vld [tilespmem:s30+$0x46C0]  }
0xdb: {  	v2 =	vsub.f32 v2, v4;
	v4 =	vld [tilespmem:s30+$0x6A0]  }
0xdc: {  	v16 =	vmul.f32 v19, v18;
	v17 =	vmul.f32 v19, v12;
	v19 =	vld [tilespmem:s30+$0x6E0]  }
0xdd: {  	v2 =	vadd.f32 $0.0e+00, v2;
	v12 =	vmul.f32 v15, v12;
	v15 =	vmul.f32 v15, v18;
	v18 =	vld [tilespmem:s30+$0x106A0]  }
0xde: {  	v5 =	vmul.f32 v5, v13;
	v13 =	vld [tilespmem:s30+$0x106E0]  }
0xdf: {  	v12 =	vadd.f32 v12, v16;
	v15 =	vsub.f32 v15, v17;
	v1 =	vmul.f32 v10, v1;
	v10 =	vld [tilespmem:s30+$0x4700]  }
0xe0: {  	v16 =	vld [tilespmem:s30+$0x4740]  }
0xe1: {  	v1 =	vsub.f32 v5, v1;
	v5 =	vld [tilespmem:s30+$0x720]  }
0xe2: {  	v17 =	vmul.f32 v18, v4;
	v18 =	vmul.f32 v18, v19;
	v20 =	vld [tilespmem:s30+$0x760]  }
0xe3: {  	v1 =	vadd.f32 $0.0e+00, v1;
	v19 =	vmul.f32 v13, v19;
	v4 =	vmul.f32 v13, v4;
	v13 =	vld [tilespmem:s30+$0x10720]  }
0xe4: {  	v9 =	vmul.f32 v9, v10;
	v10 =	vld [tilespmem:s30+$0x10760]  }
0xe5: {  	v21 =	vld [tilespmem:s30+$0x4610];
	v17 =	vadd.f32 v19, v17;
	v4 =	vsub.f32 v4, v18;
	v3 =	vmul.f32 v16, v3  }
0xe6: {  	v16 =	vld [tilespmem:s30+$0x4650]  }
0xe7: {  	v18 =	vld [tilespmem:s30+$0x630];
	v3 =	vsub.f32 v9, v3  }
0xe8: {  	v9 =	vld [tilespmem:s30+$0x670];
	v19 =	vmul.f32 v13, v5;
	v13 =	vmul.f32 v13, v20  }
0xe9: {  	v22 =	vld [tilespmem:s30+$0x10630];
	v3 =	vadd.f32 $0.0e+00, v3;
	v20 =	vmul.f32 v10, v20;
	v5 =	vmul.f32 v10, v5  }
0xea: {  	v7 =	vmul.f32 v7, v21;
	v10 =	vld [tilespmem:s30+$0x10670]  }
0xeb: {  	v0 =	vmul.f32 v16, v0;
	v16 =	vld [tilespmem:s30+$0x4690];
	v19 =	vadd.f32 v20, v19;
	v5 =	vsub.f32 v5, v13  }
0xec: {  	v13 =	vld [tilespmem:s30+$0x46D0]  }
0xed: {  	v0 =	vsub.f32 v7, v0;
	v7 =	vld [tilespmem:s30+$0x6B0]  }
0xee: {  	v20 =	vmul.f32 v22, v18;
	v21 =	vmul.f32 v22, v9;
	v22 =	vld [tilespmem:s30+$0x6F0]  }
0xef: {  	v0 =	vadd.f32 v0, v2;
	v2 =	vmul.f32 v10, v9;
	v9 =	vmul.f32 v10, v18;
	v10 =	vld [tilespmem:s30+$0x106B0]  }
0xf0: {  	v8 =	vmul.f32 v8, v16;
	v16 =	vld [tilespmem:s30+$0x106F0]  }
0xf1: {  	v2 =	vadd.f32 v2, v20;
	v9 =	vsub.f32 v9, v21;
	v11 =	vmul.f32 v13, v11;
	v13 =	vld [tilespmem:s30+$0x4710]  }
0xf2: {  	v18 =	vld [tilespmem:s30+$0x4750]  }
0xf3: {  	v8 =	vsub.f32 v8, v11;
	v11 =	vld [tilespmem:s30+$0x730]  }
0xf4: {  	v20 =	vmul.f32 v10, v7;
	v10 =	vmul.f32 v10, v22;
	v21 =	vld [tilespmem:s30+$0x770]  }
0xf5: {  	v1 =	vadd.f32 v8, v1;
	v8 =	vmul.f32 v16, v22;
	v7 =	vmul.f32 v16, v7;
	v16 =	vld [tilespmem:s30+$0x10730]  }
0xf6: {  	v13 =	vmul.f32 v14, v13;
	v14 =	vld [tilespmem:s30+$0x10770]  }
0xf7: {  	v22 =	vld [tilespmem:s30+$0x4620];
	v8 =	vadd.f32 v8, v20;
	v7 =	vsub.f32 v7, v10;
	v6 =	vmul.f32 v18, v6  }
0xf8: {  	v10 =	vld [tilespmem:s30+$0x4660]  }
0xf9: {  	v18 =	vld [tilespmem:s30+$0x46A0];
	v6 =	vsub.f32 v13, v6  }
0xfa: {  	v13 =	vld [tilespmem:s30+$0x46E0];
	v20 =	vmul.f32 v16, v11;
	v16 =	vmul.f32 v16, v21  }
0xfb: {  	v6 =	vadd.f32 v6, v3;
	v3 =	vld [tilespmem:s30+$0x4720];
	v21 =	vmul.f32 v14, v21;
	v11 =	vmul.f32 v14, v11  }
0xfc: {  	v12 =	vmul.f32 v12, v22;
	v14 =	vld [tilespmem:s30+$0x4760]  }
0xfd: {  	v10 =	vmul.f32 v10, v15;
	v15 =	vld [tilespmem:s30+$0x4630];
	v20 =	vadd.f32 v21, v20;
	v11 =	vsub.f32 v11, v16  }
0xfe: {  	v16 =	vld [tilespmem:s30+$0x4670];
	v17 =	vmul.f32 v17, v18  }
0xff: {  	v10 =	vsub.f32 v12, v10;
	v4 =	vmul.f32 v13, v4;
	v12 =	vld [tilespmem:s30+$0x46B0]  }
0x100: {  	v13 =	vld [tilespmem:s30+$0x46F0];
	v3 =	vmul.f32 v19, v3  }
0x101: {  	s21 =	sadd.s32 $0x800, s21;
	v0 =	vadd.f32 v10, v0;
	v4 =	vsub.f32 v17, v4;
	v10 =	vmul.f32 v14, v5;
	v14 =	vld [tilespmem:s30+$0x4730]  }
0x102: {  	v2 =	vmul.f32 v2, v15;
	v15 =	vld [tilespmem:s30+$0x4770];
	s30 =	sshra.s32 s21, $0x2  }
0x103: {  	v5 =	vld [tilespmem:s30+$0x7B0];
	v9 =	vmul.f32 v16, v9;
	v1 =	vadd.f32 v4, v1;
	v10 =	vsub.f32 v3, v10  }
0x104: {  	v3 =	vld [tilespmem:s30+$0x7F0];
	v12 =	vmul.f32 v8, v12  }
0x105: {  	v4 =	vld [tilespmem:s30+$0x107B0];
	v2 =	vsub.f32 v2, v9;
	v7 =	vmul.f32 v13, v7;
	v13 =	vadd.f32 v10, v6  }
0x106: {  	v8 =	vld [tilespmem:s30+$0x107F0];
	v10 =	vmul.f32 v20, v14  }
0x107: {  	v6 =	vld [tilespmem:s30+$0x7A0];
	v0 =	vadd.f32 v2, v0;
	v2 =	vsub.f32 v12, v7;
	v11 =	vmul.f32 v15, v11  }
0x108: {  	v7 =	vld [tilespmem:s30+$0x7E0]  }
0x109: {  	v9 =	vld [tilespmem:s30+$0x107A0];
	v1 =	vadd.f32 v2, v1;
	v2 =	vsub.f32 v10, v11;
	(xrf2) =	vadd.scan.msk.f32 $0xffff, v0  }
0x10a: {  	v10 =	vld [tilespmem:s30+$0x107E0]  }
0x10b: {  	v12 =	vld [tilespmem:s30+$0x790];
	v2 =	vadd.f32 v2, v13  }
.Ltmp0:
0x10c: {  	v0 =	vmov s19;
	v11 =	vld [tilespmem:s30+$0x10790];
	(xrf2) =	vadd.scan.msk.f32 $0xffff, v1;
	(pc) =	sbr.rel @p0 .LBB2_2-.Ltmp0, $4  }
0x10d: {  	v0 =	vand.u32 $0xFFFFFFFC, v0;
	v13 =	vld [tilespmem:s30+$0x780]  }
0x10e: {  	s24 =	sadd.s32 $0x2, s19;
	s22 =	sadd.s32 $0x1, s19;
	s19 =	smov.u32 s20;
	v0 =	vbroadcast v0, $0x0;
	v14 =	vld [tilespmem:s30+$0x7C0]  }
0x10f: {  	v17 =	vmov s24;
	v1 =	vmov s22;
	v15 =	vld [tilespmem:s30+$0x10780];
	(xrf2) =	vadd.scan.msk.f32 $0xffff, v2  }
0x110: {  	s20 =	sadd.s32 $0x4, s20;
	v2 =	vand.u32 $0xFFFFFFFD, v1;
	v1 =	vand.u32 $0xFFFFFFFE, v17;
	v16 =	vld [tilespmem:s30+$0x107C0]  }
0x111: {  	v17 =	vld [tilespmem:s30+$0x7D0]  }
0x112: {  	v18 =	vld [tilespmem:s30+$0x107D0]  }
0x113: {  	v19 =	vld [tilespmem:s30+$0x600]  }
0x114: {  	v20 =	vld [tilespmem:s30+$0x4780]  }
0x115: {  	v21 =	vld [tilespmem:s30+$0x47C0]  }
0x116: {  	v22 =	vld [tilespmem:s30+$0x4790]  }
0x117: {  	v23 =	vld [tilespmem:s30+$0x47D0]  }
0x118: {  	v24 =	vld [tilespmem:s30+$0x47A0]  }
0x119: {  	v25 =	vld [tilespmem:s30+$0x47E0]  }
0x11a: {  	v26 =	vld [tilespmem:s30+$0x47B0]  }
0x11b: {  	v27 =	vld [tilespmem:s30+$0x47F0]  }
0x11c: {  	v28 =	vld [tilespmem:s30+$0x640]  }
0x11d: {  	v29 =	vld [tilespmem:s30+$0x10600]  }
0x11e: {  	v30 =	vld [tilespmem:s30+$0x10640]  }
0x11f: {  	v31 =	vld [tilespmem:s30+$0x680]  }
0x120: {  	v32 =	vld [tilespmem:s30+$0x6C0]  }
0x121: {  	v33 =	vld [tilespmem:s30+$0x10680]  }
0x122: {  	v34 =	vld [tilespmem:s30+$0x106C0]  }
0x123: {  	v35 =	vld [tilespmem:s30+$0x700]  }
0x124: {  	v36 =	vld [tilespmem:s30+$0x740]  }
0x125: {  	v37 =	vld [tilespmem:s30+$0x10700]  }
0x126: {  	v38 =	vld [tilespmem:s30+$0x10740]  }
0x127: {  	v39 =	vld [tilespmem:s30+$0x610]  }
0x128: {  	v40 =	vld [tilespmem:s30+$0x650]  }
0x129: {  	v41 =	vld [tilespmem:s30+$0x10610]  }
0x12a: {  	v42 =	vld [tilespmem:s30+$0x10650]  }
0x12b: {  	v43 =	vld [tilespmem:s30+$0x690]  }
0x12c: {  	v44 =	vld [tilespmem:s30+$0x6D0]  }
0x12d: {  	v45 =	vld [tilespmem:s30+$0x10690]  }
0x12e: {  	v46 =	vld [tilespmem:s30+$0x106D0]  }
0x12f: {  	v47 =	vld [tilespmem:s30+$0x710];
	v49 =	vmul.f32 v9, v6;
	v6 =	vmul.f32 v10, v6  }
0x130: {  	v48 =	vld [tilespmem:s30+$0x750];
	v10 =	vmul.f32 v10, v7;
	v7 =	vmul.f32 v9, v7  }
0x131: {  	v51 =	vld [tilespmem:s30+$0x10710];
	v57 =	vmul.f32 v4, v5  }
0x132: {  	v9 =	vld [tilespmem:s30+$0x660];
	v5 =	vmul.f32 v8, v5;
	v6 =	vsub.f32 v6, v7;
	v7 =	vmul.f32 v8, v3  }
0x133: {  	v3 =	vmul.f32 v4, v3;
	v4 =	vld [tilespmem:s30+$0x4680];
	v50 =	vmul.f32 v15, v13  }
0x134: {  	v52 =	vmul.f32 v16, v14;
	v13 =	vmul.f32 v16, v13;
	v16 =	vld [tilespmem:s30+$0x10750]  }
0x135: {  	v10 =	vadd.f32 v10, v49;
	v14 =	vmul.f32 v15, v14;
	v15 =	vld [tilespmem:s30+$0x4600]  }
0x136: {  	v3 =	vsub.f32 v5, v3;
	v5 =	vld [tilespmem:s30+$0x6A0]  }
0x137: {  	v10 =	vmul.f32 v10, v24;
	v24 =	vld [tilespmem:s30+$0x760]  }
0x138: {  	v60 =	vmul.f32 v33, v32;
	v61 =	vmul.f32 v34, v32;
	v32 =	vld [tilespmem:s30+$0x4650]  }
0x139: {  	v53 =	vmul.f32 v11, v12;
	v62 =	vmul.f32 v34, v31;
	v34 =	vld [tilespmem:s30+$0x630]  }
0x13a: {  	v55 =	vmul.f32 v41, v40;
	v56 =	vmul.f32 v42, v40;
	v40 =	vld [tilespmem:s30+$0x10670]  }
0x13b: {  	v7 =	vadd.f32 v7, v57;
	v12 =	vmul.f32 v18, v12;
	v50 =	vadd.f32 v52, v50;
	v52 =	vld [tilespmem:s30+$0x4640]  }
0x13c: {  	v18 =	vmul.f32 v18, v17;
	v11 =	vmul.f32 v11, v17;
	v13 =	vsub.f32 v13, v14;
	v14 =	vld [tilespmem:s30+$0x620]  }
0x13d: {  	v6 =	vmul.f32 v25, v6;
	v7 =	vmul.f32 v7, v26;
	v26 =	vld [tilespmem:s30+$0x10720]  }
0x13e: {  	v58 =	vmul.f32 v29, v19;
	v19 =	vmul.f32 v30, v19;
	v11 =	vsub.f32 v12, v11;
	v12 =	vld [tilespmem:s30+$0x10620]  }
0x13f: {  	v59 =	vmul.f32 v29, v28;
	v3 =	vmul.f32 v27, v3;
	v6 =	vsub.f32 v10, v6;
	v10 =	vld [tilespmem:s30+$0x106E0]  }
0x140: {  	v63 =	vmul.f32 v37, v35;
	v13 =	vmul.f32 v21, v13;
	v21 =	vld [tilespmem:s30+$0x10660]  }
0x141: {  	v49 =	vmul.f32 v37, v36;
	v54 =	vmul.f32 v41, v39;
	v3 =	vsub.f32 v7, v3;
	v7 =	vld [tilespmem:s30+$0x4740]  }
0x142: {  	v17 =	vadd.f32 v18, v53;
	v18 =	vmul.f32 v50, v20;
	v50 =	vmul.f32 v38, v36;
	v36 =	vld [tilespmem:s30+$0x670]  }
0x143: {  	v57 =	vmul.f32 v42, v39;
	v19 =	vsub.f32 v19, v59;
	v53 =	vmul.f32 v38, v35;
	v38 =	vld [tilespmem:s30+$0x46A0]  }
0x144: {  	v59 =	vmul.f32 v45, v44;
	v20 =	vsub.f32 v62, v60;
	v60 =	vmul.f32 v46, v44;
	v44 =	vld [tilespmem:s30+$0x4760]  }
0x145: {  	v25 =	vsub.f32 v57, v55;
	v8 =	vsub.f32 v18, v13;
	v13 =	vmul.f32 v17, v22;
	v17 =	vld [tilespmem:s30+$0x46C0]  }
0x146: {  	v62 =	vmul.f32 v46, v43;
	v11 =	vmul.f32 v23, v11;
	v23 =	vsub.f32 v53, v49;
	v18 =	vld [tilespmem:s30+$0x106A0]  }
0x147: {  	v46 =	vmul.f32 v16, v48;
	v16 =	vmul.f32 v16, v47;
	v22 =	vld [tilespmem:s30+$0x720];
	v27 =	vadd.f32 v50, v63  }
0x148: {  	v63 =	vmul.f32 v51, v47;
	v29 =	vsub.f32 v62, v59;
	v25 =	vmul.f32 v32, v25;
	v47 =	vld [tilespmem:s30+$0x46F0]  }
0x149: {  	v39 =	vmul.f32 v40, v34;
	v8 =	vadd.f32 $0.0e+00, v8;
	v11 =	vsub.f32 v13, v11;
	v13 =	vld [tilespmem:s30+$0x6E0]  }
0x14a: {  	v49 =	vadd.f32 v46, v63;
	v50 =	vmul.f32 v12, v14;
	v12 =	vmul.f32 v12, v9;
	v63 =	vld [tilespmem:s30+$0x4660]  }
0x14b: {  	v14 =	vmul.f32 v21, v14;
	v62 =	vmul.f32 v40, v36;
	v40 =	vld [tilespmem:s30+$0x46E0];
	v8 =	vadd.f32 v11, v8  }
0x14c: {  	v9 =	vmul.f32 v21, v9;
	v7 =	vmul.f32 v7, v23;
	v11 =	vld [tilespmem:s30+$0x4700]  }
0x14d: {  	v12 =	vsub.f32 v14, v12;
	v14 =	vld [tilespmem:s30+$0x4750];
	v6 =	vadd.f32 v6, v8;
	v8 =	vmul.f32 v30, v28  }
0x14e: {  	v9 =	vadd.f32 v9, v50;
	v28 =	vld [tilespmem:s30+$0x10760];
	v53 =	vmul.f32 v10, v13;
	v13 =	vmul.f32 v18, v13  }
0x14f: {  	v30 =	vld [tilespmem:s30+$0x4610];
	v12 =	vmul.f32 v63, v12;
	v3 =	vadd.f32 v3, v6;
	v6 =	vmul.f32 v33, v31  }
0x150: {  	v8 =	vadd.f32 v8, v58;
	v58 =	vmul.f32 v45, v43;
	v45 =	vmul.f32 v51, v48;
	v48 =	vld [tilespmem:s30+$0x4690]  }
0x151: {  	v31 =	vadd.f32 v56, v54;
	v51 =	vld [tilespmem:s30+$0x6B0];
	v11 =	vmul.f32 v27, v11;
	v6 =	vadd.f32 v61, v6  }
0x152: {  	v61 =	vld [tilespmem:s30+$0x10630];
	v35 =	vadd.f32 v60, v58;
	v8 =	vmul.f32 v8, v15;
	v15 =	vmul.f32 v52, v19  }
0x153: {  	v19 =	vld [tilespmem:s30+$0x46D0];
	v7 =	vsub.f32 v11, v7;
	v11 =	vmul.f32 v26, v22;
	v55 =	vmul.f32 v28, v24  }
0x154: {  	v16 =	vsub.f32 v16, v45;
	v52 =	vld [tilespmem:s30+$0x106F0];
	v4 =	vmul.f32 v6, v4;
	v6 =	vmul.f32 v17, v20  }
0x155: {  	v60 =	vld [tilespmem:s30+$0x4620];
	v57 =	vmul.f32 v31, v30;
	v22 =	vmul.f32 v28, v22;
	v8 =	vsub.f32 v8, v15  }
0x156: {  	v54 =	vld [tilespmem:s30+$0x4710];
	v14 =	vmul.f32 v14, v16;
	v4 =	vsub.f32 v4, v6;
	v6 =	vmul.f32 v18, v5  }
0x157: {  	v17 =	vld [tilespmem:s30+$0x106B0];
	v7 =	vadd.f32 $0.0e+00, v7;
	v5 =	vmul.f32 v10, v5;
	v59 =	vmul.f32 v61, v34  }
0x158: {  	v15 =	vld [tilespmem:s30+$0x6F0];
	v11 =	vadd.f32 v55, v11;
	v61 =	vmul.f32 v61, v36;
	v36 =	vmul.f32 v35, v48  }
0x159: {  	v56 =	vld [tilespmem:s30+$0x10730];
	v8 =	vadd.f32 $0.0e+00, v8;
	v19 =	vmul.f32 v19, v29;
	v20 =	vmul.f32 v52, v51  }
0x15a: {  	v58 =	vld [tilespmem:s30+$0x10770];
	v9 =	vmul.f32 v9, v60;
	v4 =	vadd.f32 $0.0e+00, v4;
	v6 =	vadd.f32 v53, v6  }
0x15b: {  	v10 =	vld [tilespmem:s30+$0x730];
	v5 =	vsub.f32 v5, v13;
	v13 =	vmul.f32 v26, v24;
	v24 =	vsub.f32 v57, v25  }
0x15c: {  	v18 =	vld [tilespmem:s30+$0x770];
	v21 =	vadd.f32 v62, v59;
	v19 =	vsub.f32 v36, v19;
	v42 =	vmul.f32 v17, v51  }
0x15d: {  	v46 =	vld [tilespmem:s30+$0x4670];
	v17 =	vmul.f32 v17, v15;
	v15 =	vmul.f32 v52, v15;
	v9 =	vsub.f32 v9, v12  }
0x15e: {  	v43 =	vld [tilespmem:s30+$0x4720];
	v13 =	vsub.f32 v22, v13;
	v4 =	vadd.f32 v19, v4;
	v19 =	vmul.f32 v49, v54  }
0x15f: {  	v16 =	vld [tilespmem:s30+$0x4630];
	v8 =	vadd.f32 v24, v8;
	v24 =	vsub.f32 v39, v61;
	v6 =	vmul.f32 v6, v38  }
0x160: {  	v12 =	vld [tilespmem:s30+$0x4770];
	v5 =	vmul.f32 v40, v5;
	v45 =	vmul.f32 v56, v10;
	v14 =	vsub.f32 v19, v14  }
0x161: {  	v15 =	vadd.f32 v15, v42;
	v23 =	vmul.f32 v56, v18;
	v18 =	vmul.f32 v58, v18;
	v19 =	vld [tilespmem:s30+$0x46B0]  }
0x162: {  	v10 =	vmul.f32 v58, v10;
	v17 =	vsub.f32 v20, v17;
	v7 =	vadd.f32 v14, v7;
	v14 =	vld [tilespmem:s30+$0x4730]  }
0x163: {  	v5 =	vsub.f32 v6, v5;
	v6 =	vmul.f32 v11, v43;
	v8 =	vadd.f32 v9, v8  }
0x164: {  	v9 =	vmul.f32 v44, v13;
	v11 =	vmul.f32 v21, v16;
	v18 =	vadd.f32 v18, v45  }
0x165: {  	v13 =	vmul.f32 v46, v24;
	v10 =	vsub.f32 v10, v23;
	v4 =	vadd.f32 v5, v4  }
0x166: {  	v5 =	vsub.f32 v6, v9;
	v9 =	vmul.f32 v47, v17;
	v6 =	vmul.f32 v15, v19  }
0x167: {  	v11 =	vsub.f32 v11, v13;
	v10 =	vmul.f32 v12, v10;
	v13 =	vmul.f32 v18, v14  }
0x168: {  	v5 =	vadd.f32 v5, v7;
	v6 =	vsub.f32 v6, v9  }
0x169: {  	v7 =	vadd.f32 v11, v8;
	v8 =	vsub.f32 v13, v10  }
0x16a: {  	(xrf2) =	vadd.scan.msk.f32 $0xffff, v3;
	v3 =	vadd.f32 v6, v4  }
0x16b: {  	(xrf2) =	vadd.scan.msk.f32 $0xffff, v7;
	v4 =	vadd.f32 v8, v5  }
0x16c: {  	(xrf2) =	vadd.scan.msk.f32 $0xffff, v3  }
0x16d: {  	v2 =	vbroadcast v2, $0x0;
	s20 =	sadd.s32 $0x3, s19;
	(xrf2) =	vadd.scan.msk.f32 $0xffff, v4  }
0x16e: {  	v1 =	vbroadcast v1, $0x0;
	s21 =	sadd.s32 $0x1, s19;
	v3 =	vmov s19;
	v4 =	vmov s20;
	s20 =	sadd.s32 $0x2, s19  }
0x16f: {  	v5 =	vmov s21;
	v3 =	vand.u32 $0xFFFFFFFC, v3;
	v6 =	vmov s20  }
0x170: {  	v5 =	vand.u32 $0xFFFFFFFD, v5;
	v3 =	vbroadcast v3, $0x0;
	v6 =	vand.u32 $0xFFFFFFFE, v6  }
0x171: {  	v7, _, _ =	vpop (xrf2);
	v5 =	vbroadcast v5, $0x0  }
0x172: {  	[tilespmem:v0+s0+$0x0] =	vst.idx.msk vm0, v7;
	v8, _, _ =	vpop (xrf2);
	v0 =	vbroadcast v6, $0x0  }
0x173: {  	[tilespmem:v2+s0+$0x0] =	vst.idx.msk vm0, v8;
	v6, _, _ =	vpop (xrf2)  }
0x174: {  	v2, _, _ =	vpop (xrf2);
	[tilespmem:v1+s0+$0x0] =	vst.idx.msk vm0, v6  }
0x175: {  	[tilespmem:v4+s0+$0x0] =	vst.idx.msk vm0, v2;
	v1, _, _ =	vpop (xrf2)  }
0x176: {  	[tilespmem:v3+s0+$0x0] =	vst.idx.msk vm0, v1;
	v1, _, _ =	vpop (xrf2)  }
0x177: {  	[tilespmem:v5+s0+$0x0] =	vst.idx.msk vm0, v1;
	v1, _, _ =	vpop (xrf2)  }
0x178: {  	[tilespmem:v0+s0+$0x0] =	vst.idx.msk vm0, v1  }
0x179: {  	_ =	swait.ge [sflag:s3], $0x8000  }
0x17a: {  	[sflag:s3] =	ssyncset.done $0x0  }
0x17b: {  	[sflag:s3] =	ssyncadd.s32 $0xFFFF8000  }
0x17c: {  	_ =	swait.ge [sflag:s3], $0x4000  }
0x17d: {  	[sflag:s3] =	ssyncset.done $0x0  }
0x17e: {  	s21 =	simm.s32 $0x200;
	[sflag:s3] =	ssyncadd.s32 $0xFFFFC000  }
0x17f: {  	[tilespmem:s25], [sflag:$0x1] =	stream.indirect.gather [hbm4b:s1+s18], $0x80, s21, s18, $0xb8;
	[tilespmem:$0x18800] =	vst v63  }
0x180: {  	s22 =	simm.s32 $0x500;
	s19 =	simm.s32 $0x0  }
0x181: {  	[tilespmem:s26], [sflag:$0x1] =	stream.indirect.gather [hbm4b:s2+s17], $0x80, s22, s17, $0xb8;
	[tilespmem:$0x18800] =	vst v63  }
0x182: {  	v0 =	vld [tilespmem:s19+$0x87B0]  }
0x183: {  	v1 =	vld [tilespmem:s19+$0x87F0]  }
0x184: {  	v2 =	vld [tilespmem:s19+$0x147B0]  }
0x185: {  	v3 =	vld [tilespmem:s19+$0x147F0]  }
0x186: {  	v4 =	vld [tilespmem:s19+$0x87A0]  }
0x187: {  	v5 =	vld [tilespmem:s19+$0x87E0]  }
0x188: {  	v6 =	vld [tilespmem:s19+$0x147A0]  }
0x189: {  	v7 =	vld [tilespmem:s19+$0x147E0]  }
0x18a: {  	v8 =	vld [tilespmem:s19+$0x8790]  }
0x18b: {  	v9 =	vld [tilespmem:s19+$0x14790]  }
0x18c: {  	v10 =	vld [tilespmem:s19+$0x8780]  }
0x18d: {  	v11 =	vld [tilespmem:s19+$0x87C0]  }
0x18e: {  	v12 =	vld [tilespmem:s19+$0x14780]  }
0x18f: {  	v13 =	vld [tilespmem:s19+$0x147C0]  }
0x190: {  	v14 =	vld [tilespmem:s19+$0x87D0]  }
0x191: {  	v15 =	vld [tilespmem:s19+$0x147D0]  }
0x192: {  	v16 =	vld [tilespmem:s19+$0x8600]  }
0x193: {  	v17 =	vld [tilespmem:s19+$0xC780]  }
0x194: {  	v18 =	vld [tilespmem:s19+$0xC7C0]  }
0x195: {  	v19 =	vld [tilespmem:s19+$0xC790]  }
0x196: {  	v20 =	vld [tilespmem:s19+$0xC7D0]  }
0x197: {  	v21 =	vld [tilespmem:s19+$0xC7A0]  }
0x198: {  	v22 =	vld [tilespmem:s19+$0xC7E0]  }
0x199: {  	v23 =	vld [tilespmem:s19+$0xC7B0]  }
0x19a: {  	v24 =	vld [tilespmem:s19+$0xC7F0]  }
0x19b: {  	v25 =	vld [tilespmem:s19+$0x8640]  }
0x19c: {  	v48 =	vld [tilespmem:s19+$0x14600]  }
0x19d: {  	v49 =	vld [tilespmem:s19+$0x14640]  }
0x19e: {  	v50 =	vld [tilespmem:s19+$0x8680]  }
0x19f: {  	v51 =	vld [tilespmem:s19+$0x86C0]  }
0x1a0: {  	v52 =	vld [tilespmem:s19+$0x14680]  }
0x1a1: {  	v53 =	vld [tilespmem:s19+$0x146C0]  }
0x1a2: {  	v54 =	vld [tilespmem:s19+$0x8700]  }
0x1a3: {  	v55 =	vld [tilespmem:s19+$0x8740]  }
0x1a4: {  	v56 =	vld [tilespmem:s19+$0x14700]  }
0x1a5: {  	v57 =	vld [tilespmem:s19+$0x14740]  }
0x1a6: {  	v36 =	vld [tilespmem:s19+$0x8610]  }
0x1a7: {  	v58 =	vld [tilespmem:s19+$0x8650]  }
0x1a8: {  	v59 =	vld [tilespmem:s19+$0x14610]  }
0x1a9: {  	v39 =	vld [tilespmem:s19+$0x14650]  }
0x1aa: {  	v40 =	vld [tilespmem:s19+$0x8690]  }
0x1ab: {  	v41 =	vld [tilespmem:s19+$0x86D0]  }
0x1ac: {  	v42 =	vld [tilespmem:s19+$0x14690];
	v60 =	vmul.f32 v6, v4  }
0x1ad: {  	v45 =	vld [tilespmem:s19+$0x146D0];
	v61 =	vmul.f32 v12, v10;
	v62 =	vmul.f32 v13, v11  }
0x1ae: {  	v46 =	vld [tilespmem:s19+$0x14710];
	v10 =	vmul.f32 v13, v10;
	v63 =	vmul.f32 v9, v8  }
0x1af: {  	v13 =	vld [tilespmem:s19+$0x8710];
	v11 =	vmul.f32 v12, v11;
	v8 =	vmul.f32 v15, v8  }
0x1b0: {  	v12 =	vld [tilespmem:s19+$0x8750];
	v9 =	vmul.f32 v9, v14;
	v4 =	vmul.f32 v7, v4  }
0x1b1: {  	v7 =	vmul.f32 v7, v5;
	v5 =	vmul.f32 v6, v5;
	v6 =	vld [tilespmem:s19+$0xC600]  }
0x1b2: {  	v10 =	vsub.f32 v10, v11;
	v11 =	vld [tilespmem:s19+$0x14750]  }
0x1b3: {  	v15 =	vmul.f32 v15, v14;
	v8 =	vsub.f32 v8, v9;
	v9 =	vld [tilespmem:s19+$0xC640]  }
0x1b4: {  	v43 =	vmul.f32 v45, v40;
	v44 =	vadd.f32 v62, v61;
	v61 =	vmul.f32 v42, v40;
	v62 =	vld [tilespmem:s19+$0xC610]  }
0x1b5: {  	v14 =	vadd.f32 v15, v63;
	v63 =	vmul.f32 v42, v41;
	v41 =	vmul.f32 v45, v41;
	v42 =	vld [tilespmem:s19+$0xC650]  }
0x1b6: {  	v45 =	vld [tilespmem:s19+$0x8630];
	v15 =	vmul.f32 v44, v17;
	v10 =	vmul.f32 v18, v10  }
0x1b7: {  	v7 =	vadd.f32 v7, v60;
	v17 =	vmul.f32 v2, v0;
	v0 =	vmul.f32 v3, v0;
	v18 =	vld [tilespmem:s19+$0x8620]  }
0x1b8: {  	v3 =	vmul.f32 v3, v1;
	v1 =	vmul.f32 v2, v1;
	v2 =	vld [tilespmem:s19+$0x8660]  }
0x1b9: {  	v47 =	vmul.f32 v48, v25;
	v7 =	vmul.f32 v7, v21;
	v21 =	vld [tilespmem:s19+$0xC700]  }
0x1ba: {  	v4 =	vsub.f32 v4, v5;
	v60 =	vmul.f32 v39, v36;
	v32 =	vadd.f32 v41, v61;
	v61 =	vld [tilespmem:s19+$0xC660]  }
0x1bb: {  	v8 =	vmul.f32 v20, v8;
	v5 =	vsub.f32 v15, v10;
	v10 =	vmul.f32 v14, v19;
	v14 =	vld [tilespmem:s19+$0x14620]  }
0x1bc: {  	v4 =	vmul.f32 v22, v4;
	v26 =	vsub.f32 v43, v63;
	v0 =	vsub.f32 v0, v1;
	v1 =	vld [tilespmem:s19+$0x14660]  }
0x1bd: {  	v44 =	vmul.f32 v46, v13;
	v46 =	vmul.f32 v46, v12;
	v3 =	vadd.f32 v3, v17;
	v15 =	vld [tilespmem:s19+$0xC6C0]  }
0x1be: {  	v4 =	vsub.f32 v7, v4;
	v7 =	vld [tilespmem:s19+$0x86A0];
	v17 =	vmul.f32 v48, v16;
	v16 =	vmul.f32 v49, v16  }
0x1bf: {  	v19 =	vld [tilespmem:s19+$0x146E0];
	v48 =	vmul.f32 v53, v51;
	v8 =	vsub.f32 v10, v8;
	v5 =	vadd.f32 $0.0e+00, v5  }
0x1c0: {  	v10 =	vld [tilespmem:s19+$0xC680];
	v3 =	vmul.f32 v3, v23;
	v0 =	vmul.f32 v24, v0;
	v16 =	vsub.f32 v16, v47  }
0x1c1: {  	v12 =	vmul.f32 v11, v12;
	v11 =	vmul.f32 v11, v13;
	v23 =	vld [tilespmem:s19+$0xC740];
	v5 =	vadd.f32 v8, v5  }
0x1c2: {  	v47 =	vld [tilespmem:s19+$0x8670];
	v0 =	vsub.f32 v3, v0;
	v9 =	vmul.f32 v9, v16;
	v13 =	vmul.f32 v14, v18  }
0x1c3: {  	v8 =	vld [tilespmem:s19+$0x86E0];
	v14 =	vmul.f32 v14, v2;
	v2 =	vmul.f32 v1, v2;
	v4 =	vadd.f32 v4, v5  }
0x1c4: {  	v12 =	vadd.f32 v12, v44;
	v3 =	vld [tilespmem:s19+$0x146A0];
	v1 =	vmul.f32 v1, v18;
	v5 =	vmul.f32 v49, v25  }
0x1c5: {  	v16 =	vld [tilespmem:s19+$0x14670];
	v49 =	vmul.f32 v53, v50;
	v0 =	vadd.f32 v0, v4;
	v4 =	vmul.f32 v52, v50  }
0x1c6: {  	v18 =	vld [tilespmem:s19+$0x146F0];
	v5 =	vadd.f32 v5, v17;
	v17 =	vmul.f32 v52, v51;
	v50 =	vmul.f32 v56, v54  }
0x1c7: {  	v11 =	vsub.f32 v11, v46;
	v25 =	vld [tilespmem:s19+$0x8720];
	v51 =	vmul.f32 v56, v55;
	v52 =	vmul.f32 v57, v55  }
0x1c8: {  	v53 =	vld [tilespmem:s19+$0x8760];
	v14 =	vsub.f32 v1, v14;
	v54 =	vmul.f32 v57, v54;
	v55 =	vmul.f32 v59, v36  }
0x1c9: {  	v56 =	vld [tilespmem:s19+$0x14720];
	v57 =	vmul.f32 v59, v58;
	v4 =	vadd.f32 v48, v4;
	v5 =	vmul.f32 v5, v6  }
0x1ca: {  	v58 =	vmul.f32 v39, v58;
	v59 =	vld [tilespmem:s19+$0x14760];
	v17 =	vsub.f32 v49, v17;
	v24 =	vadd.f32 v52, v50  }
0x1cb: {  	v1 =	vmul.f32 v3, v8;
	v20 =	vsub.f32 v54, v51;
	v6 =	vld [tilespmem:s19+$0x14630];
	(xrf2) =	vadd.scan.msk.f32 $0xffff, v0;
	v0 =	vsub.f32 v5, v9  }
0x1cc: {  	v48 =	vld [tilespmem:s19+$0xC690];
	v4 =	vmul.f32 v4, v10;
	v9 =	vadd.f32 v2, v13;
	v2 =	vmul.f32 v15, v17  }
0x1cd: {  	v28 =	vadd.f32 v58, v55;
	v49 =	vld [tilespmem:s19+$0xC710];
	v10 =	vmul.f32 v3, v7;
	v3 =	vmul.f32 v19, v8  }
0x1ce: {  	v22 =	vsub.f32 v60, v57;
	v51 =	vld [tilespmem:s19+$0xC750];
	v2 =	vsub.f32 v4, v2;
	v4 =	vmul.f32 v19, v7  }
0x1cf: {  	v54 =	vld [tilespmem:s19+$0x8730];
	v7 =	vmul.f32 v24, v21;
	v17 =	vadd.f32 v3, v10;
	v10 =	vmul.f32 v23, v20  }
0x1d0: {  	v57 =	vld [tilespmem:s19+$0x14730];
	v50 =	vmul.f32 v42, v22;
	v19 =	vsub.f32 v4, v1;
	v1 =	vmul.f32 v56, v25  }
0x1d1: {  	s24 =	simm.s32 $0x83;
	v5 =	vld [tilespmem:s19+$0xC6D0];
	v4 =	vmul.f32 v28, v62;
	v7 =	vsub.f32 v7, v10;
	v10 =	vmul.f32 v59, v53  }
0x1d2: {  	v13 =	vld [tilespmem:s19+$0x86B0];
	v52 =	vmul.f32 v56, v53;
	v3 =	vmov s24;
	v0 =	vadd.f32 $0.0e+00, v0  }
0x1d3: {  	v15 =	vld [tilespmem:s19+$0x146B0];
	v11 =	vmul.f32 v51, v11;
	v55 =	vadd.f32 v10, v1;
	v1 =	vsub.f32 v4, v50  }
0x1d4: {  	v8 =	vld [tilespmem:s19+$0x86F0];
	v53 =	vmul.f32 v59, v25;
	v59 =	vmul.f32 v32, v48;
	v2 =	vadd.f32 $0.0e+00, v2  }
0x1d5: {  	v60 =	vld [tilespmem:s19+$0x14770];
	v4 =	vmul.f32 v6, v45;
	v58 =	vadd.f32 v1, v0;
	v1 =	vmul.f32 v16, v47  }
0x1d6: {  	v10 =	vld [tilespmem:s19+$0x8770];
	v56 =	vsub.f32 v53, v52;
	v6 =	vmul.f32 v6, v47;
	v0, _, _ =	vpop (xrf2);
	v16 =	vmul.f32 v16, v45  }
0x1d7: {  	v7 =	vadd.f32 $0.0e+00, v7;
	[tilespmem:v3+s0+$0x0] =	vst.idx.msk vm0, v0;
	v3 =	vmul.f32 v5, v26;
	v5 =	vld [tilespmem:s19+$0xC620];
	v0 =	vadd.f32 v1, v4  }
0x1d8: {  	v62 =	vld [tilespmem:s19+$0xC6A0];
	v4 =	vmul.f32 v15, v13;
	v1 =	vsub.f32 v16, v6;
	v6 =	vmul.f32 v12, v49  }
0x1d9: {  	v15 =	vmul.f32 v15, v8;
	v8 =	vmul.f32 v18, v8;
	v12 =	vld [tilespmem:s19+$0xC6E0];
	v3 =	vsub.f32 v59, v3  }
0x1da: {  	v63 =	vld [tilespmem:s19+$0xC760];
	v13 =	vmul.f32 v18, v13;
	v16 =	vmul.f32 v57, v54;
	v6 =	vsub.f32 v6, v11  }
0x1db: {  	v18 =	vmul.f32 v57, v10;
	v2 =	vadd.f32 v3, v2;
	v3 =	vadd.f32 v8, v4;
	v8 =	vld [tilespmem:s19+$0xC720]  }
0x1dc: {  	v4 =	vsub.f32 v13, v15;
	v13 =	vmul.f32 v61, v14;
	v11 =	vmul.f32 v9, v5;
	v9 =	vld [tilespmem:s19+$0xC630]  }
0x1dd: {  	v14 =	vmul.f32 v60, v54;
	v5 =	vadd.f32 v6, v7;
	v6 =	vmul.f32 v60, v10;
	v10 =	vld [tilespmem:s19+$0xC670]  }
0x1de: {  	v15 =	vmul.f32 v17, v62;
	v17 =	vmul.f32 v12, v19;
	v13 =	vsub.f32 v11, v13;
	v11 =	vld [tilespmem:s19+$0xC6B0]  }
0x1df: {  	v12 =	vld [tilespmem:s19+$0xC6F0];
	v7 =	vadd.f32 v6, v16;
	v6 =	vsub.f32 v14, v18;
	v16 =	vmul.f32 v63, v56  }
0x1e0: {  	s30 =	simm.s32 $0xFFFFFFFC;
	s20 =	simm.s32 $0x800;
	s21 =	simm.s32 $0x0;
	v15 =	vsub.f32 v15, v17;
	v14 =	vmul.f32 v55, v8;
	v8 =	vadd.f32 v13, v58;
	v13 =	vld [tilespmem:s19+$0xC730]  }
.LBB2_4:
0x1e1: {  	v0 =	vmul.f32 v0, v9;
	v9 =	vld [tilespmem:s19+$0xC770];
	s19 =	sshra.s32 s20, $0x2  }
0x1e2: {  	v17 =	vld [tilespmem:s19+$0x87B0];
	v1 =	vmul.f32 v10, v1;
	v2 =	vadd.f32 v15, v2;
	v10 =	vsub.f32 v14, v16  }
0x1e3: {  	v14 =	vld [tilespmem:s19+$0x87F0];
	v3 =	vmul.f32 v3, v11  }
0x1e4: {  	v11 =	vld [tilespmem:s19+$0x147B0];
	v0 =	vsub.f32 v0, v1;
	v1 =	vmul.f32 v12, v4;
	v4 =	vadd.f32 v10, v5  }
0x1e5: {  	v5 =	vld [tilespmem:s19+$0x147F0];
	v7 =	vmul.f32 v7, v13  }
0x1e6: {  	v10 =	vld [tilespmem:s19+$0x87A0];
	v0 =	vadd.f32 v0, v8;
	v1 =	vsub.f32 v3, v1;
	v3 =	vmul.f32 v9, v6  }
0x1e7: {  	v6 =	vld [tilespmem:s19+$0x87E0]  }
0x1e8: {  	v8 =	vld [tilespmem:s19+$0x147A0];
	v1 =	vadd.f32 v1, v2;
	v2 =	vsub.f32 v7, v3;
	(xrf2) =	vadd.scan.msk.f32 $0xffff, v0  }
0x1e9: {  	v0 =	vld [tilespmem:s19+$0x147E0]  }
0x1ea: {  	s22 =	sadd.s32 $0x84, s30;
	v3 =	vld [tilespmem:s19+$0x8790];
	v2 =	vadd.f32 v2, v4  }
0x1eb: {  	v7 =	vmov s22;
	v4 =	vld [tilespmem:s19+$0x14790];
	(xrf2) =	vadd.scan.msk.f32 $0xffff, v1  }
0x1ec: {  	v7 =	vand.u32 $0xFFFFFFFC, v7;
	v1 =	vld [tilespmem:s19+$0x8780]  }
0x1ed: {  	s24 =	sadd.s32 $0x86, s30;
	s22 =	sadd.s32 $0x85, s30;
	s30 =	smov.u32 s21;
	v7 =	vbroadcast v7, $0x0;
	v9 =	vld [tilespmem:s19+$0x87C0]  }
0x1ee: {  	v15 =	vmov s24;
	v13 =	vmov s22;
	v12 =	vld [tilespmem:s19+$0x14780];
	(xrf2) =	vadd.scan.msk.f32 $0xffff, v2  }
0x1ef: {  	v15 =	vand.u32 $0xFFFFFFFE, v15;
	s21 =	sadd.s32 $0x4, s21;
	v13 =	vand.u32 $0xFFFFFFFD, v13;
	v2 =	vld [tilespmem:s19+$0x147C0]  }
0x1f0: {  	v15 =	vbroadcast v15, $0x0;
	p0 =	slt.u32 s21, $0x7C;
	v13 =	vbroadcast v13, $0x0;
	v16 =	vld [tilespmem:s19+$0x87D0]  }
0x1f1: {  	v19 =	vmul.f32 v11, v17;
	v20 =	vmul.f32 v5, v14;
	v18 =	vld [tilespmem:s19+$0x147D0]  }
0x1f2: {  	v5 =	vmul.f32 v5, v17;
	v22 =	vmul.f32 v8, v10;
	v21 =	vld [tilespmem:s19+$0x8600];
	v17, _, _ =	vpop (xrf2)  }
0x1f3: {  	v25 =	vmul.f32 v0, v6;
	v24 =	vmul.f32 v4, v3;
	v23 =	vld [tilespmem:s19+$0xC780];
	[tilespmem:v7+s0+$0x0] =	vst.idx.msk vm0, v17  }
0x1f4: {  	v17 =	vmul.f32 v12, v1;
	v7 =	vld [tilespmem:s19+$0xC7C0];
	v26 =	vmul.f32 v2, v9  }
0x1f5: {  	v1 =	vmul.f32 v2, v1;
	v2 =	vmul.f32 v12, v9;
	v9 =	vld [tilespmem:s19+$0xC790];
	v12, _, _ =	vpop (xrf2)  }
0x1f6: {  	v27 =	vld [tilespmem:s19+$0xC7D0];
	v28 =	vmul.f32 v18, v16;
	v3 =	vmul.f32 v18, v3;
	[tilespmem:v13+s0+$0x0] =	vst.idx.msk vm0, v12  }
0x1f7: {  	v12 =	vadd.f32 v26, v17;
	v1 =	vsub.f32 v1, v2;
	v2 =	vmul.f32 v4, v16;
	v4 =	vld [tilespmem:s19+$0xC7A0]  }
0x1f8: {  	v0 =	vmul.f32 v0, v10;
	v6 =	vmul.f32 v8, v6;
	v13 =	vadd.f32 v28, v24;
	v16 =	vld [tilespmem:s19+$0xC7E0];
	v8, _, _ =	vpop (xrf2)  }
0x1f9: {  	v10 =	vmul.f32 v12, v23;
	v2 =	vsub.f32 v3, v2;
	v1 =	vmul.f32 v7, v1;
	v3 =	vld [tilespmem:s19+$0xC7B0]  }
0x1fa: {  	v11 =	vmul.f32 v11, v14;
	v0 =	vsub.f32 v0, v6;
	v7 =	vadd.f32 v25, v22;
	v6 =	vld [tilespmem:s19+$0xC7F0]  }
0x1fb: {  	v9 =	vmul.f32 v13, v9;
	v12 =	vld [tilespmem:s19+$0x8640];
	v1 =	vsub.f32 v10, v1;
	v2 =	vmul.f32 v27, v2  }
0x1fc: {  	v5 =	vsub.f32 v5, v11;
	v10 =	vld [tilespmem:s19+$0x14600];
	v4 =	vmul.f32 v7, v4;
	v7 =	vadd.f32 v20, v19  }
0x1fd: {  	v11 =	vld [tilespmem:s19+$0x14640];
	v1 =	vadd.f32 $0.0e+00, v1;
	v2 =	vsub.f32 v9, v2;
	v0 =	vmul.f32 v16, v0;
	[tilespmem:v15+s0+$0x0] =	vst.idx.msk vm0, v8  }
0x1fe: {  	v8 =	vld [tilespmem:s19+$0x8680];
	v3 =	vmul.f32 v7, v3  }
0x1ff: {  	v7 =	vld [tilespmem:s19+$0x86C0];
	v1 =	vadd.f32 v2, v1;
	v0 =	vsub.f32 v4, v0;
	v2 =	vmul.f32 v6, v5  }
0x200: {  	v4 =	vld [tilespmem:s19+$0x14680]  }
0x201: {  	v5 =	vmul.f32 v10, v21;
	v6 =	vld [tilespmem:s19+$0x146C0];
	v0 =	vadd.f32 v0, v1;
	v1 =	vsub.f32 v3, v2  }
0x202: {  	v2 =	vmul.f32 v11, v12;
	v3 =	vmul.f32 v11, v21;
	v9 =	vld [tilespmem:s19+$0x8700]  }
0x203: {  	v10 =	vmul.f32 v10, v12;
	v11 =	vld [tilespmem:s19+$0x8740];
	v0 =	vadd.f32 v1, v0  }
0x204: {  	v1 =	vadd.f32 v2, v5;
	v2 =	vld [tilespmem:s19+$0x14700]  }
0x205: {  	v3 =	vsub.f32 v3, v10;
	v5 =	vmul.f32 v4, v8;
	v4 =	vmul.f32 v4, v7;
	v10 =	vld [tilespmem:s19+$0x14740];
	(xrf2) =	vadd.scan.msk.f32 $0xffff, v0  }
0x206: {  	v0 =	vld [tilespmem:s19+$0x8610];
	v7 =	vmul.f32 v6, v7;
	v6 =	vmul.f32 v6, v8  }
0x207: {  	v8 =	vld [tilespmem:s19+$0x8650]  }
0x208: {  	v12 =	vld [tilespmem:s19+$0x14610];
	v5 =	vadd.f32 v7, v5;
	v4 =	vsub.f32 v6, v4  }
0x209: {  	v6 =	vld [tilespmem:s19+$0x14650];
	v7 =	vmul.f32 v2, v9;
	v2 =	vmul.f32 v2, v11  }
0x20a: {  	s22 =	sadd.s32 $0x87, s30;
	v13 =	vld [tilespmem:s19+$0x8690];
	v11 =	vmul.f32 v10, v11;
	v9 =	vmul.f32 v10, v9  }
0x20b: {  	v14 =	vmov s22;
	v10 =	vld [tilespmem:s19+$0x86D0]  }
0x20c: {  	v15 =	vld [tilespmem:s19+$0x14690];
	v7 =	vadd.f32 v11, v7;
	v2 =	vsub.f32 v9, v2  }
0x20d: {  	v9 =	vmul.f32 v12, v0;
	v11 =	vmul.f32 v12, v8;
	v12 =	vld [tilespmem:s19+$0x146D0]  }
0x20e: {  	v8 =	vmul.f32 v6, v8;
	v0 =	vmul.f32 v6, v0;
	v6 =	vld [tilespmem:s19+$0x8710]  }
0x20f: {  	v16 =	vld [tilespmem:s19+$0x8750];
	v17, _, _ =	vpop (xrf2)  }
0x210: {  	v8 =	vadd.f32 v8, v9;
	v0 =	vsub.f32 v0, v11;
	v9 =	vld [tilespmem:s19+$0x14710];
	[tilespmem:v14+s0+$0x0] =	vst.idx.msk vm0, v17  }
0x211: {  	v11 =	vmul.f32 v15, v13;
	v14 =	vmul.f32 v15, v10;
	v15 =	vld [tilespmem:s19+$0x14750]  }
0x212: {  	v17 =	vld [tilespmem:s19+$0xC600];
	v10 =	vmul.f32 v12, v10;
	v12 =	vmul.f32 v12, v13  }
0x213: {  	v13 =	vld [tilespmem:s19+$0xC640]  }
0x214: {  	v18 =	vld [tilespmem:s19+$0x8620];
	v10 =	vadd.f32 v10, v11;
	v11 =	vsub.f32 v12, v14  }
0x215: {  	v12 =	vld [tilespmem:s19+$0x8660];
	v14 =	vmul.f32 v9, v6;
	v9 =	vmul.f32 v9, v16  }
0x216: {  	v19 =	vld [tilespmem:s19+$0x14620];
	v16 =	vmul.f32 v15, v16;
	v6 =	vmul.f32 v15, v6  }
0x217: {  	v1 =	vmul.f32 v1, v17;
	v15 =	vld [tilespmem:s19+$0x14660]  }
0x218: {  	v3 =	vmul.f32 v13, v3;
	v13 =	vld [tilespmem:s19+$0xC680];
	v14 =	vadd.f32 v16, v14;
	v6 =	vsub.f32 v6, v9  }
0x219: {  	v9 =	vld [tilespmem:s19+$0xC6C0]  }
0x21a: {  	v1 =	vsub.f32 v1, v3;
	v3 =	vld [tilespmem:s19+$0x86A0]  }
0x21b: {  	v16 =	vmul.f32 v19, v18;
	v17 =	vmul.f32 v19, v12;
	v19 =	vld [tilespmem:s19+$0x86E0]  }
0x21c: {  	v1 =	vadd.f32 $0.0e+00, v1;
	v12 =	vmul.f32 v15, v12;
	v15 =	vmul.f32 v15, v18;
	v18 =	vld [tilespmem:s19+$0x146A0]  }
0x21d: {  	v5 =	vmul.f32 v5, v13;
	v13 =	vld [tilespmem:s19+$0x146E0]  }
0x21e: {  	v12 =	vadd.f32 v12, v16;
	v15 =	vsub.f32 v15, v17;
	v4 =	vmul.f32 v9, v4;
	v9 =	vld [tilespmem:s19+$0xC700]  }
0x21f: {  	v16 =	vld [tilespmem:s19+$0xC740]  }
0x220: {  	v4 =	vsub.f32 v5, v4;
	v5 =	vld [tilespmem:s19+$0x8720]  }
0x221: {  	v17 =	vmul.f32 v18, v3;
	v18 =	vmul.f32 v18, v19;
	v20 =	vld [tilespmem:s19+$0x8760]  }
0x222: {  	v4 =	vadd.f32 $0.0e+00, v4;
	v19 =	vmul.f32 v13, v19;
	v3 =	vmul.f32 v13, v3;
	v13 =	vld [tilespmem:s19+$0x14720]  }
0x223: {  	v7 =	vmul.f32 v7, v9;
	v9 =	vld [tilespmem:s19+$0x14760]  }
0x224: {  	v21 =	vld [tilespmem:s19+$0xC610];
	v17 =	vadd.f32 v19, v17;
	v18 =	vsub.f32 v3, v18;
	v2 =	vmul.f32 v16, v2  }
0x225: {  	v3 =	vld [tilespmem:s19+$0xC650]  }
0x226: {  	v16 =	vld [tilespmem:s19+$0x8630];
	v2 =	vsub.f32 v7, v2  }
0x227: {  	v7 =	vld [tilespmem:s19+$0x8670];
	v19 =	vmul.f32 v13, v5;
	v13 =	vmul.f32 v13, v20  }
0x228: {  	v22 =	vld [tilespmem:s19+$0x14630];
	v23 =	vadd.f32 $0.0e+00, v2;
	v2 =	vmul.f32 v9, v20;
	v5 =	vmul.f32 v9, v5  }
0x229: {  	v8 =	vmul.f32 v8, v21;
	v9 =	vld [tilespmem:s19+$0x14670]  }
0x22a: {  	v0 =	vmul.f32 v3, v0;
	v3 =	vld [tilespmem:s19+$0xC690];
	v19 =	vadd.f32 v2, v19;
	v13 =	vsub.f32 v5, v13  }
0x22b: {  	v2 =	vld [tilespmem:s19+$0xC6D0]  }
0x22c: {  	v0 =	vsub.f32 v8, v0;
	v5 =	vld [tilespmem:s19+$0x86B0]  }
0x22d: {  	v8 =	vmul.f32 v22, v16;
	v20 =	vmul.f32 v22, v7;
	v21 =	vld [tilespmem:s19+$0x86F0]  }
0x22e: {  	v22 =	vadd.f32 v0, v1;
	v0 =	vmul.f32 v9, v7;
	v1 =	vmul.f32 v9, v16;
	v7 =	vld [tilespmem:s19+$0x146B0]  }
0x22f: {  	v3 =	vmul.f32 v10, v3;
	v9 =	vld [tilespmem:s19+$0x146F0]  }
0x230: {  	v0 =	vadd.f32 v0, v8;
	v1 =	vsub.f32 v1, v20;
	v2 =	vmul.f32 v2, v11;
	v8 =	vld [tilespmem:s19+$0xC710]  }
0x231: {  	v10 =	vld [tilespmem:s19+$0xC750]  }
0x232: {  	v2 =	vsub.f32 v3, v2;
	v11 =	vld [tilespmem:s19+$0x8730]  }
0x233: {  	v3 =	vmul.f32 v7, v5;
	v7 =	vmul.f32 v7, v21;
	v16 =	vld [tilespmem:s19+$0x8770]  }
0x234: {  	v2 =	vadd.f32 v2, v4;
	v4 =	vmul.f32 v9, v21;
	v5 =	vmul.f32 v9, v5;
	v9 =	vld [tilespmem:s19+$0x14730]  }
0x235: {  	v8 =	vmul.f32 v14, v8;
	v14 =	vld [tilespmem:s19+$0x14770]  }
0x236: {  	v20 =	vld [tilespmem:s19+$0xC620];
	v3 =	vadd.f32 v4, v3;
	v4 =	vsub.f32 v5, v7;
	v5 =	vmul.f32 v10, v6  }
0x237: {  	v6 =	vld [tilespmem:s19+$0xC660]  }
0x238: {  	v21 =	vld [tilespmem:s19+$0xC6A0];
	v5 =	vsub.f32 v8, v5  }
0x239: {  	v8 =	vld [tilespmem:s19+$0xC6E0];
	v7 =	vmul.f32 v9, v11;
	v10 =	vmul.f32 v9, v16  }
0x23a: {  	v5 =	vadd.f32 v5, v23;
	v23 =	vld [tilespmem:s19+$0xC720];
	v16 =	vmul.f32 v14, v16;
	v11 =	vmul.f32 v14, v11  }
0x23b: {  	v12 =	vmul.f32 v12, v20;
	v20 =	vld [tilespmem:s19+$0xC760]  }
.Ltmp1:
0x23c: {  	v14 =	vmul.f32 v6, v15;
	v9 =	vld [tilespmem:s19+$0xC630];
	v7 =	vadd.f32 v16, v7;
	v6 =	vsub.f32 v11, v10;
	(pc) =	sbr.rel @p0 .LBB2_4-.Ltmp1, $4  }
0x23d: {  	v10 =	vld [tilespmem:s19+$0xC670];
	v15 =	vmul.f32 v17, v21  }
0x23e: {  	v16 =	vsub.f32 v12, v14;
	v17 =	vmul.f32 v8, v18;
	v11 =	vld [tilespmem:s19+$0xC6B0]  }
0x23f: {  	v12 =	vld [tilespmem:s19+$0xC6F0];
	v14 =	vmul.f32 v19, v23  }
0x240: {  	s20 =	sadd.s32 $0x800, s20;
	v8 =	vadd.f32 v16, v22;
	v15 =	vsub.f32 v15, v17;
	v16 =	vmul.f32 v20, v13;
	v13 =	vld [tilespmem:s19+$0xC730]  }
0x241: {  	v17 =	vld [tilespmem:s19+$0xC770];
	_ =	sdelay $0x2  }
0x242: {  	v0 =	vmul.f32 v0, v9;
	v1 =	vmul.f32 v10, v1;
	v2 =	vadd.f32 v15, v2  }
0x243: {  	v9 =	vsub.f32 v14, v16;
	v3 =	vmul.f32 v3, v11;
	v4 =	vmul.f32 v12, v4  }
0x244: {  	v0 =	vsub.f32 v0, v1;
	v1 =	vmul.f32 v7, v13;
	v6 =	vmul.f32 v17, v6  }
0x245: {  	v5 =	vadd.f32 v9, v5;
	v3 =	vsub.f32 v3, v4  }
0x246: {  	v0 =	vadd.f32 v0, v8;
	v1 =	vsub.f32 v1, v6  }
0x247: {  	v2 =	vadd.f32 v3, v2  }
0x248: {  	(xrf2) =	vadd.scan.msk.f32 $0xffff, v0;
	v0 =	vadd.f32 v1, v5  }
0x249: {  	(xrf2) =	vadd.scan.msk.f32 $0xffff, v2  }
0x24a: {  	s22 =	sadd.s32 $0x84, s30;
	(xrf2) =	vadd.scan.msk.f32 $0xffff, v0  }
0x24b: {  	s24 =	sadd.s32 $0x85, s30;
	v0 =	vmov s22  }
0x24c: {  	s20 =	sadd.s32 $0x86, s30;
	v1 =	vmov s24;
	v0 =	vand.u32 $0xFFFFFFFC, v0  }
0x24d: {  	v2 =	vmov s20;
	v1 =	vand.u32 $0xFFFFFFFD, v1;
	v0 =	vbroadcast v0, $0x0  }
0x24e: {  	v2 =	vand.u32 $0xFFFFFFFE, v2;
	v1 =	vbroadcast v1, $0x0  }
0x24f: {  	v2 =	vbroadcast v2, $0x0;
	_ =	sdelay $0x2  }
0x250: {  	v3, _, _ =	vpop (xrf2)  }
0x251: {  	[tilespmem:v0+s0+$0x0] =	vst.idx.msk vm0, v3;
	v0, _, _ =	vpop (xrf2)  }
0x252: {  	[tilespmem:v1+s0+$0x0] =	vst.idx.msk vm0, v0;
	v0, _, _ =	vpop (xrf2)  }
0x253: {  	[tilespmem:v2+s0+$0x0] =	vst.idx.msk vm0, v0  }
0x254: {  	_ =	swait.ge [sflag:s28], $0x8000  }
0x255: {  	[sflag:s28] =	ssyncset.done $0x0  }
0x256: {  	[sflag:s28] =	ssyncadd.s32 $0xFFFF8000  }
0x257: {  	_ =	swait.ge [sflag:s28], $0x4000  }
0x258: {  	[sflag:s28] =	ssyncset.done $0x0  }
0x259: {  	s21 =	simm.s32 $0x300;
	[sflag:s28] =	ssyncadd.s32 $0xFFFFC000  }
0x25a: {  	[tilespmem:s29], [sflag:$0x2] =	stream.indirect.gather [hbm4b:s1+s18], $0x80, s21, s18, $0xb8;
	[tilespmem:$0x18800] =	vst v63  }
0x25b: {  	s19 =	simm.s32 $0x0;
	s22 =	simm.s32 $0x580  }
0x25c: {  	[tilespmem:s31], [sflag:$0x2] =	stream.indirect.gather [hbm4b:s2+s17], $0x80, s22, s17, $0xb8;
	[tilespmem:$0x18800] =	vst v63  }
0x25d: {  	v0 =	vld [tilespmem:s19+$0x7B0]  }
0x25e: {  	v1 =	vld [tilespmem:s19+$0x7F0]  }
0x25f: {  	v2 =	vld [tilespmem:s19+$0x107B0]  }
0x260: {  	v3 =	vld [tilespmem:s19+$0x107F0]  }
0x261: {  	v4 =	vld [tilespmem:s19+$0x7A0]  }
0x262: {  	v5 =	vld [tilespmem:s19+$0x7E0]  }
0x263: {  	v6 =	vld [tilespmem:s19+$0x107A0]  }
0x264: {  	v7 =	vld [tilespmem:s19+$0x107E0]  }
0x265: {  	v8 =	vld [tilespmem:s19+$0x790]  }
0x266: {  	v9 =	vld [tilespmem:s19+$0x10790]  }
0x267: {  	v10 =	vld [tilespmem:s19+$0x780]  }
0x268: {  	v11 =	vld [tilespmem:s19+$0x7C0]  }
0x269: {  	v12 =	vld [tilespmem:s19+$0x10780]  }
0x26a: {  	v13 =	vld [tilespmem:s19+$0x107C0]  }
0x26b: {  	v14 =	vld [tilespmem:s19+$0x7D0]  }
0x26c: {  	v15 =	vld [tilespmem:s19+$0x107D0]  }
0x26d: {  	v16 =	vld [tilespmem:s19+$0x600]  }
0x26e: {  	v17 =	vld [tilespmem:s19+$0x4780]  }
0x26f: {  	v18 =	vld [tilespmem:s19+$0x47C0]  }
0x270: {  	v19 =	vld [tilespmem:s19+$0x4790]  }
0x271: {  	v20 =	vld [tilespmem:s19+$0x47D0]  }
0x272: {  	v21 =	vld [tilespmem:s19+$0x47A0]  }
0x273: {  	v22 =	vld [tilespmem:s19+$0x47E0]  }
0x274: {  	v23 =	vld [tilespmem:s19+$0x47B0]  }
0x275: {  	v24 =	vld [tilespmem:s19+$0x47F0]  }
0x276: {  	v25 =	vld [tilespmem:s19+$0x640]  }
0x277: {  	v26 =	vld [tilespmem:s19+$0x10600]  }
0x278: {  	v27 =	vld [tilespmem:s19+$0x10640]  }
0x279: {  	v28 =	vld [tilespmem:s19+$0x680]  }
0x27a: {  	v29 =	vld [tilespmem:s19+$0x6C0]  }
0x27b: {  	v30 =	vld [tilespmem:s19+$0x10680]  }
0x27c: {  	v31 =	vld [tilespmem:s19+$0x106C0]  }
0x27d: {  	v32 =	vld [tilespmem:s19+$0x700]  }
0x27e: {  	v33 =	vld [tilespmem:s19+$0x740]  }
0x27f: {  	v34 =	vld [tilespmem:s19+$0x10700]  }
0x280: {  	v35 =	vld [tilespmem:s19+$0x10740]  }
0x281: {  	v36 =	vld [tilespmem:s19+$0x610]  }
0x282: {  	v37 =	vld [tilespmem:s19+$0x650]  }
0x283: {  	v38 =	vld [tilespmem:s19+$0x10610]  }
0x284: {  	v39 =	vld [tilespmem:s19+$0x10650]  }
0x285: {  	v40 =	vld [tilespmem:s19+$0x690]  }
0x286: {  	v41 =	vld [tilespmem:s19+$0x6D0]  }
0x287: {  	v42 =	vld [tilespmem:s19+$0x10690];
	v43 =	vmul.f32 v6, v4;
	v44 =	vmul.f32 v12, v10  }
0x288: {  	v45 =	vld [tilespmem:s19+$0x106D0];
	v46 =	vmul.f32 v13, v11;
	v10 =	vmul.f32 v13, v10  }
0x289: {  	v51 =	vld [tilespmem:s19+$0x760];
	v47 =	vmul.f32 v9, v8;
	v11 =	vmul.f32 v12, v11  }
0x28a: {  	v54 =	vld [tilespmem:s19+$0x10720];
	v8 =	vmul.f32 v15, v8;
	v15 =	vmul.f32 v15, v14  }
0x28b: {  	v57 =	vld [tilespmem:s19+$0x10760];
	v9 =	vmul.f32 v9, v14;
	v4 =	vmul.f32 v7, v4  }
0x28c: {  	v60 =	vld [tilespmem:s19+$0x4610];
	v7 =	vmul.f32 v7, v5;
	v5 =	vmul.f32 v6, v5  }
0x28d: {  	v63 =	vld [tilespmem:s19+$0x4650];
	v48 =	vmul.f32 v31, v28;
	v49 =	vmul.f32 v34, v32  }
0x28e: {  	v13 =	vld [tilespmem:s19+$0x710];
	v50 =	vmul.f32 v35, v33;
	v52 =	vmul.f32 v34, v33  }
0x28f: {  	v12 =	vld [tilespmem:s19+$0x750];
	v53 =	vmul.f32 v35, v32;
	v55 =	vmul.f32 v38, v36  }
0x290: {  	v6 =	vld [tilespmem:s19+$0x4600];
	v56 =	vmul.f32 v39, v37;
	v58 =	vmul.f32 v38, v37  }
0x291: {  	v61 =	vmul.f32 v42, v40;
	v44 =	vadd.f32 v46, v44;
	v46 =	vld [tilespmem:s19+$0x10710];
	v10 =	vsub.f32 v10, v11  }
0x292: {  	v62 =	vmul.f32 v45, v41;
	v11 =	vld [tilespmem:s19+$0x10750];
	v14 =	vadd.f32 v15, v47;
	v47 =	vmul.f32 v30, v29  }
0x293: {  	v8 =	vsub.f32 v8, v9;
	v9 =	vld [tilespmem:s19+$0x4640];
	v15 =	vmul.f32 v44, v17;
	v10 =	vmul.f32 v18, v10  }
0x294: {  	v4 =	vsub.f32 v4, v5;
	v17 =	vmul.f32 v2, v0;
	v0 =	vmul.f32 v3, v0;
	v18 =	vld [tilespmem:s19+$0x620]  }
0x295: {  	v3 =	vmul.f32 v3, v1;
	v1 =	vmul.f32 v2, v1;
	v2 =	vld [tilespmem:s19+$0x660]  }
0x296: {  	v41 =	vmul.f32 v42, v41;
	v7 =	vadd.f32 v7, v43;
	v4 =	vmul.f32 v22, v4;
	v22 =	vld [tilespmem:s19+$0x4740]  }
0x297: {  	v42 =	vmul.f32 v45, v40;
	v8 =	vmul.f32 v20, v8;
	v20 =	vsub.f32 v48, v47;
	v47 =	vld [tilespmem:s19+$0x670]  }
0x298: {  	v59 =	vmul.f32 v39, v36;
	v7 =	vmul.f32 v7, v21;
	v21 =	vadd.f32 v50, v49;
	v49 =	vld [tilespmem:s19+$0x4690]  }
0x299: {  	v44 =	vmul.f32 v31, v29;
	v29 =	vadd.f32 v62, v61;
	v31 =	vsub.f32 v42, v41;
	v62 =	vld [tilespmem:s19+$0x4660]  }
0x29a: {  	v5 =	vsub.f32 v15, v10;
	v10 =	vmul.f32 v14, v19;
	v14 =	vld [tilespmem:s19+$0x10620];
	v3 =	vadd.f32 v3, v17  }
0x29b: {  	v43 =	vmul.f32 v26, v25;
	v0 =	vsub.f32 v0, v1;
	v1 =	vld [tilespmem:s19+$0x10660];
	v4 =	vsub.f32 v7, v4  }
0x29c: {  	v15 =	vld [tilespmem:s19+$0x46C0];
	v17 =	vmul.f32 v27, v25;
	v5 =	vadd.f32 $0.0e+00, v5;
	v8 =	vsub.f32 v10, v8  }
0x29d: {  	v7 =	vld [tilespmem:s19+$0x6A0];
	v25 =	vadd.f32 v56, v55;
	v45 =	vmul.f32 v11, v12;
	v12 =	vmul.f32 v46, v12  }
0x29e: {  	v19 =	vld [tilespmem:s19+$0x106E0];
	v11 =	vmul.f32 v11, v13;
	v3 =	vmul.f32 v3, v23;
	v5 =	vadd.f32 v8, v5  }
0x29f: {  	v10 =	vld [tilespmem:s19+$0x4680];
	v0 =	vmul.f32 v24, v0;
	v23 =	vsub.f32 v53, v52;
	v52 =	vmul.f32 v25, v60  }
0x2a0: {  	v24 =	vld [tilespmem:s19+$0x720];
	v11 =	vsub.f32 v11, v12;
	v4 =	vadd.f32 v4, v5;
	v5 =	vmul.f32 v26, v16  }
0x2a1: {  	v0 =	vsub.f32 v3, v0;
	v3 =	vld [tilespmem:s19+$0x106A0];
	v12 =	vmul.f32 v14, v18;
	v16 =	vmul.f32 v27, v16  }
0x2a2: {  	v8 =	vld [tilespmem:s19+$0x6E0];
	v48 =	vmul.f32 v1, v2;
	v5 =	vadd.f32 v17, v5;
	v17 =	vmul.f32 v30, v28  }
0x2a3: {  	v2 =	vmul.f32 v14, v2;
	v0 =	vadd.f32 v0, v4;
	v4 =	vld [tilespmem:s19+$0x4700];
	v16 =	vsub.f32 v16, v43  }
0x2a4: {  	v60 =	vld [tilespmem:s19+$0x10770];
	v1 =	vmul.f32 v1, v18;
	v14 =	vmul.f32 v15, v20;
	v17 =	vadd.f32 v44, v17  }
0x2a5: {  	v15 =	vld [tilespmem:s19+$0x6B0];
	v27 =	vsub.f32 v59, v58;
	v5 =	vmul.f32 v5, v6;
	v6 =	vmul.f32 v9, v16  }
0x2a6: {  	s24 =	simm.s32 $0x103;
	v18 =	vld [tilespmem:s19+$0x6F0];
	v10 =	vmul.f32 v17, v10;
	v17 =	vsub.f32 v1, v2;
	v1 =	vmul.f32 v3, v7  }
0x2a7: {  	v58 =	vmov s24;
	v43 =	vld [tilespmem:s19+$0x630];
	v2 =	vmul.f32 v19, v8;
	v3 =	vmul.f32 v3, v8  }
0x2a8: {  	v16 =	vld [tilespmem:s19+$0x10670];
	(xrf2) =	vadd.scan.msk.f32 $0xffff, v0;
	v5 =	vsub.f32 v5, v6;
	v7 =	vmul.f32 v19, v7;
	v0 =	vmul.f32 v21, v4  }
0x2a9: {  	v6 =	vld [tilespmem:s19+$0x46D0];
	v10 =	vsub.f32 v10, v14;
	v14 =	vadd.f32 v2, v1;
	v1 =	vmul.f32 v22, v23  }
0x2aa: {  	v53 =	vmul.f32 v63, v27;
	v44 =	vmul.f32 v46, v13;
	v13 =	vld [tilespmem:s19+$0x10630];
	v7 =	vsub.f32 v7, v3  }
0x2ab: {  	v8 =	vld [tilespmem:s19+$0x106B0];
	v3 =	vmul.f32 v54, v51;
	v50 =	vsub.f32 v0, v1;
	v1 =	vmul.f32 v57, v24  }
0x2ac: {  	v19 =	vld [tilespmem:s19+$0x4710];
	v2 =	vmul.f32 v54, v24;
	v5 =	vadd.f32 $0.0e+00, v5;
	v0 =	vmul.f32 v57, v51  }
0x2ad: {  	v4 =	vld [tilespmem:s19+$0x106F0];
	v59 =	vmul.f32 v16, v47;
	v56 =	vsub.f32 v1, v3;
	v1 =	vsub.f32 v52, v53  }
0x2ae: {  	v51 =	vld [tilespmem:s19+$0x4750];
	v6 =	vmul.f32 v6, v31;
	v55 =	vadd.f32 v0, v2;
	v3 =	vmul.f32 v29, v49  }
0x2af: {  	v54 =	vld [tilespmem:s19+$0x730];
	v0 =	vmul.f32 v13, v43;
	v2 =	vmul.f32 v13, v47;
	v61 =	vadd.f32 v1, v5  }
0x2b0: {  	v57 =	vld [tilespmem:s19+$0x770];
	v5 =	vadd.f32 $0.0e+00, v10;
	v10 =	vmul.f32 v16, v43;
	v3 =	vsub.f32 v3, v6  }
0x2b1: {  	v9 =	vadd.f32 v45, v44;
	v13 =	vld [tilespmem:s19+$0x10730];
	v1 =	vadd.f32 v59, v0;
	v6 =	vmul.f32 v8, v15  }
0x2b2: {  	v16 =	vld [tilespmem:s19+$0x4620];
	v8 =	vmul.f32 v8, v18;
	v0 =	vsub.f32 v10, v2;
	v10 =	vmul.f32 v4, v18  }
0x2b3: {  	v18 =	vld [tilespmem:s19+$0x46A0];
	v2 =	vadd.f32 v3, v5;
	v5 =	vmul.f32 v9, v19;
	v9 =	vmul.f32 v51, v11  }
0x2b4: {  	v12 =	vadd.f32 v48, v12;
	v11 =	vld [tilespmem:s19+$0x46E0];
	v3, _, _ =	vpop (xrf2)  }
0x2b5: {  	v19 =	vadd.f32 $0.0e+00, v50;
	v4 =	vmul.f32 v4, v15;
	v15 =	vld [tilespmem:s19+$0x4720];
	v5 =	vsub.f32 v5, v9;
	[tilespmem:v58+s0+$0x0] =	vst.idx.msk vm0, v3  }
0x2b6: {  	v63 =	vld [tilespmem:s19+$0x4760];
	v3 =	vadd.f32 v10, v6;
	v6 =	vmul.f32 v13, v54;
	v13 =	vmul.f32 v13, v57  }
0x2b7: {  	v4 =	vsub.f32 v4, v8;
	v9 =	vld [tilespmem:s19+$0x4630];
	v8 =	vmul.f32 v12, v16;
	v12 =	vmul.f32 v62, v17  }
0x2b8: {  	v16 =	vmul.f32 v60, v57;
	v17 =	vmul.f32 v60, v54;
	v10 =	vld [tilespmem:s19+$0x4670];
	v5 =	vadd.f32 v5, v19  }
0x2b9: {  	v18 =	vmul.f32 v14, v18;
	v8 =	vsub.f32 v8, v12;
	v19 =	vmul.f32 v11, v7;
	v11 =	vld [tilespmem:s19+$0x46B0]  }
0x2ba: {  	v7 =	vadd.f32 v16, v6;
	v6 =	vsub.f32 v17, v13;
	v12 =	vld [tilespmem:s19+$0x46F0];
	v14 =	vmul.f32 v55, v15  }
0x2bb: {  	s30 =	simm.s32 $0xFFFFFFFC;
	s20 =	simm.s32 $0x800;
	s21 =	simm.s32 $0x0;
	v16 =	vmul.f32 v63, v56;
	v13 =	vld [tilespmem:s19+$0x4730];
	v8 =	vadd.f32 v8, v61;
	v15 =	vsub.f32 v18, v19  }
.LBB2_6:
0x2bc: {  	v1 =	vmul.f32 v1, v9;
	v9 =	vld [tilespmem:s19+$0x4770];
	s19 =	sshra.s32 s20, $0x2  }
0x2bd: {  	v17 =	vld [tilespmem:s19+$0x7B0];
	v0 =	vmul.f32 v10, v0;
	v2 =	vadd.f32 v15, v2;
	v10 =	vsub.f32 v14, v16  }
0x2be: {  	v14 =	vld [tilespmem:s19+$0x7F0];
	v3 =	vmul.f32 v3, v11  }
0x2bf: {  	v11 =	vld [tilespmem:s19+$0x107B0];
	v0 =	vsub.f32 v1, v0;
	v1 =	vmul.f32 v12, v4;
	v4 =	vadd.f32 v10, v5  }
0x2c0: {  	v5 =	vld [tilespmem:s19+$0x107F0];
	v7 =	vmul.f32 v7, v13  }
0x2c1: {  	v10 =	vld [tilespmem:s19+$0x7A0];
	v0 =	vadd.f32 v0, v8;
	v1 =	vsub.f32 v3, v1;
	v3 =	vmul.f32 v9, v6  }
0x2c2: {  	v6 =	vld [tilespmem:s19+$0x7E0]  }
0x2c3: {  	v8 =	vld [tilespmem:s19+$0x107A0];
	v1 =	vadd.f32 v1, v2;
	v2 =	vsub.f32 v7, v3;
	(xrf2) =	vadd.scan.msk.f32 $0xffff, v0  }
0x2c4: {  	v0 =	vld [tilespmem:s19+$0x107E0]  }
0x2c5: {  	s22 =	sadd.s32 $0x104, s30;
	v3 =	vld [tilespmem:s19+$0x790];
	v2 =	vadd.f32 v2, v4  }
0x2c6: {  	v7 =	vmov s22;
	v4 =	vld [tilespmem:s19+$0x10790];
	(xrf2) =	vadd.scan.msk.f32 $0xffff, v1  }
0x2c7: {  	v7 =	vand.u32 $0xFFFFFFFC, v7;
	v1 =	vld [tilespmem:s19+$0x780]  }
0x2c8: {  	s24 =	sadd.s32 $0x106, s30;
	s22 =	sadd.s32 $0x105, s30;
	s30 =	smov.u32 s21;
	v7 =	vbroadcast v7, $0x0;
	v9 =	vld [tilespmem:s19+$0x7C0]  }
0x2c9: {  	v15 =	vmov s24;
	v13 =	vmov s22;
	v12 =	vld [tilespmem:s19+$0x10780];
	(xrf2) =	vadd.scan.msk.f32 $0xffff, v2  }
0x2ca: {  	v15 =	vand.u32 $0xFFFFFFFE, v15;
	s21 =	sadd.s32 $0x4, s21;
	v13 =	vand.u32 $0xFFFFFFFD, v13;
	v2 =	vld [tilespmem:s19+$0x107C0]  }
0x2cb: {  	v15 =	vbroadcast v15, $0x0;
	p0 =	slt.u32 s21, $0x7C;
	v13 =	vbroadcast v13, $0x0;
	v16 =	vld [tilespmem:s19+$0x7D0]  }
0x2cc: {  	v19 =	vmul.f32 v11, v17;
	v20 =	vmul.f32 v5, v14;
	v18 =	vld [tilespmem:s19+$0x107D0]  }
0x2cd: {  	v5 =	vmul.f32 v5, v17;
	v22 =	vmul.f32 v8, v10;
	v21 =	vld [tilespmem:s19+$0x600];
	v17, _, _ =	vpop (xrf2)  }
0x2ce: {  	v25 =	vmul.f32 v0, v6;
	v24 =	vmul.f32 v4, v3;
	v23 =	vld [tilespmem:s19+$0x4780];
	[tilespmem:v7+s0+$0x0] =	vst.idx.msk vm0, v17  }
0x2cf: {  	v17 =	vmul.f32 v12, v1;
	v7 =	vld [tilespmem:s19+$0x47C0];
	v26 =	vmul.f32 v2, v9  }
0x2d0: {  	v1 =	vmul.f32 v2, v1;
	v2 =	vmul.f32 v12, v9;
	v9 =	vld [tilespmem:s19+$0x4790];
	v12, _, _ =	vpop (xrf2)  }
0x2d1: {  	v27 =	vld [tilespmem:s19+$0x47D0];
	v28 =	vmul.f32 v18, v16;
	v3 =	vmul.f32 v18, v3;
	[tilespmem:v13+s0+$0x0] =	vst.idx.msk vm0, v12  }
0x2d2: {  	v12 =	vadd.f32 v26, v17;
	v1 =	vsub.f32 v1, v2;
	v2 =	vmul.f32 v4, v16;
	v4 =	vld [tilespmem:s19+$0x47A0]  }
0x2d3: {  	v0 =	vmul.f32 v0, v10;
	v6 =	vmul.f32 v8, v6;
	v13 =	vadd.f32 v28, v24;
	v16 =	vld [tilespmem:s19+$0x47E0];
	v8, _, _ =	vpop (xrf2)  }
0x2d4: {  	v10 =	vmul.f32 v12, v23;
	v2 =	vsub.f32 v3, v2;
	v1 =	vmul.f32 v7, v1;
	v3 =	vld [tilespmem:s19+$0x47B0]  }
0x2d5: {  	v11 =	vmul.f32 v11, v14;
	v0 =	vsub.f32 v0, v6;
	v7 =	vadd.f32 v25, v22;
	v6 =	vld [tilespmem:s19+$0x47F0]  }
0x2d6: {  	v9 =	vmul.f32 v13, v9;
	v12 =	vld [tilespmem:s19+$0x640];
	v1 =	vsub.f32 v10, v1;
	v2 =	vmul.f32 v27, v2  }
0x2d7: {  	v5 =	vsub.f32 v5, v11;
	v10 =	vld [tilespmem:s19+$0x10600];
	v4 =	vmul.f32 v7, v4;
	v7 =	vadd.f32 v20, v19  }
0x2d8: {  	v11 =	vld [tilespmem:s19+$0x10640];
	v1 =	vadd.f32 $0.0e+00, v1;
	v2 =	vsub.f32 v9, v2;
	v0 =	vmul.f32 v16, v0;
	[tilespmem:v15+s0+$0x0] =	vst.idx.msk vm0, v8  }
0x2d9: {  	v8 =	vld [tilespmem:s19+$0x680];
	v3 =	vmul.f32 v7, v3  }
0x2da: {  	v7 =	vld [tilespmem:s19+$0x6C0];
	v1 =	vadd.f32 v2, v1;
	v0 =	vsub.f32 v4, v0;
	v2 =	vmul.f32 v6, v5  }
0x2db: {  	v4 =	vld [tilespmem:s19+$0x10680]  }
0x2dc: {  	v5 =	vmul.f32 v10, v21;
	v6 =	vld [tilespmem:s19+$0x106C0];
	v0 =	vadd.f32 v0, v1;
	v1 =	vsub.f32 v3, v2  }
0x2dd: {  	v2 =	vmul.f32 v11, v12;
	v3 =	vmul.f32 v11, v21;
	v9 =	vld [tilespmem:s19+$0x700]  }
0x2de: {  	v10 =	vmul.f32 v10, v12;
	v11 =	vld [tilespmem:s19+$0x740];
	v0 =	vadd.f32 v1, v0  }
0x2df: {  	v1 =	vadd.f32 v2, v5;
	v2 =	vld [tilespmem:s19+$0x10700]  }
0x2e0: {  	v3 =	vsub.f32 v3, v10;
	v5 =	vmul.f32 v4, v8;
	v4 =	vmul.f32 v4, v7;
	v10 =	vld [tilespmem:s19+$0x10740];
	(xrf2) =	vadd.scan.msk.f32 $0xffff, v0  }
0x2e1: {  	v0 =	vld [tilespmem:s19+$0x610];
	v7 =	vmul.f32 v6, v7;
	v6 =	vmul.f32 v6, v8  }
0x2e2: {  	v8 =	vld [tilespmem:s19+$0x650]  }
0x2e3: {  	v12 =	vld [tilespmem:s19+$0x10610];
	v5 =	vadd.f32 v7, v5;
	v4 =	vsub.f32 v6, v4  }
0x2e4: {  	v6 =	vld [tilespmem:s19+$0x10650];
	v7 =	vmul.f32 v2, v9;
	v2 =	vmul.f32 v2, v11  }
0x2e5: {  	s22 =	sadd.s32 $0x107, s30;
	v13 =	vld [tilespmem:s19+$0x690];
	v11 =	vmul.f32 v10, v11;
	v9 =	vmul.f32 v10, v9  }
0x2e6: {  	v14 =	vmov s22;
	v10 =	vld [tilespmem:s19+$0x6D0]  }
0x2e7: {  	v15 =	vld [tilespmem:s19+$0x10690];
	v7 =	vadd.f32 v11, v7;
	v2 =	vsub.f32 v9, v2  }
0x2e8: {  	v9 =	vmul.f32 v12, v0;
	v11 =	vmul.f32 v12, v8;
	v12 =	vld [tilespmem:s19+$0x106D0]  }
0x2e9: {  	v8 =	vmul.f32 v6, v8;
	v0 =	vmul.f32 v6, v0;
	v6 =	vld [tilespmem:s19+$0x710]  }
0x2ea: {  	v16 =	vld [tilespmem:s19+$0x750];
	v17, _, _ =	vpop (xrf2)  }
0x2eb: {  	v8 =	vadd.f32 v8, v9;
	v0 =	vsub.f32 v0, v11;
	v9 =	vld [tilespmem:s19+$0x10710];
	[tilespmem:v14+s0+$0x0] =	vst.idx.msk vm0, v17  }
0x2ec: {  	v11 =	vmul.f32 v15, v13;
	v14 =	vmul.f32 v15, v10;
	v15 =	vld [tilespmem:s19+$0x10750]  }
0x2ed: {  	v17 =	vld [tilespmem:s19+$0x4600];
	v10 =	vmul.f32 v12, v10;
	v12 =	vmul.f32 v12, v13  }
0x2ee: {  	v13 =	vld [tilespmem:s19+$0x4640]  }
0x2ef: {  	v18 =	vld [tilespmem:s19+$0x620];
	v10 =	vadd.f32 v10, v11;
	v11 =	vsub.f32 v12, v14  }
0x2f0: {  	v12 =	vld [tilespmem:s19+$0x660];
	v14 =	vmul.f32 v9, v6;
	v9 =	vmul.f32 v9, v16  }
0x2f1: {  	v19 =	vld [tilespmem:s19+$0x10620];
	v16 =	vmul.f32 v15, v16;
	v6 =	vmul.f32 v15, v6  }
0x2f2: {  	v1 =	vmul.f32 v1, v17;
	v15 =	vld [tilespmem:s19+$0x10660]  }
0x2f3: {  	v3 =	vmul.f32 v13, v3;
	v13 =	vld [tilespmem:s19+$0x4680];
	v14 =	vadd.f32 v16, v14;
	v6 =	vsub.f32 v6, v9  }
0x2f4: {  	v9 =	vld [tilespmem:s19+$0x46C0]  }
0x2f5: {  	v1 =	vsub.f32 v1, v3;
	v3 =	vld [tilespmem:s19+$0x6A0]  }
0x2f6: {  	v16 =	vmul.f32 v19, v18;
	v17 =	vmul.f32 v19, v12;
	v19 =	vld [tilespmem:s19+$0x6E0]  }
0x2f7: {  	v1 =	vadd.f32 $0.0e+00, v1;
	v12 =	vmul.f32 v15, v12;
	v15 =	vmul.f32 v15, v18;
	v18 =	vld [tilespmem:s19+$0x106A0]  }
0x2f8: {  	v5 =	vmul.f32 v5, v13;
	v13 =	vld [tilespmem:s19+$0x106E0]  }
0x2f9: {  	v12 =	vadd.f32 v12, v16;
	v15 =	vsub.f32 v15, v17;
	v4 =	vmul.f32 v9, v4;
	v9 =	vld [tilespmem:s19+$0x4700]  }
0x2fa: {  	v16 =	vld [tilespmem:s19+$0x4740]  }
0x2fb: {  	v4 =	vsub.f32 v5, v4;
	v5 =	vld [tilespmem:s19+$0x720]  }
0x2fc: {  	v17 =	vmul.f32 v18, v3;
	v18 =	vmul.f32 v18, v19;
	v20 =	vld [tilespmem:s19+$0x760]  }
0x2fd: {  	v4 =	vadd.f32 $0.0e+00, v4;
	v19 =	vmul.f32 v13, v19;
	v3 =	vmul.f32 v13, v3;
	v13 =	vld [tilespmem:s19+$0x10720]  }
0x2fe: {  	v7 =	vmul.f32 v7, v9;
	v9 =	vld [tilespmem:s19+$0x10760]  }
0x2ff: {  	v21 =	vld [tilespmem:s19+$0x4610];
	v17 =	vadd.f32 v19, v17;
	v18 =	vsub.f32 v3, v18;
	v2 =	vmul.f32 v16, v2  }
0x300: {  	v3 =	vld [tilespmem:s19+$0x4650]  }
0x301: {  	v16 =	vld [tilespmem:s19+$0x630];
	v2 =	vsub.f32 v7, v2  }
0x302: {  	v7 =	vld [tilespmem:s19+$0x670];
	v19 =	vmul.f32 v13, v5;
	v13 =	vmul.f32 v13, v20  }
0x303: {  	v22 =	vld [tilespmem:s19+$0x10630];
	v23 =	vadd.f32 $0.0e+00, v2;
	v2 =	vmul.f32 v9, v20;
	v5 =	vmul.f32 v9, v5  }
0x304: {  	v8 =	vmul.f32 v8, v21;
	v9 =	vld [tilespmem:s19+$0x10670]  }
0x305: {  	v0 =	vmul.f32 v3, v0;
	v3 =	vld [tilespmem:s19+$0x4690];
	v19 =	vadd.f32 v2, v19;
	v13 =	vsub.f32 v5, v13  }
0x306: {  	v2 =	vld [tilespmem:s19+$0x46D0]  }
0x307: {  	v0 =	vsub.f32 v8, v0;
	v5 =	vld [tilespmem:s19+$0x6B0]  }
0x308: {  	v8 =	vmul.f32 v22, v16;
	v20 =	vmul.f32 v22, v7;
	v21 =	vld [tilespmem:s19+$0x6F0]  }
0x309: {  	v22 =	vadd.f32 v0, v1;
	v0 =	vmul.f32 v9, v7;
	v7 =	vmul.f32 v9, v16;
	v9 =	vld [tilespmem:s19+$0x106B0]  }
0x30a: {  	v3 =	vmul.f32 v10, v3;
	v10 =	vld [tilespmem:s19+$0x106F0]  }
0x30b: {  	v1 =	vadd.f32 v0, v8;
	v0 =	vsub.f32 v7, v20;
	v2 =	vmul.f32 v2, v11;
	v7 =	vld [tilespmem:s19+$0x4710]  }
0x30c: {  	v8 =	vld [tilespmem:s19+$0x4750]  }
0x30d: {  	v2 =	vsub.f32 v3, v2;
	v11 =	vld [tilespmem:s19+$0x730]  }
0x30e: {  	v3 =	vmul.f32 v9, v5;
	v9 =	vmul.f32 v9, v21;
	v16 =	vld [tilespmem:s19+$0x770]  }
0x30f: {  	v2 =	vadd.f32 v2, v4;
	v4 =	vmul.f32 v10, v21;
	v5 =	vmul.f32 v10, v5;
	v10 =	vld [tilespmem:s19+$0x10730]  }
0x310: {  	v7 =	vmul.f32 v14, v7;
	v14 =	vld [tilespmem:s19+$0x10770]  }
0x311: {  	v20 =	vld [tilespmem:s19+$0x4620];
	v3 =	vadd.f32 v4, v3;
	v4 =	vsub.f32 v5, v9;
	v5 =	vmul.f32 v8, v6  }
0x312: {  	v6 =	vld [tilespmem:s19+$0x4660]  }
0x313: {  	v8 =	vld [tilespmem:s19+$0x46A0];
	v5 =	vsub.f32 v7, v5  }
0x314: {  	v21 =	vld [tilespmem:s19+$0x46E0];
	v7 =	vmul.f32 v10, v11;
	v10 =	vmul.f32 v10, v16  }
0x315: {  	v5 =	vadd.f32 v5, v23;
	v23 =	vld [tilespmem:s19+$0x4720];
	v16 =	vmul.f32 v14, v16;
	v11 =	vmul.f32 v14, v11  }
0x316: {  	v12 =	vmul.f32 v12, v20;
	v20 =	vld [tilespmem:s19+$0x4760]  }
.Ltmp2:
0x317: {  	v14 =	vmul.f32 v6, v15;
	v9 =	vld [tilespmem:s19+$0x4630];
	v7 =	vadd.f32 v16, v7;
	v6 =	vsub.f32 v11, v10;
	(pc) =	sbr.rel @p0 .LBB2_6-.Ltmp2, $4  }
0x318: {  	v10 =	vld [tilespmem:s19+$0x4670];
	v15 =	vmul.f32 v17, v8  }
0x319: {  	v8 =	vsub.f32 v12, v14;
	v16 =	vmul.f32 v21, v18;
	v11 =	vld [tilespmem:s19+$0x46B0]  }
0x31a: {  	v12 =	vld [tilespmem:s19+$0x46F0];
	v14 =	vmul.f32 v19, v23  }
0x31b: {  	s20 =	sadd.s32 $0x800, s20;
	v8 =	vadd.f32 v8, v22;
	v15 =	vsub.f32 v15, v16;
	v16 =	vmul.f32 v20, v13;
	v13 =	vld [tilespmem:s19+$0x4730]  }
0x31c: {  	v17 =	vld [tilespmem:s19+$0x4770];
	_ =	sdelay $0x2  }
0x31d: {  	v1 =	vmul.f32 v1, v9;
	v0 =	vmul.f32 v10, v0;
	v2 =	vadd.f32 v15, v2  }
0x31e: {  	v9 =	vsub.f32 v14, v16;
	v3 =	vmul.f32 v3, v11;
	v4 =	vmul.f32 v12, v4  }
0x31f: {  	v0 =	vsub.f32 v1, v0;
	v1 =	vmul.f32 v7, v13;
	v6 =	vmul.f32 v17, v6  }
0x320: {  	v5 =	vadd.f32 v9, v5;
	v3 =	vsub.f32 v3, v4  }
0x321: {  	v0 =	vadd.f32 v0, v8;
	v1 =	vsub.f32 v1, v6  }
0x322: {  	v2 =	vadd.f32 v3, v2  }
0x323: {  	(xrf2) =	vadd.scan.msk.f32 $0xffff, v0;
	v0 =	vadd.f32 v1, v5  }
0x324: {  	(xrf2) =	vadd.scan.msk.f32 $0xffff, v2  }
0x325: {  	s21 =	sadd.s32 $0x104, s30;
	(xrf2) =	vadd.scan.msk.f32 $0xffff, v0  }
0x326: {  	s22 =	sadd.s32 $0x105, s30;
	v0 =	vmov s21  }
0x327: {  	s20 =	sadd.s32 $0x106, s30;
	v1 =	vmov s22;
	v0 =	vand.u32 $0xFFFFFFFC, v0  }
0x328: {  	v2 =	vmov s20;
	v1 =	vand.u32 $0xFFFFFFFD, v1;
	v0 =	vbroadcast v0, $0x0  }
0x329: {  	v2 =	vand.u32 $0xFFFFFFFE, v2;
	v1 =	vbroadcast v1, $0x0  }
0x32a: {  	v2 =	vbroadcast v2, $0x0;
	_ =	sdelay $0x2  }
0x32b: {  	v3, _, _ =	vpop (xrf2)  }
0x32c: {  	[tilespmem:v0+s0+$0x0] =	vst.idx.msk vm0, v3;
	v0, _, _ =	vpop (xrf2)  }
0x32d: {  	[tilespmem:v1+s0+$0x0] =	vst.idx.msk vm0, v0;
	v0, _, _ =	vpop (xrf2)  }
0x32e: {  	[tilespmem:v2+s0+$0x0] =	vst.idx.msk vm0, v0  }
0x32f: {  	_ =	swait.ge [sflag:s3], $0x8000  }
0x330: {  	[sflag:s3] =	ssyncset.done $0x0  }
0x331: {  	[sflag:s3] =	ssyncadd.s32 $0xFFFF8000  }
0x332: {  	_ =	swait.ge [sflag:s3], $0x4000  }
0x333: {  	[sflag:s3] =	ssyncset.done $0x0  }
0x334: {  	s19 =	simm.s32 $0x0;
	[sflag:s3] =	ssyncadd.s32 $0xFFFFC000  }
0x335: {  	v0 =	vld [tilespmem:s19+$0x87B0]  }
0x336: {  	v1 =	vld [tilespmem:s19+$0x87F0]  }
0x337: {  	v2 =	vld [tilespmem:s19+$0x147B0]  }
0x338: {  	v3 =	vld [tilespmem:s19+$0x147F0]  }
0x339: {  	v4 =	vld [tilespmem:s19+$0x87A0]  }
0x33a: {  	v5 =	vld [tilespmem:s19+$0x87E0]  }
0x33b: {  	v6 =	vld [tilespmem:s19+$0x147A0]  }
0x33c: {  	v7 =	vld [tilespmem:s19+$0x147E0]  }
0x33d: {  	v8 =	vld [tilespmem:s19+$0x8790]  }
0x33e: {  	v9 =	vld [tilespmem:s19+$0x14790]  }
0x33f: {  	v10 =	vld [tilespmem:s19+$0x8780]  }
0x340: {  	v11 =	vld [tilespmem:s19+$0x87C0]  }
0x341: {  	v12 =	vld [tilespmem:s19+$0x14780]  }
0x342: {  	v13 =	vld [tilespmem:s19+$0x147C0]  }
0x343: {  	v14 =	vld [tilespmem:s19+$0x87D0]  }
0x344: {  	v15 =	vld [tilespmem:s19+$0x147D0]  }
0x345: {  	v16 =	vld [tilespmem:s19+$0x8600]  }
0x346: {  	v17 =	vld [tilespmem:s19+$0xC780]  }
0x347: {  	v18 =	vld [tilespmem:s19+$0xC7C0]  }
0x348: {  	v19 =	vld [tilespmem:s19+$0xC790]  }
0x349: {  	v20 =	vld [tilespmem:s19+$0xC7D0]  }
0x34a: {  	v21 =	vld [tilespmem:s19+$0xC7A0]  }
0x34b: {  	v22 =	vld [tilespmem:s19+$0xC7E0]  }
0x34c: {  	v23 =	vld [tilespmem:s19+$0xC7B0]  }
0x34d: {  	v24 =	vld [tilespmem:s19+$0xC7F0]  }
0x34e: {  	v25 =	vld [tilespmem:s19+$0x8640]  }
0x34f: {  	v26 =	vld [tilespmem:s19+$0x14600]  }
0x350: {  	v27 =	vld [tilespmem:s19+$0x14640]  }
0x351: {  	v28 =	vld [tilespmem:s19+$0x8680]  }
0x352: {  	v29 =	vld [tilespmem:s19+$0x86C0]  }
0x353: {  	v30 =	vld [tilespmem:s19+$0x14680]  }
0x354: {  	v31 =	vld [tilespmem:s19+$0x146C0]  }
0x355: {  	v32 =	vld [tilespmem:s19+$0x8700]  }
0x356: {  	v33 =	vld [tilespmem:s19+$0x8740]  }
0x357: {  	v34 =	vld [tilespmem:s19+$0x14700]  }
0x358: {  	v35 =	vld [tilespmem:s19+$0x14740]  }
0x359: {  	v36 =	vld [tilespmem:s19+$0x8610]  }
0x35a: {  	v37 =	vld [tilespmem:s19+$0x8650]  }
0x35b: {  	v38 =	vld [tilespmem:s19+$0x14610]  }
0x35c: {  	v39 =	vld [tilespmem:s19+$0x14650]  }
0x35d: {  	v40 =	vld [tilespmem:s19+$0x8690]  }
0x35e: {  	v41 =	vld [tilespmem:s19+$0x86D0]  }
0x35f: {  	v42 =	vld [tilespmem:s19+$0x14690];
	v43 =	vmul.f32 v6, v4;
	v44 =	vmul.f32 v12, v10  }
0x360: {  	v45 =	vld [tilespmem:s19+$0x146D0];
	v46 =	vmul.f32 v13, v11;
	v10 =	vmul.f32 v13, v10  }
0x361: {  	v51 =	vld [tilespmem:s19+$0x8760];
	v47 =	vmul.f32 v9, v8;
	v11 =	vmul.f32 v12, v11  }
0x362: {  	v54 =	vld [tilespmem:s19+$0x14720];
	v8 =	vmul.f32 v15, v8;
	v15 =	vmul.f32 v15, v14  }
0x363: {  	v57 =	vld [tilespmem:s19+$0x14760];
	v9 =	vmul.f32 v9, v14;
	v4 =	vmul.f32 v7, v4  }
0x364: {  	v60 =	vld [tilespmem:s19+$0xC610];
	v7 =	vmul.f32 v7, v5;
	v5 =	vmul.f32 v6, v5  }
0x365: {  	v63 =	vld [tilespmem:s19+$0xC650];
	v48 =	vmul.f32 v31, v28;
	v49 =	vmul.f32 v34, v32  }
0x366: {  	v13 =	vld [tilespmem:s19+$0x8710];
	v50 =	vmul.f32 v35, v33;
	v52 =	vmul.f32 v34, v33  }
0x367: {  	v12 =	vld [tilespmem:s19+$0x8750];
	v53 =	vmul.f32 v35, v32;
	v55 =	vmul.f32 v38, v36  }
0x368: {  	v6 =	vld [tilespmem:s19+$0xC600];
	v56 =	vmul.f32 v39, v37;
	v58 =	vmul.f32 v38, v37  }
0x369: {  	v61 =	vmul.f32 v42, v40;
	v44 =	vadd.f32 v46, v44;
	v46 =	vld [tilespmem:s19+$0x14710];
	v10 =	vsub.f32 v10, v11  }
0x36a: {  	v62 =	vmul.f32 v45, v41;
	v11 =	vld [tilespmem:s19+$0x14750];
	v14 =	vadd.f32 v15, v47;
	v47 =	vmul.f32 v30, v29  }
0x36b: {  	v8 =	vsub.f32 v8, v9;
	v9 =	vld [tilespmem:s19+$0xC640];
	v15 =	vmul.f32 v44, v17;
	v10 =	vmul.f32 v18, v10  }
0x36c: {  	v4 =	vsub.f32 v4, v5;
	v17 =	vmul.f32 v2, v0;
	v0 =	vmul.f32 v3, v0;
	v18 =	vld [tilespmem:s19+$0x8620]  }
0x36d: {  	v3 =	vmul.f32 v3, v1;
	v1 =	vmul.f32 v2, v1;
	v2 =	vld [tilespmem:s19+$0x8660]  }
0x36e: {  	v41 =	vmul.f32 v42, v41;
	v7 =	vadd.f32 v7, v43;
	v4 =	vmul.f32 v22, v4;
	v22 =	vld [tilespmem:s19+$0xC740]  }
0x36f: {  	v42 =	vmul.f32 v45, v40;
	v8 =	vmul.f32 v20, v8;
	v20 =	vsub.f32 v48, v47;
	v47 =	vld [tilespmem:s19+$0x8670]  }
0x370: {  	v59 =	vmul.f32 v39, v36;
	v7 =	vmul.f32 v7, v21;
	v21 =	vadd.f32 v50, v49;
	v49 =	vld [tilespmem:s19+$0xC690]  }
0x371: {  	v44 =	vmul.f32 v31, v29;
	v29 =	vadd.f32 v62, v61;
	v31 =	vsub.f32 v42, v41;
	v62 =	vld [tilespmem:s19+$0xC660]  }
0x372: {  	v5 =	vsub.f32 v15, v10;
	v10 =	vmul.f32 v14, v19;
	v14 =	vld [tilespmem:s19+$0x14620];
	v3 =	vadd.f32 v3, v17  }
0x373: {  	v43 =	vmul.f32 v26, v25;
	v0 =	vsub.f32 v0, v1;
	v1 =	vld [tilespmem:s19+$0x14660];
	v4 =	vsub.f32 v7, v4  }
0x374: {  	v15 =	vld [tilespmem:s19+$0xC6C0];
	v17 =	vmul.f32 v27, v25;
	v5 =	vadd.f32 $0.0e+00, v5;
	v8 =	vsub.f32 v10, v8  }
0x375: {  	v7 =	vld [tilespmem:s19+$0x86A0];
	v25 =	vadd.f32 v56, v55;
	v45 =	vmul.f32 v11, v12;
	v12 =	vmul.f32 v46, v12  }
0x376: {  	v19 =	vld [tilespmem:s19+$0x146E0];
	v11 =	vmul.f32 v11, v13;
	v3 =	vmul.f32 v3, v23;
	v5 =	vadd.f32 v8, v5  }
0x377: {  	v10 =	vld [tilespmem:s19+$0xC680];
	v0 =	vmul.f32 v24, v0;
	v23 =	vsub.f32 v53, v52;
	v52 =	vmul.f32 v25, v60  }
0x378: {  	v24 =	vld [tilespmem:s19+$0x8720];
	v11 =	vsub.f32 v11, v12;
	v4 =	vadd.f32 v4, v5;
	v5 =	vmul.f32 v26, v16  }
0x379: {  	v0 =	vsub.f32 v3, v0;
	v3 =	vld [tilespmem:s19+$0x146A0];
	v12 =	vmul.f32 v14, v18;
	v16 =	vmul.f32 v27, v16  }
0x37a: {  	v8 =	vld [tilespmem:s19+$0x86E0];
	v48 =	vmul.f32 v1, v2;
	v5 =	vadd.f32 v17, v5;
	v17 =	vmul.f32 v30, v28  }
0x37b: {  	v2 =	vmul.f32 v14, v2;
	v0 =	vadd.f32 v0, v4;
	v4 =	vld [tilespmem:s19+$0xC700];
	v16 =	vsub.f32 v16, v43  }
0x37c: {  	v60 =	vld [tilespmem:s19+$0x14770];
	v1 =	vmul.f32 v1, v18;
	v14 =	vmul.f32 v15, v20;
	v17 =	vadd.f32 v44, v17  }
0x37d: {  	v15 =	vld [tilespmem:s19+$0x86B0];
	v27 =	vsub.f32 v59, v58;
	v5 =	vmul.f32 v5, v6;
	v6 =	vmul.f32 v9, v16  }
0x37e: {  	s24 =	simm.s32 $0x183;
	v18 =	vld [tilespmem:s19+$0x86F0];
	v10 =	vmul.f32 v17, v10;
	v17 =	vsub.f32 v1, v2;
	v1 =	vmul.f32 v3, v7  }
0x37f: {  	v58 =	vmov s24;
	v43 =	vld [tilespmem:s19+$0x8630];
	v2 =	vmul.f32 v19, v8;
	v3 =	vmul.f32 v3, v8  }
0x380: {  	v16 =	vld [tilespmem:s19+$0x14670];
	(xrf2) =	vadd.scan.msk.f32 $0xffff, v0;
	v5 =	vsub.f32 v5, v6;
	v7 =	vmul.f32 v19, v7;
	v0 =	vmul.f32 v21, v4  }
0x381: {  	v6 =	vld [tilespmem:s19+$0xC6D0];
	v10 =	vsub.f32 v10, v14;
	v14 =	vadd.f32 v2, v1;
	v1 =	vmul.f32 v22, v23  }
0x382: {  	v53 =	vmul.f32 v63, v27;
	v44 =	vmul.f32 v46, v13;
	v13 =	vld [tilespmem:s19+$0x14630];
	v7 =	vsub.f32 v7, v3  }
0x383: {  	v8 =	vld [tilespmem:s19+$0x146B0];
	v3 =	vmul.f32 v54, v51;
	v50 =	vsub.f32 v0, v1;
	v1 =	vmul.f32 v57, v24  }
0x384: {  	v19 =	vld [tilespmem:s19+$0xC710];
	v2 =	vmul.f32 v54, v24;
	v5 =	vadd.f32 $0.0e+00, v5;
	v0 =	vmul.f32 v57, v51  }
0x385: {  	v4 =	vld [tilespmem:s19+$0x146F0];
	v59 =	vmul.f32 v16, v47;
	v56 =	vsub.f32 v1, v3;
	v1 =	vsub.f32 v52, v53  }
0x386: {  	v51 =	vld [tilespmem:s19+$0xC750];
	v6 =	vmul.f32 v6, v31;
	v55 =	vadd.f32 v0, v2;
	v3 =	vmul.f32 v29, v49  }
0x387: {  	v54 =	vld [tilespmem:s19+$0x8730];
	v0 =	vmul.f32 v13, v43;
	v2 =	vmul.f32 v13, v47;
	v61 =	vadd.f32 v1, v5  }
0x388: {  	v57 =	vld [tilespmem:s19+$0x8770];
	v5 =	vadd.f32 $0.0e+00, v10;
	v10 =	vmul.f32 v16, v43;
	v3 =	vsub.f32 v3, v6  }
0x389: {  	v9 =	vadd.f32 v45, v44;
	v13 =	vld [tilespmem:s19+$0x14730];
	v1 =	vadd.f32 v59, v0;
	v6 =	vmul.f32 v8, v15  }
0x38a: {  	v16 =	vld [tilespmem:s19+$0xC620];
	v8 =	vmul.f32 v8, v18;
	v0 =	vsub.f32 v10, v2;
	v10 =	vmul.f32 v4, v18  }
0x38b: {  	v18 =	vld [tilespmem:s19+$0xC6A0];
	v2 =	vadd.f32 v3, v5;
	v5 =	vmul.f32 v9, v19;
	v9 =	vmul.f32 v51, v11  }
0x38c: {  	v12 =	vadd.f32 v48, v12;
	v11 =	vld [tilespmem:s19+$0xC6E0];
	v3, _, _ =	vpop (xrf2)  }
0x38d: {  	v19 =	vadd.f32 $0.0e+00, v50;
	v4 =	vmul.f32 v4, v15;
	v15 =	vld [tilespmem:s19+$0xC720];
	v5 =	vsub.f32 v5, v9;
	[tilespmem:v58+s0+$0x0] =	vst.idx.msk vm0, v3  }
0x38e: {  	v63 =	vld [tilespmem:s19+$0xC760];
	v3 =	vadd.f32 v10, v6;
	v6 =	vmul.f32 v13, v54;
	v13 =	vmul.f32 v13, v57  }
0x38f: {  	v4 =	vsub.f32 v4, v8;
	v9 =	vld [tilespmem:s19+$0xC630];
	v8 =	vmul.f32 v12, v16;
	v12 =	vmul.f32 v62, v17  }
0x390: {  	v16 =	vmul.f32 v60, v57;
	v17 =	vmul.f32 v60, v54;
	v10 =	vld [tilespmem:s19+$0xC670];
	v5 =	vadd.f32 v5, v19  }
0x391: {  	v18 =	vmul.f32 v14, v18;
	v8 =	vsub.f32 v8, v12;
	v19 =	vmul.f32 v11, v7;
	v11 =	vld [tilespmem:s19+$0xC6B0]  }
0x392: {  	v7 =	vadd.f32 v16, v6;
	v6 =	vsub.f32 v17, v13;
	v12 =	vld [tilespmem:s19+$0xC6F0];
	v14 =	vmul.f32 v55, v15  }
0x393: {  	s30 =	simm.s32 $0xFFFFFFFC;
	s20 =	simm.s32 $0x800;
	s21 =	simm.s32 $0x0;
	v16 =	vmul.f32 v63, v56;
	v13 =	vld [tilespmem:s19+$0xC730];
	v8 =	vadd.f32 v8, v61;
	v15 =	vsub.f32 v18, v19  }
.LBB2_8:
0x394: {  	v1 =	vmul.f32 v1, v9;
	v9 =	vld [tilespmem:s19+$0xC770];
	s19 =	sshra.s32 s20, $0x2  }
0x395: {  	v17 =	vld [tilespmem:s19+$0x87B0];
	v0 =	vmul.f32 v10, v0;
	v2 =	vadd.f32 v15, v2;
	v10 =	vsub.f32 v14, v16  }
0x396: {  	v14 =	vld [tilespmem:s19+$0x87F0];
	v3 =	vmul.f32 v3, v11  }
0x397: {  	v11 =	vld [tilespmem:s19+$0x147B0];
	v0 =	vsub.f32 v1, v0;
	v1 =	vmul.f32 v12, v4;
	v4 =	vadd.f32 v10, v5  }
0x398: {  	v5 =	vld [tilespmem:s19+$0x147F0];
	v7 =	vmul.f32 v7, v13  }
0x399: {  	v10 =	vld [tilespmem:s19+$0x87A0];
	v0 =	vadd.f32 v0, v8;
	v1 =	vsub.f32 v3, v1;
	v3 =	vmul.f32 v9, v6  }
0x39a: {  	v6 =	vld [tilespmem:s19+$0x87E0]  }
0x39b: {  	v8 =	vld [tilespmem:s19+$0x147A0];
	v1 =	vadd.f32 v1, v2;
	v2 =	vsub.f32 v7, v3;
	(xrf2) =	vadd.scan.msk.f32 $0xffff, v0  }
0x39c: {  	v0 =	vld [tilespmem:s19+$0x147E0]  }
0x39d: {  	s22 =	sadd.s32 $0x184, s30;
	v3 =	vld [tilespmem:s19+$0x8790];
	v2 =	vadd.f32 v2, v4  }
0x39e: {  	v7 =	vmov s22;
	v4 =	vld [tilespmem:s19+$0x14790];
	(xrf2) =	vadd.scan.msk.f32 $0xffff, v1  }
0x39f: {  	v7 =	vand.u32 $0xFFFFFFFC, v7;
	v1 =	vld [tilespmem:s19+$0x8780]  }
0x3a0: {  	s24 =	sadd.s32 $0x186, s30;
	s22 =	sadd.s32 $0x185, s30;
	s30 =	smov.u32 s21;
	v7 =	vbroadcast v7, $0x0;
	v9 =	vld [tilespmem:s19+$0x87C0]  }
0x3a1: {  	v15 =	vmov s24;
	v13 =	vmov s22;
	v12 =	vld [tilespmem:s19+$0x14780];
	(xrf2) =	vadd.scan.msk.f32 $0xffff, v2  }
0x3a2: {  	v15 =	vand.u32 $0xFFFFFFFE, v15;
	s21 =	sadd.s32 $0x4, s21;
	v13 =	vand.u32 $0xFFFFFFFD, v13;
	v2 =	vld [tilespmem:s19+$0x147C0]  }
0x3a3: {  	v15 =	vbroadcast v15, $0x0;
	p0 =	slt.u32 s21, $0x7C;
	v13 =	vbroadcast v13, $0x0;
	v16 =	vld [tilespmem:s19+$0x87D0]  }
0x3a4: {  	v19 =	vmul.f32 v11, v17;
	v20 =	vmul.f32 v5, v14;
	v18 =	vld [tilespmem:s19+$0x147D0]  }
0x3a5: {  	v5 =	vmul.f32 v5, v17;
	v22 =	vmul.f32 v8, v10;
	v21 =	vld [tilespmem:s19+$0x8600];
	v17, _, _ =	vpop (xrf2)  }
0x3a6: {  	v25 =	vmul.f32 v0, v6;
	v24 =	vmul.f32 v4, v3;
	v23 =	vld [tilespmem:s19+$0xC780];
	[tilespmem:v7+s0+$0x0] =	vst.idx.msk vm0, v17  }
0x3a7: {  	v17 =	vmul.f32 v12, v1;
	v7 =	vld [tilespmem:s19+$0xC7C0];
	v26 =	vmul.f32 v2, v9  }
0x3a8: {  	v1 =	vmul.f32 v2, v1;
	v2 =	vmul.f32 v12, v9;
	v9 =	vld [tilespmem:s19+$0xC790];
	v12, _, _ =	vpop (xrf2)  }
0x3a9: {  	v27 =	vld [tilespmem:s19+$0xC7D0];
	v28 =	vmul.f32 v18, v16;
	v3 =	vmul.f32 v18, v3;
	[tilespmem:v13+s0+$0x0] =	vst.idx.msk vm0, v12  }
0x3aa: {  	v12 =	vadd.f32 v26, v17;
	v1 =	vsub.f32 v1, v2;
	v2 =	vmul.f32 v4, v16;
	v4 =	vld [tilespmem:s19+$0xC7A0]  }
0x3ab: {  	v0 =	vmul.f32 v0, v10;
	v6 =	vmul.f32 v8, v6;
	v13 =	vadd.f32 v28, v24;
	v16 =	vld [tilespmem:s19+$0xC7E0];
	v8, _, _ =	vpop (xrf2)  }
0x3ac: {  	v10 =	vmul.f32 v12, v23;
	v2 =	vsub.f32 v3, v2;
	v1 =	vmul.f32 v7, v1;
	v3 =	vld [tilespmem:s19+$0xC7B0]  }
0x3ad: {  	v11 =	vmul.f32 v11, v14;
	v0 =	vsub.f32 v0, v6;
	v7 =	vadd.f32 v25, v22;
	v6 =	vld [tilespmem:s19+$0xC7F0]  }
0x3ae: {  	v9 =	vmul.f32 v13, v9;
	v12 =	vld [tilespmem:s19+$0x8640];
	v1 =	vsub.f32 v10, v1;
	v2 =	vmul.f32 v27, v2  }
0x3af: {  	v5 =	vsub.f32 v5, v11;
	v10 =	vld [tilespmem:s19+$0x14600];
	v4 =	vmul.f32 v7, v4;
	v7 =	vadd.f32 v20, v19  }
0x3b0: {  	v11 =	vld [tilespmem:s19+$0x14640];
	v1 =	vadd.f32 $0.0e+00, v1;
	v2 =	vsub.f32 v9, v2;
	v0 =	vmul.f32 v16, v0;
	[tilespmem:v15+s0+$0x0] =	vst.idx.msk vm0, v8  }
0x3b1: {  	v8 =	vld [tilespmem:s19+$0x8680];
	v3 =	vmul.f32 v7, v3  }
0x3b2: {  	v7 =	vld [tilespmem:s19+$0x86C0];
	v1 =	vadd.f32 v2, v1;
	v0 =	vsub.f32 v4, v0;
	v2 =	vmul.f32 v6, v5  }
0x3b3: {  	v4 =	vld [tilespmem:s19+$0x14680]  }
0x3b4: {  	v5 =	vmul.f32 v10, v21;
	v6 =	vld [tilespmem:s19+$0x146C0];
	v0 =	vadd.f32 v0, v1;
	v1 =	vsub.f32 v3, v2  }
0x3b5: {  	v2 =	vmul.f32 v11, v12;
	v3 =	vmul.f32 v11, v21;
	v9 =	vld [tilespmem:s19+$0x8700]  }
0x3b6: {  	v10 =	vmul.f32 v10, v12;
	v11 =	vld [tilespmem:s19+$0x8740];
	v0 =	vadd.f32 v1, v0  }
0x3b7: {  	v1 =	vadd.f32 v2, v5;
	v2 =	vld [tilespmem:s19+$0x14700]  }
0x3b8: {  	v3 =	vsub.f32 v3, v10;
	v5 =	vmul.f32 v4, v8;
	v4 =	vmul.f32 v4, v7;
	v10 =	vld [tilespmem:s19+$0x14740];
	(xrf2) =	vadd.scan.msk.f32 $0xffff, v0  }
0x3b9: {  	v0 =	vld [tilespmem:s19+$0x8610];
	v7 =	vmul.f32 v6, v7;
	v6 =	vmul.f32 v6, v8  }
0x3ba: {  	v8 =	vld [tilespmem:s19+$0x8650]  }
0x3bb: {  	v12 =	vld [tilespmem:s19+$0x14610];
	v5 =	vadd.f32 v7, v5;
	v4 =	vsub.f32 v6, v4  }
0x3bc: {  	v6 =	vld [tilespmem:s19+$0x14650];
	v7 =	vmul.f32 v2, v9;
	v2 =	vmul.f32 v2, v11  }
0x3bd: {  	s22 =	sadd.s32 $0x187, s30;
	v13 =	vld [tilespmem:s19+$0x8690];
	v11 =	vmul.f32 v10, v11;
	v9 =	vmul.f32 v10, v9  }
0x3be: {  	v14 =	vmov s22;
	v10 =	vld [tilespmem:s19+$0x86D0]  }
0x3bf: {  	v15 =	vld [tilespmem:s19+$0x14690];
	v7 =	vadd.f32 v11, v7;
	v2 =	vsub.f32 v9, v2  }
0x3c0: {  	v9 =	vmul.f32 v12, v0;
	v11 =	vmul.f32 v12, v8;
	v12 =	vld [tilespmem:s19+$0x146D0]  }
0x3c1: {  	v8 =	vmul.f32 v6, v8;
	v0 =	vmul.f32 v6, v0;
	v6 =	vld [tilespmem:s19+$0x8710]  }
0x3c2: {  	v16 =	vld [tilespmem:s19+$0x8750];
	v17, _, _ =	vpop (xrf2)  }
0x3c3: {  	v8 =	vadd.f32 v8, v9;
	v0 =	vsub.f32 v0, v11;
	v9 =	vld [tilespmem:s19+$0x14710];
	[tilespmem:v14+s0+$0x0] =	vst.idx.msk vm0, v17  }
0x3c4: {  	v11 =	vmul.f32 v15, v13;
	v14 =	vmul.f32 v15, v10;
	v15 =	vld [tilespmem:s19+$0x14750]  }
0x3c5: {  	v17 =	vld [tilespmem:s19+$0xC600];
	v10 =	vmul.f32 v12, v10;
	v12 =	vmul.f32 v12, v13  }
0x3c6: {  	v13 =	vld [tilespmem:s19+$0xC640]  }
0x3c7: {  	v18 =	vld [tilespmem:s19+$0x8620];
	v10 =	vadd.f32 v10, v11;
	v11 =	vsub.f32 v12, v14  }
0x3c8: {  	v12 =	vld [tilespmem:s19+$0x8660];
	v14 =	vmul.f32 v9, v6;
	v9 =	vmul.f32 v9, v16  }
0x3c9: {  	v19 =	vld [tilespmem:s19+$0x14620];
	v16 =	vmul.f32 v15, v16;
	v6 =	vmul.f32 v15, v6  }
0x3ca: {  	v1 =	vmul.f32 v1, v17;
	v15 =	vld [tilespmem:s19+$0x14660]  }
0x3cb: {  	v3 =	vmul.f32 v13, v3;
	v13 =	vld [tilespmem:s19+$0xC680];
	v14 =	vadd.f32 v16, v14;
	v6 =	vsub.f32 v6, v9  }
0x3cc: {  	v9 =	vld [tilespmem:s19+$0xC6C0]  }
0x3cd: {  	v1 =	vsub.f32 v1, v3;
	v3 =	vld [tilespmem:s19+$0x86A0]  }
0x3ce: {  	v16 =	vmul.f32 v19, v18;
	v17 =	vmul.f32 v19, v12;
	v19 =	vld [tilespmem:s19+$0x86E0]  }
0x3cf: {  	v1 =	vadd.f32 $0.0e+00, v1;
	v12 =	vmul.f32 v15, v12;
	v15 =	vmul.f32 v15, v18;
	v18 =	vld [tilespmem:s19+$0x146A0]  }
0x3d0: {  	v5 =	vmul.f32 v5, v13;
	v13 =	vld [tilespmem:s19+$0x146E0]  }
0x3d1: {  	v12 =	vadd.f32 v12, v16;
	v15 =	vsub.f32 v15, v17;
	v4 =	vmul.f32 v9, v4;
	v9 =	vld [tilespmem:s19+$0xC700]  }
0x3d2: {  	v16 =	vld [tilespmem:s19+$0xC740]  }
0x3d3: {  	v4 =	vsub.f32 v5, v4;
	v5 =	vld [tilespmem:s19+$0x8720]  }
0x3d4: {  	v17 =	vmul.f32 v18, v3;
	v18 =	vmul.f32 v18, v19;
	v20 =	vld [tilespmem:s19+$0x8760]  }
0x3d5: {  	v4 =	vadd.f32 $0.0e+00, v4;
	v19 =	vmul.f32 v13, v19;
	v3 =	vmul.f32 v13, v3;
	v13 =	vld [tilespmem:s19+$0x14720]  }
0x3d6: {  	v7 =	vmul.f32 v7, v9;
	v9 =	vld [tilespmem:s19+$0x14760]  }
0x3d7: {  	v21 =	vld [tilespmem:s19+$0xC610];
	v17 =	vadd.f32 v19, v17;
	v18 =	vsub.f32 v3, v18;
	v2 =	vmul.f32 v16, v2  }
0x3d8: {  	v3 =	vld [tilespmem:s19+$0xC650]  }
0x3d9: {  	v16 =	vld [tilespmem:s19+$0x8630];
	v2 =	vsub.f32 v7, v2  }
0x3da: {  	v7 =	vld [tilespmem:s19+$0x8670];
	v19 =	vmul.f32 v13, v5;
	v13 =	vmul.f32 v13, v20  }
0x3db: {  	v22 =	vld [tilespmem:s19+$0x14630];
	v23 =	vadd.f32 $0.0e+00, v2;
	v2 =	vmul.f32 v9, v20;
	v5 =	vmul.f32 v9, v5  }
0x3dc: {  	v8 =	vmul.f32 v8, v21;
	v9 =	vld [tilespmem:s19+$0x14670]  }
0x3dd: {  	v0 =	vmul.f32 v3, v0;
	v3 =	vld [tilespmem:s19+$0xC690];
	v19 =	vadd.f32 v2, v19;
	v13 =	vsub.f32 v5, v13  }
0x3de: {  	v2 =	vld [tilespmem:s19+$0xC6D0]  }
0x3df: {  	v0 =	vsub.f32 v8, v0;
	v5 =	vld [tilespmem:s19+$0x86B0]  }
0x3e0: {  	v8 =	vmul.f32 v22, v16;
	v20 =	vmul.f32 v22, v7;
	v21 =	vld [tilespmem:s19+$0x86F0]  }
0x3e1: {  	v22 =	vadd.f32 v0, v1;
	v0 =	vmul.f32 v9, v7;
	v7 =	vmul.f32 v9, v16;
	v9 =	vld [tilespmem:s19+$0x146B0]  }
0x3e2: {  	v3 =	vmul.f32 v10, v3;
	v10 =	vld [tilespmem:s19+$0x146F0]  }
0x3e3: {  	v1 =	vadd.f32 v0, v8;
	v0 =	vsub.f32 v7, v20;
	v2 =	vmul.f32 v2, v11;
	v7 =	vld [tilespmem:s19+$0xC710]  }
0x3e4: {  	v8 =	vld [tilespmem:s19+$0xC750]  }
0x3e5: {  	v2 =	vsub.f32 v3, v2;
	v11 =	vld [tilespmem:s19+$0x8730]  }
0x3e6: {  	v3 =	vmul.f32 v9, v5;
	v9 =	vmul.f32 v9, v21;
	v16 =	vld [tilespmem:s19+$0x8770]  }
0x3e7: {  	v2 =	vadd.f32 v2, v4;
	v4 =	vmul.f32 v10, v21;
	v5 =	vmul.f32 v10, v5;
	v10 =	vld [tilespmem:s19+$0x14730]  }
0x3e8: {  	v7 =	vmul.f32 v14, v7;
	v14 =	vld [tilespmem:s19+$0x14770]  }
0x3e9: {  	v20 =	vld [tilespmem:s19+$0xC620];
	v3 =	vadd.f32 v4, v3;
	v4 =	vsub.f32 v5, v9;
	v5 =	vmul.f32 v8, v6  }
0x3ea: {  	v6 =	vld [tilespmem:s19+$0xC660]  }
0x3eb: {  	v8 =	vld [tilespmem:s19+$0xC6A0];
	v5 =	vsub.f32 v7, v5  }
0x3ec: {  	v21 =	vld [tilespmem:s19+$0xC6E0];
	v7 =	vmul.f32 v10, v11;
	v10 =	vmul.f32 v10, v16  }
0x3ed: {  	v5 =	vadd.f32 v5, v23;
	v23 =	vld [tilespmem:s19+$0xC720];
	v16 =	vmul.f32 v14, v16;
	v11 =	vmul.f32 v14, v11  }
0x3ee: {  	v12 =	vmul.f32 v12, v20;
	v20 =	vld [tilespmem:s19+$0xC760]  }
.Ltmp3:
0x3ef: {  	v14 =	vmul.f32 v6, v15;
	v9 =	vld [tilespmem:s19+$0xC630];
	v7 =	vadd.f32 v16, v7;
	v6 =	vsub.f32 v11, v10;
	(pc) =	sbr.rel @p0 .LBB2_8-.Ltmp3, $4  }
0x3f0: {  	v10 =	vld [tilespmem:s19+$0xC670];
	v15 =	vmul.f32 v17, v8  }
0x3f1: {  	v8 =	vsub.f32 v12, v14;
	v16 =	vmul.f32 v21, v18;
	v11 =	vld [tilespmem:s19+$0xC6B0]  }
0x3f2: {  	v12 =	vld [tilespmem:s19+$0xC6F0];
	v14 =	vmul.f32 v19, v23  }
0x3f3: {  	s20 =	sadd.s32 $0x800, s20;
	v8 =	vadd.f32 v8, v22;
	v15 =	vsub.f32 v15, v16;
	v16 =	vmul.f32 v20, v13;
	v13 =	vld [tilespmem:s19+$0xC730]  }
0x3f4: {  	v17 =	vld [tilespmem:s19+$0xC770];
	_ =	sdelay $0x2  }
0x3f5: {  	v1 =	vmul.f32 v1, v9;
	v0 =	vmul.f32 v10, v0;
	v2 =	vadd.f32 v15, v2  }
0x3f6: {  	v55 =	vsub.f32 v14, v16;
	v3 =	vmul.f32 v3, v11;
	v4 =	vmul.f32 v12, v4  }
0x3f7: {  	v0 =	vsub.f32 v1, v0;
	v56 =	vmul.f32 v7, v13;
	v6 =	vmul.f32 v17, v6  }
0x3f8: {  	v5 =	vadd.f32 v55, v5;
	v3 =	vsub.f32 v3, v4  }
0x3f9: {  	v0 =	vadd.f32 v0, v8;
	v1 =	vsub.f32 v56, v6  }
0x3fa: {  	v2 =	vadd.f32 v3, v2  }
0x3fb: {  	(xrf2) =	vadd.scan.msk.f32 $0xffff, v0;
	v57 =	vadd.f32 v1, v5  }
0x3fc: {  	(xrf2) =	vadd.scan.msk.f32 $0xffff, v2  }
0x3fd: {  	s22 =	sadd.s32 $0x184, s30;
	(xrf2) =	vadd.scan.msk.f32 $0xffff, v57  }
0x3fe: {  	s24 =	sadd.s32 $0x185, s30;
	v58 =	vmov s22  }
0x3ff: {  	s20 =	sadd.s32 $0x186, s30;
	v59 =	vmov s24;
	v0 =	vand.u32 $0xFFFFFFFC, v58  }
0x400: {  	v60 =	vmov s20;
	v0 =	vbroadcast v0, $0x0;
	v1 =	vand.u32 $0xFFFFFFFD, v59  }
0x401: {  	v2 =	vand.u32 $0xFFFFFFFE, v60;
	v1 =	vbroadcast v1, $0x0  }
0x402: {  	v2 =	vbroadcast v2, $0x0;
	_ =	sdelay $0x2  }
0x403: {  	v61, _, _ =	vpop (xrf2)  }
0x404: {  	s23 =	sadd.s32 $0x1, s23;
	[tilespmem:v0+s0+$0x0] =	vst.idx.msk vm0, v61;
	v62, _, _ =	vpop (xrf2)  }
0x405: {  	p0 =	sne.s32 s23, s15;
	[tilespmem:v1+s0+$0x0] =	vst.idx.msk vm0, v62;
	v63, _, _ =	vpop (xrf2)  }
.Ltmp4:
0x406: {  	[tilespmem:v2+s0+$0x0] =	vst.idx.msk vm0, v63;
	(pc) =	sbr.rel @p0 .LBB2_1-.Ltmp4, $4  }
0x407: {  	[hbm4b:s14+s4] =	stream.linear.scatter [tilespmem:s0], [sflag:$0x3], $0x200, $0x38;
	[tilespmem:$0x18800] =	vst v63  }
0x408: {  	_ =	swait.ge [sflag:s16], $0x200  }
0x409: {  	[sflag:s16] =	ssyncset.done $0x0  }
0x40a: {  	[sflag:s16] =	ssyncadd.s32 $0xFFFFFE00  }
0x40b: {  	_ =	sfence.sel $0x180000  }
0x40c: {  	[bflag:$0x0] =	sbarrier.arrive $0xFFFF  }
0x40d: {  	_ =	strace $0x90000047  }
0x40e: {  	s0 =	stileid.u32;
	[bflag:$0x2] =	sbarrier.arrive $0xFFFF  }
0x40f: {  	p0 =	sne.s32 s0, $0x0;
	s0 =	rddreg [dreg:$0x6]  }
0x410: {  	s0 =	sadd.s32 @!p0 $0x100000, s0  }
0x411: {  	[sflag:s0] =	ssyncadd.tile.s32 @!p0 $0x1;
	_ =	shalt  }
.Lfunc_end2:
_tile_overlayer_lowered:
.L_overlay_start_2:
0x412: {  	(tag) =	ssettag $0x2  }
0x413: {  	s0 =	rddreg [dreg:$0x0];
	s2 =	stileid.u32  }
0x414: {  	s1 =	rddreg [dreg:$0x1];
	p0 =	sne.s32 s2, $0x0  }
0x415: {  	s3 =	rddreg [dreg:$0x2];
	[bflag:$0x3] =	sbarrier.arrive $0xFFFF;
	s2 =	simm.s32 @!p0 $0x1C03  }
0x416: {  	[timem:s3], [sflag:s2] =	dma.local @!p0 [hbm:s0], s1  }
0x417: {  	s0 =	simm.s32 @!p0 $0x3  }
0x418: {  	_ =	swait.ge @!p0 [sflag:s0], s1  }
0x419: {  	s1 =	ssub.s32 @!p0 $0x0, s1;
	[sflag:s0] =	ssyncset.done @!p0 $0x0  }
0x41a: {  	[sflag:s0] =	ssyncadd.s32 @!p0 s1  }
0x41b: {  	[bflag:$0x3] =	sbarrier.arrive $0xFFFF  }
0x41c: {  	_ =	shalt  }

</sc_bundles>
